<compile_context>
chip_gen: v7x
topology: tpu7x:2x2x1
jax: 0.10.2.dev20260603
libtpu: 0.0.44.dev20260713+nightly
codegen_flags: <defaults>
</compile_context>

<pallas_src>
import functools

import jax
import jax.numpy as jnp
from jax import lax
from jax.experimental import pallas as pl
from jax.experimental.pallas import tpu as pltpu
from jax.experimental.pallas import tpu_sc as plsc

B = 16384
D = 128
NC = 2
NS = 16
L = 16
NW = NC * NS
BPW = B // NW
NG = BPW // L
R = 4
SKEW = 17
def _mf_body(uid_hbm, iid_hbm, ue_hbm, ie_hbm, ub_hbm, ib_hbm, out_hbm,
             uidx_v, iidx_v, ue_r, ie_r, ub_r, ib_r, out_v, pscr_v, *sems):
    wid = lax.axis_index("s") * NC + lax.axis_index("c")
    base = wid * BPW

    pltpu.sync_copy(uid_hbm.at[pl.ds(base, BPW)], uidx_v)
    pltpu.sync_copy(iid_hbm.at[pl.ds(base, BPW)], iidx_v)

    lane = lax.iota(jnp.int32, L)
    lane_skew = lane * SKEW
    tcol = [lane_skew + j for j in range(L)]

    def issue(g, slot):
        uix = uidx_v[pl.ds(g * L, L)]
        iix = iidx_v[pl.ds(g * L, L)]
        pltpu.async_copy(ue_hbm.at[uix], ue_r.at[slot], sems[slot])
        pltpu.async_copy(ie_hbm.at[iix], ie_r.at[slot], sems[slot])
        pltpu.async_copy(ub_hbm.at[uix], ub_r.at[slot], sems[slot])
        pltpu.async_copy(ib_hbm.at[iix], ib_r.at[slot], sems[slot])

    for b in range(R):
        issue(jnp.int32(b), b)

    def outer(i, carry):
        g0 = i * R
        for b in range(R):
            g = g0 + b
            pltpu.make_async_copy(
                ue_hbm.at[pl.ds(0, L)], ue_r.at[b], sems[b]).wait()
            pltpu.make_async_copy(
                ie_hbm.at[pl.ds(0, L)], ie_r.at[b], sems[b]).wait()
            pltpu.make_async_copy(
                ub_hbm.at[pl.ds(0, L)], ub_r.at[b], sems[b]).wait()
            pltpu.make_async_copy(
                ib_hbm.at[pl.ds(0, L)], ib_r.at[b], sems[b]).wait()

            ue_s = ue_r.at[b]
            ie_s = ie_r.at[b]

            def ex_body(e, carry):
                for s in range(2):
                    ee = e * 2 + s
                    ts = []
                    for k in range(D // L):
                        u = ue_s[ee, pl.ds(k * L, L)]
                        v = ie_s[ee, pl.ds(k * L, L)]
                        ts.append(u * v)
                    while len(ts) > 1:
                        ts = [a + c for a, c in
                              zip(ts[::2], ts[1::2])]
                    pscr_v[pl.ds(ee * SKEW, L)] = ts[0]
                return carry

            lax.fori_loop(0, L // 2, ex_body, 0)

            gs = [plsc.load_gather(pscr_v, [tcol[j]]) for j in range(L)]
            while len(gs) > 1:
                gs = [a + c for a, c in zip(gs[::2], gs[1::2])]
            acc = gs[0] + ub_r[b, :] + ib_r[b, :]
            out_v[pl.ds(g * L, L)] = 1.0 / (1.0 + jnp.exp(-acc))

            @pl.when(g + R < NG)
            def _():
                issue(g + R, b)
        return carry

    lax.fori_loop(0, NG // R, outer, 0)
    pltpu.sync_copy(out_v, out_hbm.at[pl.ds(base, BPW)])


@jax.jit
def _mf_sc(uid, iid, ue, ie, ub, ib):
    mesh = plsc.VectorSubcoreMesh(core_axis_name="c", subcore_axis_name="s")
    fn = functools.partial(
        pl.kernel,
        mesh=mesh,
        out_type=jax.ShapeDtypeStruct((B,), jnp.float32),
        scratch_types=[
            pltpu.VMEM((BPW,), jnp.int32),
            pltpu.VMEM((BPW,), jnp.int32),
            pltpu.VMEM((R, L, D), jnp.float32),
            pltpu.VMEM((R, L, D), jnp.float32),
            pltpu.VMEM((R, L), jnp.float32),
            pltpu.VMEM((R, L), jnp.float32),
            pltpu.VMEM((BPW,), jnp.float32),
            pltpu.VMEM((L * SKEW,), jnp.float32),
        ] + [pltpu.SemaphoreType.DMA] * R,
        compiler_params=pltpu.CompilerParams(needs_layout_passes=False),
    )(_mf_body)
    return fn(uid, iid, ue, ie, ub, ib)


def kernel(user_ids, item_ids, dummy_a, dummy_b, user_emb, item_emb,
           user_bias, item_bias):
    uid = user_ids.astype(jnp.int32)
    iid = item_ids.astype(jnp.int32)
    return _mf_sc(uid, iid, user_emb, item_emb,
                  user_bias.reshape(-1), item_bias.reshape(-1))

# --- scband reference (transcript-rebuilt; emitter-appended) ---
"""Pipeline reference for scband-matrix-factorization-33956011442643 (READ-ONLY COPY).

The authoritative reference and input builder live on the scoring server;
editing this copy changes nothing except your own understanding.
"""

import jax, jax.numpy as jnp
import numpy as np

B = 16384
D = 128
N_USERS = 100000
N_ITEMS = 100000

def setup_inputs(seed: int = 0) -> dict:
    key = jax.random.key(seed)
    k1, k2, k3, k4, k5, k6 = jax.random.split(key, 6)
    user_ids = jax.random.randint(k1, (B,), 0, N_USERS, dtype=jnp.int64) if jax.config.jax_enable_x64 else jax.random.randint(k1, (B,), 0, N_USERS, dtype=jnp.int32)
    item_ids = jax.random.randint(k2, (B,), 0, N_ITEMS, dtype=user_ids.dtype)
    dummy_a = jnp.zeros((B,), dtype=jnp.float32)
    dummy_b = jnp.zeros((B,), dtype=jnp.float32)
    user_emb = jax.random.normal(k3, (N_USERS + 1, D), dtype=jnp.float32) * 0.02
    item_emb = jax.random.normal(k4, (N_ITEMS + 1, D), dtype=jnp.float32) * 0.02
    user_bias = jax.random.normal(k5, (N_USERS + 1, 1), dtype=jnp.float32) * 0.02
    item_bias = jax.random.normal(k6, (N_ITEMS + 1, 1), dtype=jnp.float32) * 0.02
    # padding_idx=0 rows are zero
    user_emb = user_emb.at[0].set(0.0)
    item_emb = item_emb.at[0].set(0.0)
    user_bias = user_bias.at[0].set(0.0)
    item_bias = item_bias.at[0].set(0.0)
    return {"user_ids": user_ids, "item_ids": item_ids, "dummy_a": dummy_a, "dummy_b": dummy_b,
            "user_emb": user_emb, "item_emb": item_emb, "user_bias": user_bias, "item_bias": item_bias}

def reference(user_ids, item_ids, dummy_a, dummy_b, user_emb, item_emb, user_bias, item_bias):
    ue = jnp.take(user_emb, user_ids, axis=0)          # [B, D]
    ie = jnp.take(item_emb, item_ids, axis=0)          # [B, D]
    x = jnp.sum(ue * ie, axis=-1)                       # [B]
    ub = jnp.take(user_bias, user_ids, axis=0).squeeze(-1)
    ib = jnp.take(item_bias, item_ids, axis=0).squeeze(-1)
    x = x + ub + ib
    return jax.nn.sigmoid(x)

if __name__ == "__main__":
    import jax
    _d = setup_inputs()
    print(jax.jit(kernel)(*tuple(_d.values())))

</pallas_src>

<mosaic_0001>
#map = affine_map<(d0, d1) -> (0)>
#map1 = affine_map<(d0, d1) -> (0, 0)>
module attributes {stable_mosaic.version = 14 : i64} {
  func.func @_mf_body(%arg0: i32, %arg1: i32, %arg2: memref<16384xi32, #tpu.memory_space<hbm>>, %arg3: memref<16384xi32, #tpu.memory_space<hbm>>, %arg4: memref<100001x128xf32, #tpu.memory_space<hbm>>, %arg5: memref<100001x128xf32, #tpu.memory_space<hbm>>, %arg6: memref<100001xf32, #tpu.memory_space<hbm>>, %arg7: memref<100001xf32, #tpu.memory_space<hbm>>, %arg8: memref<16384xf32, #tpu.memory_space<hbm>>, %arg9: memref<512xi32, #tpu.memory_space<vmem>>, %arg10: memref<512xi32, #tpu.memory_space<vmem>>, %arg11: memref<4x16x128xf32, #tpu.memory_space<vmem>>, %arg12: memref<4x16x128xf32, #tpu.memory_space<vmem>>, %arg13: memref<4x16xf32, #tpu.memory_space<vmem>>, %arg14: memref<4x16xf32, #tpu.memory_space<vmem>>, %arg15: memref<512xf32, #tpu.memory_space<vmem>>, %arg16: memref<272xf32, #tpu.memory_space<vmem>>, %arg17: memref<!tpu.dma_semaphore, #tpu.memory_space<semaphore_mem>>, %arg18: memref<!tpu.dma_semaphore, #tpu.memory_space<semaphore_mem>>, %arg19: memref<!tpu.dma_semaphore, #tpu.memory_space<semaphore_mem>>, %arg20: memref<!tpu.dma_semaphore, #tpu.memory_space<semaphore_mem>>) attributes {dimension_semantics = [#tpu.dimension_semantics<core_parallel>, #tpu.dimension_semantics<subcore_parallel>], iteration_bounds = array<i64: 2, 16>, scalar_prefetch = 0 : i64, scratch_operands = 12 : i64, tpu.core_type = #tpu.core_type<sc_vector_subcore>, window_params = [{transform_indices = #map}, {transform_indices = #map}, {transform_indices = #map1}, {transform_indices = #map1}, {transform_indices = #map}, {transform_indices = #map}, {transform_indices = #map}]} {
    %mul3A = arith.constant 2 : i32
    %mul3A_0 = arith.muli %arg1, %mul3A : i32
    %add3A = arith.addi %mul3A_0, %arg0 : i32
    %mul3A_1 = arith.constant 512 : i32
    %mul3A_2 = arith.muli %add3A, %mul3A_1 : i32
    "tpu.region"() ({
      %run_scoped3A = tpu.sem_alloc : memref<!tpu.dma_semaphore, #tpu.memory_space<semaphore_mem>>
      %dma_start3A_209 = tpu.memref_slice %arg2[%mul3A_2] : memref<16384xi32, #tpu.memory_space<hbm>> -> memref<512xi32, #tpu.memory_space<hbm>>
      %dma_start3A_210 = tpu.memref_slice %arg2[%mul3A_2] : memref<16384xi32, #tpu.memory_space<hbm>> -> memref<512xi32, #tpu.memory_space<hbm>>
      tpu.enqueue_dma source(%dma_start3A_210 : memref<512xi32, #tpu.memory_space<hbm>>) target(%arg9 : memref<512xi32, #tpu.memory_space<vmem>>) target_semaphore(%run_scoped3A : memref<!tpu.dma_semaphore, #tpu.memory_space<semaphore_mem>>)
      %dma_wait3A = tpu.memref_slice %arg2[%mul3A_2] : memref<16384xi32, #tpu.memory_space<hbm>> -> memref<512xi32, #tpu.memory_space<hbm>>
      %dma_wait3A_211 = tpu.memref_slice %arg2[%mul3A_2] : memref<16384xi32, #tpu.memory_space<hbm>> -> memref<512xi32, #tpu.memory_space<hbm>>
      tpu.wait_dma2 semaphore(%run_scoped3A : memref<!tpu.dma_semaphore, #tpu.memory_space<semaphore_mem>>) src(%dma_wait3A_211 : memref<512xi32, #tpu.memory_space<hbm>>) dst(%arg9 : memref<512xi32, #tpu.memory_space<vmem>>)
      tpu.yield
    }) : () -> ()
    "tpu.region"() ({
      %run_scoped3A = tpu.sem_alloc : memref<!tpu.dma_semaphore, #tpu.memory_space<semaphore_mem>>
      %dma_start3A_209 = tpu.memref_slice %arg3[%mul3A_2] : memref<16384xi32, #tpu.memory_space<hbm>> -> memref<512xi32, #tpu.memory_space<hbm>>
      %dma_start3A_210 = tpu.memref_slice %arg3[%mul3A_2] : memref<16384xi32, #tpu.memory_space<hbm>> -> memref<512xi32, #tpu.memory_space<hbm>>
      tpu.enqueue_dma source(%dma_start3A_210 : memref<512xi32, #tpu.memory_space<hbm>>) target(%arg10 : memref<512xi32, #tpu.memory_space<vmem>>) target_semaphore(%run_scoped3A : memref<!tpu.dma_semaphore, #tpu.memory_space<semaphore_mem>>)
      %dma_wait3A = tpu.memref_slice %arg3[%mul3A_2] : memref<16384xi32, #tpu.memory_space<hbm>> -> memref<512xi32, #tpu.memory_space<hbm>>
      %dma_wait3A_211 = tpu.memref_slice %arg3[%mul3A_2] : memref<16384xi32, #tpu.memory_space<hbm>> -> memref<512xi32, #tpu.memory_space<hbm>>
      tpu.wait_dma2 semaphore(%run_scoped3A : memref<!tpu.dma_semaphore, #tpu.memory_space<semaphore_mem>>) src(%dma_wait3A_211 : memref<512xi32, #tpu.memory_space<hbm>>) dst(%arg10 : memref<512xi32, #tpu.memory_space<vmem>>)
      tpu.yield
    }) : () -> ()
    %iota3A = tpu.iota {dimensions = array<i32: 0>} : vector<16xi32>
    %mul3A_3 = arith.constant 17 : i32
    %mul3A_4 = vector.broadcast %mul3A_3 : i32 to vector<16xi32>
    %mul3A_5 = arith.muli %iota3A, %mul3A_4 : vector<16xi32>
    %add3A_6 = arith.constant 0 : i32
    %add3A_7 = vector.broadcast %add3A_6 : i32 to vector<16xi32>
    %add3A_8 = arith.addi %mul3A_5, %add3A_7 : vector<16xi32>
    %add3A_9 = arith.constant 1 : i32
    %add3A_10 = vector.broadcast %add3A_9 : i32 to vector<16xi32>
    %add3A_11 = arith.addi %mul3A_5, %add3A_10 : vector<16xi32>
    %add3A_12 = arith.constant 2 : i32
    %add3A_13 = vector.broadcast %add3A_12 : i32 to vector<16xi32>
    %add3A_14 = arith.addi %mul3A_5, %add3A_13 : vector<16xi32>
    %add3A_15 = arith.constant 3 : i32
    %add3A_16 = vector.broadcast %add3A_15 : i32 to vector<16xi32>
    %add3A_17 = arith.addi %mul3A_5, %add3A_16 : vector<16xi32>
    %add3A_18 = arith.constant 4 : i32
    %add3A_19 = vector.broadcast %add3A_18 : i32 to vector<16xi32>
    %add3A_20 = arith.addi %mul3A_5, %add3A_19 : vector<16xi32>
    %add3A_21 = arith.constant 5 : i32
    %add3A_22 = vector.broadcast %add3A_21 : i32 to vector<16xi32>
    %add3A_23 = arith.addi %mul3A_5, %add3A_22 : vector<16xi32>
    %add3A_24 = arith.constant 6 : i32
    %add3A_25 = vector.broadcast %add3A_24 : i32 to vector<16xi32>
    %add3A_26 = arith.addi %mul3A_5, %add3A_25 : vector<16xi32>
    %add3A_27 = arith.constant 7 : i32
    %add3A_28 = vector.broadcast %add3A_27 : i32 to vector<16xi32>
    %add3A_29 = arith.addi %mul3A_5, %add3A_28 : vector<16xi32>
    %add3A_30 = arith.constant 8 : i32
    %add3A_31 = vector.broadcast %add3A_30 : i32 to vector<16xi32>
    %add3A_32 = arith.addi %mul3A_5, %add3A_31 : vector<16xi32>
    %add3A_33 = arith.constant 9 : i32
    %add3A_34 = vector.broadcast %add3A_33 : i32 to vector<16xi32>
    %add3A_35 = arith.addi %mul3A_5, %add3A_34 : vector<16xi32>
    %add3A_36 = arith.constant 10 : i32
    %add3A_37 = vector.broadcast %add3A_36 : i32 to vector<16xi32>
    %add3A_38 = arith.addi %mul3A_5, %add3A_37 : vector<16xi32>
    %add3A_39 = arith.constant 11 : i32
    %add3A_40 = vector.broadcast %add3A_39 : i32 to vector<16xi32>
    %add3A_41 = arith.addi %mul3A_5, %add3A_40 : vector<16xi32>
    %add3A_42 = arith.constant 12 : i32
    %add3A_43 = vector.broadcast %add3A_42 : i32 to vector<16xi32>
    %add3A_44 = arith.addi %mul3A_5, %add3A_43 : vector<16xi32>
    %add3A_45 = arith.constant 13 : i32
    %add3A_46 = vector.broadcast %add3A_45 : i32 to vector<16xi32>
    %add3A_47 = arith.addi %mul3A_5, %add3A_46 : vector<16xi32>
    %add3A_48 = arith.constant 14 : i32
    %add3A_49 = vector.broadcast %add3A_48 : i32 to vector<16xi32>
    %add3A_50 = arith.addi %mul3A_5, %add3A_49 : vector<16xi32>
    %add3A_51 = arith.constant 15 : i32
    %add3A_52 = vector.broadcast %add3A_51 : i32 to vector<16xi32>
    %add3A_53 = arith.addi %mul3A_5, %add3A_52 : vector<16xi32>
    %mul3A_54 = arith.constant 0 : i32
    %mul3A_55 = arith.constant 16 : i32
    %mul3A_56 = arith.muli %mul3A_54, %mul3A_55 : i32
    %get3A = arith.index_cast %mul3A_56 : i32 to index
    %get3A_57 = tpu.vector_load %arg9[%get3A] {strides = array<i32>} : memref<512xi32, #tpu.memory_space<vmem>>, vector<16xi32>,
    %mul3A_58 = arith.constant 0 : i32
    %mul3A_59 = arith.constant 16 : i32
    %mul3A_60 = arith.muli %mul3A_58, %mul3A_59 : i32
    %get3A_61 = arith.index_cast %mul3A_60 : i32 to index
    %get3A_62 = tpu.vector_load %arg10[%get3A_61] {strides = array<i32>} : memref<512xi32, #tpu.memory_space<vmem>>, vector<16xi32>,
    %dma_start3A = arith.constant 0 : i32
    %dma_start3A_63 = arith.constant 0 : i32
    %dma_start3A_64 = arith.constant 0 : i32
    %dma_start3A_65 = tpu.memref_slice %arg11[%dma_start3A, %dma_start3A_63, %dma_start3A_64] : memref<4x16x128xf32, #tpu.memory_space<vmem>> -> memref<1x16x128xf32, #tpu.memory_space<vmem>>
    %dma_start3A_66 = tpu.memref_squeeze %dma_start3A_65 : memref<1x16x128xf32, #tpu.memory_space<vmem>> -> memref<16x128xf32, #tpu.memory_space<vmem>>
    %dma_start3A_67 = arith.constant 0 : i32
    %dma_start3A_68 = arith.constant 0 : i32
    %dma_start3A_69 = tpu.memref_slice %arg4[%dma_start3A_67, %dma_start3A_68] : memref<100001x128xf32, #tpu.memory_space<hbm>> -> memref<100001x128xf32, #tpu.memory_space<hbm>>
    tpu.enqueue_indirect_dma source(%dma_start3A_69 : memref<100001x128xf32, #tpu.memory_space<hbm>>) target(%dma_start3A_66 : memref<16x128xf32, #tpu.memory_space<vmem>>) offsets(%get3A_57 : vector<16xi32>) semaphore(%arg17 : memref<!tpu.dma_semaphore, #tpu.memory_space<semaphore_mem>>)
    %dma_start3A_70 = arith.constant 0 : i32
    %dma_start3A_71 = arith.constant 0 : i32
    %dma_start3A_72 = arith.constant 0 : i32
    %dma_start3A_73 = tpu.memref_slice %arg12[%dma_start3A_70, %dma_start3A_71, %dma_start3A_72] : memref<4x16x128xf32, #tpu.memory_space<vmem>> -> memref<1x16x128xf32, #tpu.memory_space<vmem>>
    %dma_start3A_74 = tpu.memref_squeeze %dma_start3A_73 : memref<1x16x128xf32, #tpu.memory_space<vmem>> -> memref<16x128xf32, #tpu.memory_space<vmem>>
    %dma_start3A_75 = arith.constant 0 : i32
    %dma_start3A_76 = arith.constant 0 : i32
    %dma_start3A_77 = tpu.memref_slice %arg5[%dma_start3A_75, %dma_start3A_76] : memref<100001x128xf32, #tpu.memory_space<hbm>> -> memref<100001x128xf32, #tpu.memory_space<hbm>>
    tpu.enqueue_indirect_dma source(%dma_start3A_77 : memref<100001x128xf32, #tpu.memory_space<hbm>>) target(%dma_start3A_74 : memref<16x128xf32, #tpu.memory_space<vmem>>) offsets(%get3A_62 : vector<16xi32>) semaphore(%arg17 : memref<!tpu.dma_semaphore, #tpu.memory_space<semaphore_mem>>)
    %dma_start3A_78 = arith.constant 0 : i32
    %dma_start3A_79 = arith.constant 0 : i32
    %dma_start3A_80 = tpu.memref_slice %arg13[%dma_start3A_78, %dma_start3A_79] : memref<4x16xf32, #tpu.memory_space<vmem>> -> memref<1x16xf32, #tpu.memory_space<vmem>>
    %dma_start3A_81 = tpu.memref_squeeze %dma_start3A_80 : memref<1x16xf32, #tpu.memory_space<vmem>> -> memref<16xf32, #tpu.memory_space<vmem>>
    %dma_start3A_82 = arith.constant 0 : i32
    %dma_start3A_83 = tpu.memref_slice %arg6[%dma_start3A_82] : memref<100001xf32, #tpu.memory_space<hbm>> -> memref<100001xf32, #tpu.memory_space<hbm>>
    tpu.enqueue_indirect_dma source(%dma_start3A_83 : memref<100001xf32, #tpu.memory_space<hbm>>) target(%dma_start3A_81 : memref<16xf32, #tpu.memory_space<vmem>>) offsets(%get3A_57 : vector<16xi32>) semaphore(%arg17 : memref<!tpu.dma_semaphore, #tpu.memory_space<semaphore_mem>>)
    %dma_start3A_84 = arith.constant 0 : i32
    %dma_start3A_85 = arith.constant 0 : i32
    %dma_start3A_86 = tpu.memref_slice %arg14[%dma_start3A_84, %dma_start3A_85] : memref<4x16xf32, #tpu.memory_space<vmem>> -> memref<1x16xf32, #tpu.memory_space<vmem>>
    %dma_start3A_87 = tpu.memref_squeeze %dma_start3A_86 : memref<1x16xf32, #tpu.memory_space<vmem>> -> memref<16xf32, #tpu.memory_space<vmem>>
    %dma_start3A_88 = arith.constant 0 : i32
    %dma_start3A_89 = tpu.memref_slice %arg7[%dma_start3A_88] : memref<100001xf32, #tpu.memory_space<hbm>> -> memref<100001xf32, #tpu.memory_space<hbm>>
    tpu.enqueue_indirect_dma source(%dma_start3A_89 : memref<100001xf32, #tpu.memory_space<hbm>>) target(%dma_start3A_87 : memref<16xf32, #tpu.memory_space<vmem>>) offsets(%get3A_62 : vector<16xi32>) semaphore(%arg17 : memref<!tpu.dma_semaphore, #tpu.memory_space<semaphore_mem>>)
    %mul3A_90 = arith.constant 1 : i32
    %mul3A_91 = arith.constant 16 : i32
    %mul3A_92 = arith.muli %mul3A_90, %mul3A_91 : i32
    %get3A_93 = arith.index_cast %mul3A_92 : i32 to index
    %get3A_94 = tpu.vector_load %arg9[%get3A_93] {strides = array<i32>} : memref<512xi32, #tpu.memory_space<vmem>>, vector<16xi32>,
    %mul3A_95 = arith.constant 1 : i32
    %mul3A_96 = arith.constant 16 : i32
    %mul3A_97 = arith.muli %mul3A_95, %mul3A_96 : i32
    %get3A_98 = arith.index_cast %mul3A_97 : i32 to index
    %get3A_99 = tpu.vector_load %arg10[%get3A_98] {strides = array<i32>} : memref<512xi32, #tpu.memory_space<vmem>>, vector<16xi32>,
    %dma_start3A_100 = arith.constant 1 : i32
    %dma_start3A_101 = arith.constant 0 : i32
    %dma_start3A_102 = arith.constant 0 : i32
    %dma_start3A_103 = tpu.memref_slice %arg11[%dma_start3A_100, %dma_start3A_101, %dma_start3A_102] : memref<4x16x128xf32, #tpu.memory_space<vmem>> -> memref<1x16x128xf32, #tpu.memory_space<vmem>>
    %dma_start3A_104 = tpu.memref_squeeze %dma_start3A_103 : memref<1x16x128xf32, #tpu.memory_space<vmem>> -> memref<16x128xf32, #tpu.memory_space<vmem>>
    %dma_start3A_105 = arith.constant 0 : i32
    %dma_start3A_106 = arith.constant 0 : i32
    %dma_start3A_107 = tpu.memref_slice %arg4[%dma_start3A_105, %dma_start3A_106] : memref<100001x128xf32, #tpu.memory_space<hbm>> -> memref<100001x128xf32, #tpu.memory_space<hbm>>
    tpu.enqueue_indirect_dma source(%dma_start3A_107 : memref<100001x128xf32, #tpu.memory_space<hbm>>) target(%dma_start3A_104 : memref<16x128xf32, #tpu.memory_space<vmem>>) offsets(%get3A_94 : vector<16xi32>) semaphore(%arg18 : memref<!tpu.dma_semaphore, #tpu.memory_space<semaphore_mem>>)
    %dma_start3A_108 = arith.constant 1 : i32
    %dma_start3A_109 = arith.constant 0 : i32
    %dma_start3A_110 = arith.constant 0 : i32
    %dma_start3A_111 = tpu.memref_slice %arg12[%dma_start3A_108, %dma_start3A_109, %dma_start3A_110] : memref<4x16x128xf32, #tpu.memory_space<vmem>> -> memref<1x16x128xf32, #tpu.memory_space<vmem>>
    %dma_start3A_112 = tpu.memref_squeeze %dma_start3A_111 : memref<1x16x128xf32, #tpu.memory_space<vmem>> -> memref<16x128xf32, #tpu.memory_space<vmem>>
    %dma_start3A_113 = arith.constant 0 : i32
    %dma_start3A_114 = arith.constant 0 : i32
    %dma_start3A_115 = tpu.memref_slice %arg5[%dma_start3A_113, %dma_start3A_114] : memref<100001x128xf32, #tpu.memory_space<hbm>> -> memref<100001x128xf32, #tpu.memory_space<hbm>>
    tpu.enqueue_indirect_dma source(%dma_start3A_115 : memref<100001x128xf32, #tpu.memory_space<hbm>>) target(%dma_start3A_112 : memref<16x128xf32, #tpu.memory_space<vmem>>) offsets(%get3A_99 : vector<16xi32>) semaphore(%arg18 : memref<!tpu.dma_semaphore, #tpu.memory_space<semaphore_mem>>)
    %dma_start3A_116 = arith.constant 1 : i32
    %dma_start3A_117 = arith.constant 0 : i32
    %dma_start3A_118 = tpu.memref_slice %arg13[%dma_start3A_116, %dma_start3A_117] : memref<4x16xf32, #tpu.memory_space<vmem>> -> memref<1x16xf32, #tpu.memory_space<vmem>>
    %dma_start3A_119 = tpu.memref_squeeze %dma_start3A_118 : memref<1x16xf32, #tpu.memory_space<vmem>> -> memref<16xf32, #tpu.memory_space<vmem>>
    %dma_start3A_120 = arith.constant 0 : i32
    %dma_start3A_121 = tpu.memref_slice %arg6[%dma_start3A_120] : memref<100001xf32, #tpu.memory_space<hbm>> -> memref<100001xf32, #tpu.memory_space<hbm>>
    tpu.enqueue_indirect_dma source(%dma_start3A_121 : memref<100001xf32, #tpu.memory_space<hbm>>) target(%dma_start3A_119 : memref<16xf32, #tpu.memory_space<vmem>>) offsets(%get3A_94 : vector<16xi32>) semaphore(%arg18 : memref<!tpu.dma_semaphore, #tpu.memory_space<semaphore_mem>>)
    %dma_start3A_122 = arith.constant 1 : i32
    %dma_start3A_123 = arith.constant 0 : i32
    %dma_start3A_124 = tpu.memref_slice %arg14[%dma_start3A_122, %dma_start3A_123] : memref<4x16xf32, #tpu.memory_space<vmem>> -> memref<1x16xf32, #tpu.memory_space<vmem>>
    %dma_start3A_125 = tpu.memref_squeeze %dma_start3A_124 : memref<1x16xf32, #tpu.memory_space<vmem>> -> memref<16xf32, #tpu.memory_space<vmem>>
    %dma_start3A_126 = arith.constant 0 : i32
    %dma_start3A_127 = tpu.memref_slice %arg7[%dma_start3A_126] : memref<100001xf32, #tpu.memory_space<hbm>> -> memref<100001xf32, #tpu.memory_space<hbm>>
    tpu.enqueue_indirect_dma source(%dma_start3A_127 : memref<100001xf32, #tpu.memory_space<hbm>>) target(%dma_start3A_125 : memref<16xf32, #tpu.memory_space<vmem>>) offsets(%get3A_99 : vector<16xi32>) semaphore(%arg18 : memref<!tpu.dma_semaphore, #tpu.memory_space<semaphore_mem>>)
    %mul3A_128 = arith.constant 2 : i32
    %mul3A_129 = arith.constant 16 : i32
    %mul3A_130 = arith.muli %mul3A_128, %mul3A_129 : i32
    %get3A_131 = arith.index_cast %mul3A_130 : i32 to index
    %get3A_132 = tpu.vector_load %arg9[%get3A_131] {strides = array<i32>} : memref<512xi32, #tpu.memory_space<vmem>>, vector<16xi32>,
    %mul3A_133 = arith.constant 2 : i32
    %mul3A_134 = arith.constant 16 : i32
    %mul3A_135 = arith.muli %mul3A_133, %mul3A_134 : i32
    %get3A_136 = arith.index_cast %mul3A_135 : i32 to index
    %get3A_137 = tpu.vector_load %arg10[%get3A_136] {strides = array<i32>} : memref<512xi32, #tpu.memory_space<vmem>>, vector<16xi32>,
    %dma_start3A_138 = arith.constant 2 : i32
    %dma_start3A_139 = arith.constant 0 : i32
    %dma_start3A_140 = arith.constant 0 : i32
    %dma_start3A_141 = tpu.memref_slice %arg11[%dma_start3A_138, %dma_start3A_139, %dma_start3A_140] : memref<4x16x128xf32, #tpu.memory_space<vmem>> -> memref<1x16x128xf32, #tpu.memory_space<vmem>>
    %dma_start3A_142 = tpu.memref_squeeze %dma_start3A_141 : memref<1x16x128xf32, #tpu.memory_space<vmem>> -> memref<16x128xf32, #tpu.memory_space<vmem>>
    %dma_start3A_143 = arith.constant 0 : i32
    %dma_start3A_144 = arith.constant 0 : i32
    %dma_start3A_145 = tpu.memref_slice %arg4[%dma_start3A_143, %dma_start3A_144] : memref<100001x128xf32, #tpu.memory_space<hbm>> -> memref<100001x128xf32, #tpu.memory_space<hbm>>
    tpu.enqueue_indirect_dma source(%dma_start3A_145 : memref<100001x128xf32, #tpu.memory_space<hbm>>) target(%dma_start3A_142 : memref<16x128xf32, #tpu.memory_space<vmem>>) offsets(%get3A_132 : vector<16xi32>) semaphore(%arg19 : memref<!tpu.dma_semaphore, #tpu.memory_space<semaphore_mem>>)
    %dma_start3A_146 = arith.constant 2 : i32
    %dma_start3A_147 = arith.constant 0 : i32
    %dma_start3A_148 = arith.constant 0 : i32
    %dma_start3A_149 = tpu.memref_slice %arg12[%dma_start3A_146, %dma_start3A_147, %dma_start3A_148] : memref<4x16x128xf32, #tpu.memory_space<vmem>> -> memref<1x16x128xf32, #tpu.memory_space<vmem>>
    %dma_start3A_150 = tpu.memref_squeeze %dma_start3A_149 : memref<1x16x128xf32, #tpu.memory_space<vmem>> -> memref<16x128xf32, #tpu.memory_space<vmem>>
    %dma_start3A_151 = arith.constant 0 : i32
    %dma_start3A_152 = arith.constant 0 : i32
    %dma_start3A_153 = tpu.memref_slice %arg5[%dma_start3A_151, %dma_start3A_152] : memref<100001x128xf32, #tpu.memory_space<hbm>> -> memref<100001x128xf32, #tpu.memory_space<hbm>>
    tpu.enqueue_indirect_dma source(%dma_start3A_153 : memref<100001x128xf32, #tpu.memory_space<hbm>>) target(%dma_start3A_150 : memref<16x128xf32, #tpu.memory_space<vmem>>) offsets(%get3A_137 : vector<16xi32>) semaphore(%arg19 : memref<!tpu.dma_semaphore, #tpu.memory_space<semaphore_mem>>)
    %dma_start3A_154 = arith.constant 2 : i32
    %dma_start3A_155 = arith.constant 0 : i32
    %dma_start3A_156 = tpu.memref_slice %arg13[%dma_start3A_154, %dma_start3A_155] : memref<4x16xf32, #tpu.memory_space<vmem>> -> memref<1x16xf32, #tpu.memory_space<vmem>>
    %dma_start3A_157 = tpu.memref_squeeze %dma_start3A_156 : memref<1x16xf32, #tpu.memory_space<vmem>> -> memref<16xf32, #tpu.memory_space<vmem>>
    %dma_start3A_158 = arith.constant 0 : i32
    %dma_start3A_159 = tpu.memref_slice %arg6[%dma_start3A_158] : memref<100001xf32, #tpu.memory_space<hbm>> -> memref<100001xf32, #tpu.memory_space<hbm>>
    tpu.enqueue_indirect_dma source(%dma_start3A_159 : memref<100001xf32, #tpu.memory_space<hbm>>) target(%dma_start3A_157 : memref<16xf32, #tpu.memory_space<vmem>>) offsets(%get3A_132 : vector<16xi32>) semaphore(%arg19 : memref<!tpu.dma_semaphore, #tpu.memory_space<semaphore_mem>>)
    %dma_start3A_160 = arith.constant 2 : i32
    %dma_start3A_161 = arith.constant 0 : i32
    %dma_start3A_162 = tpu.memref_slice %arg14[%dma_start3A_160, %dma_start3A_161] : memref<4x16xf32, #tpu.memory_space<vmem>> -> memref<1x16xf32, #tpu.memory_space<vmem>>
    %dma_start3A_163 = tpu.memref_squeeze %dma_start3A_162 : memref<1x16xf32, #tpu.memory_space<vmem>> -> memref<16xf32, #tpu.memory_space<vmem>>
    %dma_start3A_164 = arith.constant 0 : i32
    %dma_start3A_165 = tpu.memref_slice %arg7[%dma_start3A_164] : memref<100001xf32, #tpu.memory_space<hbm>> -> memref<100001xf32, #tpu.memory_space<hbm>>
    tpu.enqueue_indirect_dma source(%dma_start3A_165 : memref<100001xf32, #tpu.memory_space<hbm>>) target(%dma_start3A_163 : memref<16xf32, #tpu.memory_space<vmem>>) offsets(%get3A_137 : vector<16xi32>) semaphore(%arg19 : memref<!tpu.dma_semaphore, #tpu.memory_space<semaphore_mem>>)
    %mul3A_166 = arith.constant 3 : i32
    %mul3A_167 = arith.constant 16 : i32
    %mul3A_168 = arith.muli %mul3A_166, %mul3A_167 : i32
    %get3A_169 = arith.index_cast %mul3A_168 : i32 to index
    %get3A_170 = tpu.vector_load %arg9[%get3A_169] {strides = array<i32>} : memref<512xi32, #tpu.memory_space<vmem>>, vector<16xi32>,
    %mul3A_171 = arith.constant 3 : i32
    %mul3A_172 = arith.constant 16 : i32
    %mul3A_173 = arith.muli %mul3A_171, %mul3A_172 : i32
    %get3A_174 = arith.index_cast %mul3A_173 : i32 to index
    %get3A_175 = tpu.vector_load %arg10[%get3A_174] {strides = array<i32>} : memref<512xi32, #tpu.memory_space<vmem>>, vector<16xi32>,
    %dma_start3A_176 = arith.constant 3 : i32
    %dma_start3A_177 = arith.constant 0 : i32
    %dma_start3A_178 = arith.constant 0 : i32
    %dma_start3A_179 = tpu.memref_slice %arg11[%dma_start3A_176, %dma_start3A_177, %dma_start3A_178] : memref<4x16x128xf32, #tpu.memory_space<vmem>> -> memref<1x16x128xf32, #tpu.memory_space<vmem>>
    %dma_start3A_180 = tpu.memref_squeeze %dma_start3A_179 : memref<1x16x128xf32, #tpu.memory_space<vmem>> -> memref<16x128xf32, #tpu.memory_space<vmem>>
    %dma_start3A_181 = arith.constant 0 : i32
    %dma_start3A_182 = arith.constant 0 : i32
    %dma_start3A_183 = tpu.memref_slice %arg4[%dma_start3A_181, %dma_start3A_182] : memref<100001x128xf32, #tpu.memory_space<hbm>> -> memref<100001x128xf32, #tpu.memory_space<hbm>>
    tpu.enqueue_indirect_dma source(%dma_start3A_183 : memref<100001x128xf32, #tpu.memory_space<hbm>>) target(%dma_start3A_180 : memref<16x128xf32, #tpu.memory_space<vmem>>) offsets(%get3A_170 : vector<16xi32>) semaphore(%arg20 : memref<!tpu.dma_semaphore, #tpu.memory_space<semaphore_mem>>)
    %dma_start3A_184 = arith.constant 3 : i32
    %dma_start3A_185 = arith.constant 0 : i32
    %dma_start3A_186 = arith.constant 0 : i32
    %dma_start3A_187 = tpu.memref_slice %arg12[%dma_start3A_184, %dma_start3A_185, %dma_start3A_186] : memref<4x16x128xf32, #tpu.memory_space<vmem>> -> memref<1x16x128xf32, #tpu.memory_space<vmem>>
    %dma_start3A_188 = tpu.memref_squeeze %dma_start3A_187 : memref<1x16x128xf32, #tpu.memory_space<vmem>> -> memref<16x128xf32, #tpu.memory_space<vmem>>
    %dma_start3A_189 = arith.constant 0 : i32
    %dma_start3A_190 = arith.constant 0 : i32
    %dma_start3A_191 = tpu.memref_slice %arg5[%dma_start3A_189, %dma_start3A_190] : memref<100001x128xf32, #tpu.memory_space<hbm>> -> memref<100001x128xf32, #tpu.memory_space<hbm>>
    tpu.enqueue_indirect_dma source(%dma_start3A_191 : memref<100001x128xf32, #tpu.memory_space<hbm>>) target(%dma_start3A_188 : memref<16x128xf32, #tpu.memory_space<vmem>>) offsets(%get3A_175 : vector<16xi32>) semaphore(%arg20 : memref<!tpu.dma_semaphore, #tpu.memory_space<semaphore_mem>>)
    %dma_start3A_192 = arith.constant 3 : i32
    %dma_start3A_193 = arith.constant 0 : i32
    %dma_start3A_194 = tpu.memref_slice %arg13[%dma_start3A_192, %dma_start3A_193] : memref<4x16xf32, #tpu.memory_space<vmem>> -> memref<1x16xf32, #tpu.memory_space<vmem>>
    %dma_start3A_195 = tpu.memref_squeeze %dma_start3A_194 : memref<1x16xf32, #tpu.memory_space<vmem>> -> memref<16xf32, #tpu.memory_space<vmem>>
    %dma_start3A_196 = arith.constant 0 : i32
    %dma_start3A_197 = tpu.memref_slice %arg6[%dma_start3A_196] : memref<100001xf32, #tpu.memory_space<hbm>> -> memref<100001xf32, #tpu.memory_space<hbm>>
    tpu.enqueue_indirect_dma source(%dma_start3A_197 : memref<100001xf32, #tpu.memory_space<hbm>>) target(%dma_start3A_195 : memref<16xf32, #tpu.memory_space<vmem>>) offsets(%get3A_170 : vector<16xi32>) semaphore(%arg20 : memref<!tpu.dma_semaphore, #tpu.memory_space<semaphore_mem>>)
    %dma_start3A_198 = arith.constant 3 : i32
    %dma_start3A_199 = arith.constant 0 : i32
    %dma_start3A_200 = tpu.memref_slice %arg14[%dma_start3A_198, %dma_start3A_199] : memref<4x16xf32, #tpu.memory_space<vmem>> -> memref<1x16xf32, #tpu.memory_space<vmem>>
    %dma_start3A_201 = tpu.memref_squeeze %dma_start3A_200 : memref<1x16xf32, #tpu.memory_space<vmem>> -> memref<16xf32, #tpu.memory_space<vmem>>
    %dma_start3A_202 = arith.constant 0 : i32
    %dma_start3A_203 = tpu.memref_slice %arg7[%dma_start3A_202] : memref<100001xf32, #tpu.memory_space<hbm>> -> memref<100001xf32, #tpu.memory_space<hbm>>
    tpu.enqueue_indirect_dma source(%dma_start3A_203 : memref<100001xf32, #tpu.memory_space<hbm>>) target(%dma_start3A_201 : memref<16xf32, #tpu.memory_space<vmem>>) offsets(%get3A_175 : vector<16xi32>) semaphore(%arg20 : memref<!tpu.dma_semaphore, #tpu.memory_space<semaphore_mem>>)
    %scan3A = arith.constant 0 : i32
    %scan3A_204 = arith.constant 0 : i32
    %scan3A_205 = arith.constant 8 : i32
    %scan3A_206 = arith.addi %scan3A_204, %scan3A_205 : i32
    %scan3A_207 = arith.constant 1 : i32
    scf.for %scan3A_209 = %scan3A_204 to %scan3A_206 step %scan3A_207  : i32 {
      %mul3A_210 = arith.constant 4 : i32
      %mul3A_211 = arith.muli %scan3A_209, %mul3A_210 : i32
      %add3A_212 = arith.constant 0 : i32
      %add3A_213 = arith.addi %mul3A_211, %add3A_212 : i32
      %dma_wait3A = arith.constant 0 : i32
      %dma_wait3A_214 = arith.constant 0 : i32
      %dma_wait3A_215 = arith.constant 0 : i32
      %dma_wait3A_216 = tpu.memref_slice %arg11[%dma_wait3A, %dma_wait3A_214, %dma_wait3A_215] : memref<4x16x128xf32, #tpu.memory_space<vmem>> -> memref<1x16x128xf32, #tpu.memory_space<vmem>>
      %dma_wait3A_217 = tpu.memref_squeeze %dma_wait3A_216 : memref<1x16x128xf32, #tpu.memory_space<vmem>> -> memref<16x128xf32, #tpu.memory_space<vmem>>
      %dma_wait3A_218 = arith.constant 0 : i32
      %dma_wait3A_219 = arith.constant 0 : i32
      %dma_wait3A_220 = tpu.memref_slice %arg4[%dma_wait3A_218, %dma_wait3A_219] : memref<100001x128xf32, #tpu.memory_space<hbm>> -> memref<16x128xf32, #tpu.memory_space<hbm>>
      %dma_wait3A_221 = arith.constant 0 : i32
      %dma_wait3A_222 = arith.constant 0 : i32
      %dma_wait3A_223 = tpu.memref_slice %arg11[%dma_wait3A, %dma_wait3A_221, %dma_wait3A_222] : memref<4x16x128xf32, #tpu.memory_space<vmem>> -> memref<1x16x128xf32, #tpu.memory_space<vmem>>
      %dma_wait3A_224 = tpu.memref_squeeze %dma_wait3A_223 : memref<1x16x128xf32, #tpu.memory_space<vmem>> -> memref<16x128xf32, #tpu.memory_space<vmem>>
      %dma_wait3A_225 = arith.constant 0 : i32
      %dma_wait3A_226 = arith.constant 0 : i32
      %dma_wait3A_227 = tpu.memref_slice %arg4[%dma_wait3A_225, %dma_wait3A_226] : memref<100001x128xf32, #tpu.memory_space<hbm>> -> memref<16x128xf32, #tpu.memory_space<hbm>>
      tpu.wait_dma2 semaphore(%arg17 : memref<!tpu.dma_semaphore, #tpu.memory_space<semaphore_mem>>) src(%dma_wait3A_227 : memref<16x128xf32, #tpu.memory_space<hbm>>) dst(%dma_wait3A_224 : memref<16x128xf32, #tpu.memory_space<vmem>>)
      %dma_wait3A_228 = arith.constant 0 : i32
      %dma_wait3A_229 = arith.constant 0 : i32
      %dma_wait3A_230 = arith.constant 0 : i32
      %dma_wait3A_231 = tpu.memref_slice %arg12[%dma_wait3A_228, %dma_wait3A_229, %dma_wait3A_230] : memref<4x16x128xf32, #tpu.memory_space<vmem>> -> memref<1x16x128xf32, #tpu.memory_space<vmem>>
      %dma_wait3A_232 = tpu.memref_squeeze %dma_wait3A_231 : memref<1x16x128xf32, #tpu.memory_space<vmem>> -> memref<16x128xf32, #tpu.memory_space<vmem>>
      %dma_wait3A_233 = arith.constant 0 : i32
      %dma_wait3A_234 = arith.constant 0 : i32
      %dma_wait3A_235 = tpu.memref_slice %arg5[%dma_wait3A_233, %dma_wait3A_234] : memref<100001x128xf32, #tpu.memory_space<hbm>> -> memref<16x128xf32, #tpu.memory_space<hbm>>
      %dma_wait3A_236 = arith.constant 0 : i32
      %dma_wait3A_237 = arith.constant 0 : i32
      %dma_wait3A_238 = tpu.memref_slice %arg12[%dma_wait3A_228, %dma_wait3A_236, %dma_wait3A_237] : memref<4x16x128xf32, #tpu.memory_space<vmem>> -> memref<1x16x128xf32, #tpu.memory_space<vmem>>
      %dma_wait3A_239 = tpu.memref_squeeze %dma_wait3A_238 : memref<1x16x128xf32, #tpu.memory_space<vmem>> -> memref<16x128xf32, #tpu.memory_space<vmem>>
      %dma_wait3A_240 = arith.constant 0 : i32
      %dma_wait3A_241 = arith.constant 0 : i32
      %dma_wait3A_242 = tpu.memref_slice %arg5[%dma_wait3A_240, %dma_wait3A_241] : memref<100001x128xf32, #tpu.memory_space<hbm>> -> memref<16x128xf32, #tpu.memory_space<hbm>>
      tpu.wait_dma2 semaphore(%arg17 : memref<!tpu.dma_semaphore, #tpu.memory_space<semaphore_mem>>) src(%dma_wait3A_242 : memref<16x128xf32, #tpu.memory_space<hbm>>) dst(%dma_wait3A_239 : memref<16x128xf32, #tpu.memory_space<vmem>>)
      %dma_wait3A_243 = arith.constant 0 : i32
      %dma_wait3A_244 = arith.constant 0 : i32
      %dma_wait3A_245 = tpu.memref_slice %arg13[%dma_wait3A_243, %dma_wait3A_244] : memref<4x16xf32, #tpu.memory_space<vmem>> -> memref<1x16xf32, #tpu.memory_space<vmem>>
      %dma_wait3A_246 = tpu.memref_squeeze %dma_wait3A_245 : memref<1x16xf32, #tpu.memory_space<vmem>> -> memref<16xf32, #tpu.memory_space<vmem>>
      %dma_wait3A_247 = arith.constant 0 : i32
      %dma_wait3A_248 = tpu.memref_slice %arg6[%dma_wait3A_247] : memref<100001xf32, #tpu.memory_space<hbm>> -> memref<16xf32, #tpu.memory_space<hbm>>
      %dma_wait3A_249 = arith.constant 0 : i32
      %dma_wait3A_250 = tpu.memref_slice %arg13[%dma_wait3A_243, %dma_wait3A_249] : memref<4x16xf32, #tpu.memory_space<vmem>> -> memref<1x16xf32, #tpu.memory_space<vmem>>
      %dma_wait3A_251 = tpu.memref_squeeze %dma_wait3A_250 : memref<1x16xf32, #tpu.memory_space<vmem>> -> memref<16xf32, #tpu.memory_space<vmem>>
      %dma_wait3A_252 = arith.constant 0 : i32
      %dma_wait3A_253 = tpu.memref_slice %arg6[%dma_wait3A_252] : memref<100001xf32, #tpu.memory_space<hbm>> -> memref<16xf32, #tpu.memory_space<hbm>>
      tpu.wait_dma2 semaphore(%arg17 : memref<!tpu.dma_semaphore, #tpu.memory_space<semaphore_mem>>) src(%dma_wait3A_253 : memref<16xf32, #tpu.memory_space<hbm>>) dst(%dma_wait3A_251 : memref<16xf32, #tpu.memory_space<vmem>>)
      %dma_wait3A_254 = arith.constant 0 : i32
      %dma_wait3A_255 = arith.constant 0 : i32
      %dma_wait3A_256 = tpu.memref_slice %arg14[%dma_wait3A_254, %dma_wait3A_255] : memref<4x16xf32, #tpu.memory_space<vmem>> -> memref<1x16xf32, #tpu.memory_space<vmem>>
      %dma_wait3A_257 = tpu.memref_squeeze %dma_wait3A_256 : memref<1x16xf32, #tpu.memory_space<vmem>> -> memref<16xf32, #tpu.memory_space<vmem>>
      %dma_wait3A_258 = arith.constant 0 : i32
      %dma_wait3A_259 = tpu.memref_slice %arg7[%dma_wait3A_258] : memref<100001xf32, #tpu.memory_space<hbm>> -> memref<16xf32, #tpu.memory_space<hbm>>
      %dma_wait3A_260 = arith.constant 0 : i32
      %dma_wait3A_261 = tpu.memref_slice %arg14[%dma_wait3A_254, %dma_wait3A_260] : memref<4x16xf32, #tpu.memory_space<vmem>> -> memref<1x16xf32, #tpu.memory_space<vmem>>
      %dma_wait3A_262 = tpu.memref_squeeze %dma_wait3A_261 : memref<1x16xf32, #tpu.memory_space<vmem>> -> memref<16xf32, #tpu.memory_space<vmem>>
      %dma_wait3A_263 = arith.constant 0 : i32
      %dma_wait3A_264 = tpu.memref_slice %arg7[%dma_wait3A_263] : memref<100001xf32, #tpu.memory_space<hbm>> -> memref<16xf32, #tpu.memory_space<hbm>>
      tpu.wait_dma2 semaphore(%arg17 : memref<!tpu.dma_semaphore, #tpu.memory_space<semaphore_mem>>) src(%dma_wait3A_264 : memref<16xf32, #tpu.memory_space<hbm>>) dst(%dma_wait3A_262 : memref<16xf32, #tpu.memory_space<vmem>>)
      %scan3A_265 = arith.constant 0 : i32
      %scan3A_266 = arith.constant 0 : i32
      %scan3A_267 = arith.constant 0 : i32
      %scan3A_268 = arith.constant 0 : i32
      %scan3A_269 = arith.constant 8 : i32
      %scan3A_270 = arith.addi %scan3A_268, %scan3A_269 : i32
      %scan3A_271 = arith.constant 1 : i32
      scf.for %scan3A_699 = %scan3A_268 to %scan3A_270 step %scan3A_271  : i32 {
        %mul3A_700 = arith.constant 2 : i32
        %mul3A_701 = arith.muli %scan3A_699, %mul3A_700 : i32
        %add3A_702 = arith.constant 0 : i32
        %add3A_703 = arith.addi %mul3A_701, %add3A_702 : i32
        %get3A_704 = arith.constant 0 : i32
        %get3A_705 = arith.constant 0 : i32
        %get3A_706 = tpu.memref_slice %arg11[%scan3A_266, %get3A_704, %get3A_705] : memref<4x16x128xf32, #tpu.memory_space<vmem>> -> memref<1x16x128xf32, #tpu.memory_space<vmem>>
        %get3A_707 = tpu.memref_squeeze %get3A_706 : memref<1x16x128xf32, #tpu.memory_space<vmem>> -> memref<16x128xf32, #tpu.memory_space<vmem>>
        %get3A_708 = arith.index_cast %add3A_703 : i32 to index
        %get3A_709 = arith.constant 0 : index
        %get3A_710 = tpu.vector_load %get3A_707[%get3A_708, %get3A_709] {strides = array<i32>} : memref<16x128xf32, #tpu.memory_space<vmem>>, vector<16xf32>,
        %get3A_711 = arith.constant 0 : i32
        %get3A_712 = arith.constant 0 : i32
        %get3A_713 = tpu.memref_slice %arg12[%scan3A_267, %get3A_711, %get3A_712] : memref<4x16x128xf32, #tpu.memory_space<vmem>> -> memref<1x16x128xf32, #tpu.memory_space<vmem>>
        %get3A_714 = tpu.memref_squeeze %get3A_713 : memref<1x16x128xf32, #tpu.memory_space<vmem>> -> memref<16x128xf32, #tpu.memory_space<vmem>>
        %get3A_715 = arith.index_cast %add3A_703 : i32 to index
        %get3A_716 = arith.constant 0 : index
        %get3A_717 = tpu.vector_load %get3A_714[%get3A_715, %get3A_716] {strides = array<i32>} : memref<16x128xf32, #tpu.memory_space<vmem>>, vector<16xf32>,
        %mul3A_718 = arith.mulf %get3A_710, %get3A_717 : vector<16xf32>
        %get3A_719 = arith.constant 0 : i32
        %get3A_720 = arith.constant 0 : i32
        %get3A_721 = tpu.memref_slice %arg11[%scan3A_266, %get3A_719, %get3A_720] : memref<4x16x128xf32, #tpu.memory_space<vmem>> -> memref<1x16x128xf32, #tpu.memory_space<vmem>>
        %get3A_722 = tpu.memref_squeeze %get3A_721 : memref<1x16x128xf32, #tpu.memory_space<vmem>> -> memref<16x128xf32, #tpu.memory_space<vmem>>
        %get3A_723 = arith.index_cast %add3A_703 : i32 to index
        %get3A_724 = arith.constant 16 : index
        %get3A_725 = tpu.vector_load %get3A_722[%get3A_723, %get3A_724] {strides = array<i32>} : memref<16x128xf32, #tpu.memory_space<vmem>>, vector<16xf32>,
        %get3A_726 = arith.constant 0 : i32
        %get3A_727 = arith.constant 0 : i32
        %get3A_728 = tpu.memref_slice %arg12[%scan3A_267, %get3A_726, %get3A_727] : memref<4x16x128xf32, #tpu.memory_space<vmem>> -> memref<1x16x128xf32, #tpu.memory_space<vmem>>
        %get3A_729 = tpu.memref_squeeze %get3A_728 : memref<1x16x128xf32, #tpu.memory_space<vmem>> -> memref<16x128xf32, #tpu.memory_space<vmem>>
        %get3A_730 = arith.index_cast %add3A_703 : i32 to index
        %get3A_731 = arith.constant 16 : index
        %get3A_732 = tpu.vector_load %get3A_729[%get3A_730, %get3A_731] {strides = array<i32>} : memref<16x128xf32, #tpu.memory_space<vmem>>, vector<16xf32>,
        %mul3A_733 = arith.mulf %get3A_725, %get3A_732 : vector<16xf32>
        %get3A_734 = arith.constant 0 : i32
        %get3A_735 = arith.constant 0 : i32
        %get3A_736 = tpu.memref_slice %arg11[%scan3A_266, %get3A_734, %get3A_735] : memref<4x16x128xf32, #tpu.memory_space<vmem>> -> memref<1x16x128xf32, #tpu.memory_space<vmem>>
        %get3A_737 = tpu.memref_squeeze %get3A_736 : memref<1x16x128xf32, #tpu.memory_space<vmem>> -> memref<16x128xf32, #tpu.memory_space<vmem>>
        %get3A_738 = arith.index_cast %add3A_703 : i32 to index
        %get3A_739 = arith.constant 32 : index
        %get3A_740 = tpu.vector_load %get3A_737[%get3A_738, %get3A_739] {strides = array<i32>} : memref<16x128xf32, #tpu.memory_space<vmem>>, vector<16xf32>,
        %get3A_741 = arith.constant 0 : i32
        %get3A_742 = arith.constant 0 : i32
        %get3A_743 = tpu.memref_slice %arg12[%scan3A_267, %get3A_741, %get3A_742] : memref<4x16x128xf32, #tpu.memory_space<vmem>> -> memref<1x16x128xf32, #tpu.memory_space<vmem>>
        %get3A_744 = tpu.memref_squeeze %get3A_743 : memref<1x16x128xf32, #tpu.memory_space<vmem>> -> memref<16x128xf32, #tpu.memory_space<vmem>>
        %get3A_745 = arith.index_cast %add3A_703 : i32 to index
        %get3A_746 = arith.constant 32 : index
        %get3A_747 = tpu.vector_load %get3A_744[%get3A_745, %get3A_746] {strides = array<i32>} : memref<16x128xf32, #tpu.memory_space<vmem>>, vector<16xf32>,
        %mul3A_748 = arith.mulf %get3A_740, %get3A_747 : vector<16xf32>
        %get3A_749 = arith.constant 0 : i32
        %get3A_750 = arith.constant 0 : i32
        %get3A_751 = tpu.memref_slice %arg11[%scan3A_266, %get3A_749, %get3A_750] : memref<4x16x128xf32, #tpu.memory_space<vmem>> -> memref<1x16x128xf32, #tpu.memory_space<vmem>>
        %get3A_752 = tpu.memref_squeeze %get3A_751 : memref<1x16x128xf32, #tpu.memory_space<vmem>> -> memref<16x128xf32, #tpu.memory_space<vmem>>
        %get3A_753 = arith.index_cast %add3A_703 : i32 to index
        %get3A_754 = arith.constant 48 : index
        %get3A_755 = tpu.vector_load %get3A_752[%get3A_753, %get3A_754] {strides = array<i32>} : memref<16x128xf32, #tpu.memory_space<vmem>>, vector<16xf32>,
        %get3A_756 = arith.constant 0 : i32
        %get3A_757 = arith.constant 0 : i32
        %get3A_758 = tpu.memref_slice %arg12[%scan3A_267, %get3A_756, %get3A_757] : memref<4x16x128xf32, #tpu.memory_space<vmem>> -> memref<1x16x128xf32, #tpu.memory_space<vmem>>
        %get3A_759 = tpu.memref_squeeze %get3A_758 : memref<1x16x128xf32, #tpu.memory_space<vmem>> -> memref<16x128xf32, #tpu.memory_space<vmem>>
        %get3A_760 = arith.index_cast %add3A_703 : i32 to index
        %get3A_761 = arith.constant 48 : index
        %get3A_762 = tpu.vector_load %get3A_759[%get3A_760, %get3A_761] {strides = array<i32>} : memref<16x128xf32, #tpu.memory_space<vmem>>, vector<16xf32>,
        %mul3A_763 = arith.mulf %get3A_755, %get3A_762 : vector<16xf32>
        %get3A_764 = arith.constant 0 : i32
        %get3A_765 = arith.constant 0 : i32
        %get3A_766 = tpu.memref_slice %arg11[%scan3A_266, %get3A_764, %get3A_765] : memref<4x16x128xf32, #tpu.memory_space<vmem>> -> memref<1x16x128xf32, #tpu.memory_space<vmem>>
        %get3A_767 = tpu.memref_squeeze %get3A_766 : memref<1x16x128xf32, #tpu.memory_space<vmem>> -> memref<16x128xf32, #tpu.memory_space<vmem>>
        %get3A_768 = arith.index_cast %add3A_703 : i32 to index
        %get3A_769 = arith.constant 64 : index
        %get3A_770 = tpu.vector_load %get3A_767[%get3A_768, %get3A_769] {strides = array<i32>} : memref<16x128xf32, #tpu.memory_space<vmem>>, vector<16xf32>,
        %get3A_771 = arith.constant 0 : i32
        %get3A_772 = arith.constant 0 : i32
        %get3A_773 = tpu.memref_slice %arg12[%scan3A_267, %get3A_771, %get3A_772] : memref<4x16x128xf32, #tpu.memory_space<vmem>> -> memref<1x16x128xf32, #tpu.memory_space<vmem>>
        %get3A_774 = tpu.memref_squeeze %get3A_773 : memref<1x16x128xf32, #tpu.memory_space<vmem>> -> memref<16x128xf32, #tpu.memory_space<vmem>>
        %get3A_775 = arith.index_cast %add3A_703 : i32 to index
        %get3A_776 = arith.constant 64 : index
        %get3A_777 = tpu.vector_load %get3A_774[%get3A_775, %get3A_776] {strides = array<i32>} : memref<16x128xf32, #tpu.memory_space<vmem>>, vector<16xf32>,
        %mul3A_778 = arith.mulf %get3A_770, %get3A_777 : vector<16xf32>
        %get3A_779 = arith.constant 0 : i32
        %get3A_780 = arith.constant 0 : i32
        %get3A_781 = tpu.memref_slice %arg11[%scan3A_266, %get3A_779, %get3A_780] : memref<4x16x128xf32, #tpu.memory_space<vmem>> -> memref<1x16x128xf32, #tpu.memory_space<vmem>>
        %get3A_782 = tpu.memref_squeeze %get3A_781 : memref<1x16x128xf32, #tpu.memory_space<vmem>> -> memref<16x128xf32, #tpu.memory_space<vmem>>
        %get3A_783 = arith.index_cast %add3A_703 : i32 to index
        %get3A_784 = arith.constant 80 : index
        %get3A_785 = tpu.vector_load %get3A_782[%get3A_783, %get3A_784] {strides = array<i32>} : memref<16x128xf32, #tpu.memory_space<vmem>>, vector<16xf32>,
        %get3A_786 = arith.constant 0 : i32
        %get3A_787 = arith.constant 0 : i32
        %get3A_788 = tpu.memref_slice %arg12[%scan3A_267, %get3A_786, %get3A_787] : memref<4x16x128xf32, #tpu.memory_space<vmem>> -> memref<1x16x128xf32, #tpu.memory_space<vmem>>
        %get3A_789 = tpu.memref_squeeze %get3A_788 : memref<1x16x128xf32, #tpu.memory_space<vmem>> -> memref<16x128xf32, #tpu.memory_space<vmem>>
        %get3A_790 = arith.index_cast %add3A_703 : i32 to index
        %get3A_791 = arith.constant 80 : index
        %get3A_792 = tpu.vector_load %get3A_789[%get3A_790, %get3A_791] {strides = array<i32>} : memref<16x128xf32, #tpu.memory_space<vmem>>, vector<16xf32>,
        %mul3A_793 = arith.mulf %get3A_785, %get3A_792 : vector<16xf32>
        %get3A_794 = arith.constant 0 : i32
        %get3A_795 = arith.constant 0 : i32
        %get3A_796 = tpu.memref_slice %arg11[%scan3A_266, %get3A_794, %get3A_795] : memref<4x16x128xf32, #tpu.memory_space<vmem>> -> memref<1x16x128xf32, #tpu.memory_space<vmem>>
        %get3A_797 = tpu.memref_squeeze %get3A_796 : memref<1x16x128xf32, #tpu.memory_space<vmem>> -> memref<16x128xf32, #tpu.memory_space<vmem>>
        %get3A_798 = arith.index_cast %add3A_703 : i32 to index
        %get3A_799 = arith.constant 96 : index
        %get3A_800 = tpu.vector_load %get3A_797[%get3A_798, %get3A_799] {strides = array<i32>} : memref<16x128xf32, #tpu.memory_space<vmem>>, vector<16xf32>,
        %get3A_801 = arith.constant 0 : i32
        %get3A_802 = arith.constant 0 : i32
        %get3A_803 = tpu.memref_slice %arg12[%scan3A_267, %get3A_801, %get3A_802] : memref<4x16x128xf32, #tpu.memory_space<vmem>> -> memref<1x16x128xf32, #tpu.memory_space<vmem>>
        %get3A_804 = tpu.memref_squeeze %get3A_803 : memref<1x16x128xf32, #tpu.memory_space<vmem>> -> memref<16x128xf32, #tpu.memory_space<vmem>>
        %get3A_805 = arith.index_cast %add3A_703 : i32 to index
        %get3A_806 = arith.constant 96 : index
        %get3A_807 = tpu.vector_load %get3A_804[%get3A_805, %get3A_806] {strides = array<i32>} : memref<16x128xf32, #tpu.memory_space<vmem>>, vector<16xf32>,
        %mul3A_808 = arith.mulf %get3A_800, %get3A_807 : vector<16xf32>
        %get3A_809 = arith.constant 0 : i32
        %get3A_810 = arith.constant 0 : i32
        %get3A_811 = tpu.memref_slice %arg11[%scan3A_266, %get3A_809, %get3A_810] : memref<4x16x128xf32, #tpu.memory_space<vmem>> -> memref<1x16x128xf32, #tpu.memory_space<vmem>>
        %get3A_812 = tpu.memref_squeeze %get3A_811 : memref<1x16x128xf32, #tpu.memory_space<vmem>> -> memref<16x128xf32, #tpu.memory_space<vmem>>
        %get3A_813 = arith.index_cast %add3A_703 : i32 to index
        %get3A_814 = arith.constant 112 : index
        %get3A_815 = tpu.vector_load %get3A_812[%get3A_813, %get3A_814] {strides = array<i32>} : memref<16x128xf32, #tpu.memory_space<vmem>>, vector<16xf32>,
        %get3A_816 = arith.constant 0 : i32
        %get3A_817 = arith.constant 0 : i32
        %get3A_818 = tpu.memref_slice %arg12[%scan3A_267, %get3A_816, %get3A_817] : memref<4x16x128xf32, #tpu.memory_space<vmem>> -> memref<1x16x128xf32, #tpu.memory_space<vmem>>
        %get3A_819 = tpu.memref_squeeze %get3A_818 : memref<1x16x128xf32, #tpu.memory_space<vmem>> -> memref<16x128xf32, #tpu.memory_space<vmem>>
        %get3A_820 = arith.index_cast %add3A_703 : i32 to index
        %get3A_821 = arith.constant 112 : index
        %get3A_822 = tpu.vector_load %get3A_819[%get3A_820, %get3A_821] {strides = array<i32>} : memref<16x128xf32, #tpu.memory_space<vmem>>, vector<16xf32>,
        %mul3A_823 = arith.mulf %get3A_815, %get3A_822 : vector<16xf32>
        %add3A_824 = arith.addf %mul3A_718, %mul3A_733 : vector<16xf32>
        %add3A_825 = arith.addf %mul3A_748, %mul3A_763 : vector<16xf32>
        %add3A_826 = arith.addf %mul3A_778, %mul3A_793 : vector<16xf32>
        %add3A_827 = arith.addf %mul3A_808, %mul3A_823 : vector<16xf32>
        %add3A_828 = arith.addf %add3A_824, %add3A_825 : vector<16xf32>
        %add3A_829 = arith.addf %add3A_826, %add3A_827 : vector<16xf32>
        %add3A_830 = arith.addf %add3A_828, %add3A_829 : vector<16xf32>
        %mul3A_831 = arith.constant 17 : i32
        %mul3A_832 = arith.muli %add3A_703, %mul3A_831 : i32
        %swap3A_833 = arith.index_cast %mul3A_832 : i32 to index
        %swap3A_834 = tpu.vector_load %arg16[%swap3A_833] {strides = array<i32>} : memref<272xf32, #tpu.memory_space<vmem>>, vector<16xf32>,
        tpu.vector_store %arg16[%swap3A_833], %add3A_830 {strides = array<i32>} : memref<272xf32, #tpu.memory_space<vmem>>, vector<16xf32>,
        %mul3A_835 = arith.constant 2 : i32
        %mul3A_836 = arith.muli %scan3A_699, %mul3A_835 : i32
        %add3A_837 = arith.constant 1 : i32
        %add3A_838 = arith.addi %mul3A_836, %add3A_837 : i32
        %get3A_839 = arith.constant 0 : i32
        %get3A_840 = arith.constant 0 : i32
        %get3A_841 = tpu.memref_slice %arg11[%scan3A_266, %get3A_839, %get3A_840] : memref<4x16x128xf32, #tpu.memory_space<vmem>> -> memref<1x16x128xf32, #tpu.memory_space<vmem>>
        %get3A_842 = tpu.memref_squeeze %get3A_841 : memref<1x16x128xf32, #tpu.memory_space<vmem>> -> memref<16x128xf32, #tpu.memory_space<vmem>>
        %get3A_843 = arith.index_cast %add3A_838 : i32 to index
        %get3A_844 = arith.constant 0 : index
        %get3A_845 = tpu.vector_load %get3A_842[%get3A_843, %get3A_844] {strides = array<i32>} : memref<16x128xf32, #tpu.memory_space<vmem>>, vector<16xf32>,
        %get3A_846 = arith.constant 0 : i32
        %get3A_847 = arith.constant 0 : i32
        %get3A_848 = tpu.memref_slice %arg12[%scan3A_267, %get3A_846, %get3A_847] : memref<4x16x128xf32, #tpu.memory_space<vmem>> -> memref<1x16x128xf32, #tpu.memory_space<vmem>>
        %get3A_849 = tpu.memref_squeeze %get3A_848 : memref<1x16x128xf32, #tpu.memory_space<vmem>> -> memref<16x128xf32, #tpu.memory_space<vmem>>
        %get3A_850 = arith.index_cast %add3A_838 : i32 to index
        %get3A_851 = arith.constant 0 : index
        %get3A_852 = tpu.vector_load %get3A_849[%get3A_850, %get3A_851] {strides = array<i32>} : memref<16x128xf32, #tpu.memory_space<vmem>>, vector<16xf32>,
        %mul3A_853 = arith.mulf %get3A_845, %get3A_852 : vector<16xf32>
        %get3A_854 = arith.constant 0 : i32
        %get3A_855 = arith.constant 0 : i32
        %get3A_856 = tpu.memref_slice %arg11[%scan3A_266, %get3A_854, %get3A_855] : memref<4x16x128xf32, #tpu.memory_space<vmem>> -> memref<1x16x128xf32, #tpu.memory_space<vmem>>
        %get3A_857 = tpu.memref_squeeze %get3A_856 : memref<1x16x128xf32, #tpu.memory_space<vmem>> -> memref<16x128xf32, #tpu.memory_space<vmem>>
        %get3A_858 = arith.index_cast %add3A_838 : i32 to index
        %get3A_859 = arith.constant 16 : index
        %get3A_860 = tpu.vector_load %get3A_857[%get3A_858, %get3A_859] {strides = array<i32>} : memref<16x128xf32, #tpu.memory_space<vmem>>, vector<16xf32>,
        %get3A_861 = arith.constant 0 : i32
        %get3A_862 = arith.constant 0 : i32
        %get3A_863 = tpu.memref_slice %arg12[%scan3A_267, %get3A_861, %get3A_862] : memref<4x16x128xf32, #tpu.memory_space<vmem>> -> memref<1x16x128xf32, #tpu.memory_space<vmem>>
        %get3A_864 = tpu.memref_squeeze %get3A_863 : memref<1x16x128xf32, #tpu.memory_space<vmem>> -> memref<16x128xf32, #tpu.memory_space<vmem>>
        %get3A_865 = arith.index_cast %add3A_838 : i32 to index
        %get3A_866 = arith.constant 16 : index
        %get3A_867 = tpu.vector_load %get3A_864[%get3A_865, %get3A_866] {strides = array<i32>} : memref<16x128xf32, #tpu.memory_space<vmem>>, vector<16xf32>,
        %mul3A_868 = arith.mulf %get3A_860, %get3A_867 : vector<16xf32>
        %get3A_869 = arith.constant 0 : i32
        %get3A_870 = arith.constant 0 : i32
        %get3A_871 = tpu.memref_slice %arg11[%scan3A_266, %get3A_869, %get3A_870] : memref<4x16x128xf32, #tpu.memory_space<vmem>> -> memref<1x16x128xf32, #tpu.memory_space<vmem>>
        %get3A_872 = tpu.memref_squeeze %get3A_871 : memref<1x16x128xf32, #tpu.memory_space<vmem>> -> memref<16x128xf32, #tpu.memory_space<vmem>>
        %get3A_873 = arith.index_cast %add3A_838 : i32 to index
        %get3A_874 = arith.constant 32 : index
        %get3A_875 = tpu.vector_load %get3A_872[%get3A_873, %get3A_874] {strides = array<i32>} : memref<16x128xf32, #tpu.memory_space<vmem>>, vector<16xf32>,
        %get3A_876 = arith.constant 0 : i32
        %get3A_877 = arith.constant 0 : i32
        %get3A_878 = tpu.memref_slice %arg12[%scan3A_267, %get3A_876, %get3A_877] : memref<4x16x128xf32, #tpu.memory_space<vmem>> -> memref<1x16x128xf32, #tpu.memory_space<vmem>>
        %get3A_879 = tpu.memref_squeeze %get3A_878 : memref<1x16x128xf32, #tpu.memory_space<vmem>> -> memref<16x128xf32, #tpu.memory_space<vmem>>
        %get3A_880 = arith.index_cast %add3A_838 : i32 to index
        %get3A_881 = arith.constant 32 : index
        %get3A_882 = tpu.vector_load %get3A_879[%get3A_880, %get3A_881] {strides = array<i32>} : memref<16x128xf32, #tpu.memory_space<vmem>>, vector<16xf32>,
        %mul3A_883 = arith.mulf %get3A_875, %get3A_882 : vector<16xf32>
        %get3A_884 = arith.constant 0 : i32
        %get3A_885 = arith.constant 0 : i32
        %get3A_886 = tpu.memref_slice %arg11[%scan3A_266, %get3A_884, %get3A_885] : memref<4x16x128xf32, #tpu.memory_space<vmem>> -> memref<1x16x128xf32, #tpu.memory_space<vmem>>
        %get3A_887 = tpu.memref_squeeze %get3A_886 : memref<1x16x128xf32, #tpu.memory_space<vmem>> -> memref<16x128xf32, #tpu.memory_space<vmem>>
        %get3A_888 = arith.index_cast %add3A_838 : i32 to index
        %get3A_889 = arith.constant 48 : index
        %get3A_890 = tpu.vector_load %get3A_887[%get3A_888, %get3A_889] {strides = array<i32>} : memref<16x128xf32, #tpu.memory_space<vmem>>, vector<16xf32>,
        %get3A_891 = arith.constant 0 : i32
        %get3A_892 = arith.constant 0 : i32
        %get3A_893 = tpu.memref_slice %arg12[%scan3A_267, %get3A_891, %get3A_892] : memref<4x16x128xf32, #tpu.memory_space<vmem>> -> memref<1x16x128xf32, #tpu.memory_space<vmem>>
        %get3A_894 = tpu.memref_squeeze %get3A_893 : memref<1x16x128xf32, #tpu.memory_space<vmem>> -> memref<16x128xf32, #tpu.memory_space<vmem>>
        %get3A_895 = arith.index_cast %add3A_838 : i32 to index
        %get3A_896 = arith.constant 48 : index
        %get3A_897 = tpu.vector_load %get3A_894[%get3A_895, %get3A_896] {strides = array<i32>} : memref<16x128xf32, #tpu.memory_space<vmem>>, vector<16xf32>,
        %mul3A_898 = arith.mulf %get3A_890, %get3A_897 : vector<16xf32>
        %get3A_899 = arith.constant 0 : i32
        %get3A_900 = arith.constant 0 : i32
        %get3A_901 = tpu.memref_slice %arg11[%scan3A_266, %get3A_899, %get3A_900] : memref<4x16x128xf32, #tpu.memory_space<vmem>> -> memref<1x16x128xf32, #tpu.memory_space<vmem>>
        %get3A_902 = tpu.memref_squeeze %get3A_901 : memref<1x16x128xf32, #tpu.memory_space<vmem>> -> memref<16x128xf32, #tpu.memory_space<vmem>>
        %get3A_903 = arith.index_cast %add3A_838 : i32 to index
        %get3A_904 = arith.constant 64 : index
        %get3A_905 = tpu.vector_load %get3A_902[%get3A_903, %get3A_904] {strides = array<i32>} : memref<16x128xf32, #tpu.memory_space<vmem>>, vector<16xf32>,
        %get3A_906 = arith.constant 0 : i32
        %get3A_907 = arith.constant 0 : i32
        %get3A_908 = tpu.memref_slice %arg12[%scan3A_267, %get3A_906, %get3A_907] : memref<4x16x128xf32, #tpu.memory_space<vmem>> -> memref<1x16x128xf32, #tpu.memory_space<vmem>>
        %get3A_909 = tpu.memref_squeeze %get3A_908 : memref<1x16x128xf32, #tpu.memory_space<vmem>> -> memref<16x128xf32, #tpu.memory_space<vmem>>
        %get3A_910 = arith.index_cast %add3A_838 : i32 to index
        %get3A_911 = arith.constant 64 : index
        %get3A_912 = tpu.vector_load %get3A_909[%get3A_910, %get3A_911] {strides = array<i32>} : memref<16x128xf32, #tpu.memory_space<vmem>>, vector<16xf32>,
        %mul3A_913 = arith.mulf %get3A_905, %get3A_912 : vector<16xf32>
        %get3A_914 = arith.constant 0 : i32
        %get3A_915 = arith.constant 0 : i32
        %get3A_916 = tpu.memref_slice %arg11[%scan3A_266, %get3A_914, %get3A_915] : memref<4x16x128xf32, #tpu.memory_space<vmem>> -> memref<1x16x128xf32, #tpu.memory_space<vmem>>
        %get3A_917 = tpu.memref_squeeze %get3A_916 : memref<1x16x128xf32, #tpu.memory_space<vmem>> -> memref<16x128xf32, #tpu.memory_space<vmem>>
        %get3A_918 = arith.index_cast %add3A_838 : i32 to index
        %get3A_919 = arith.constant 80 : index
        %get3A_920 = tpu.vector_load %get3A_917[%get3A_918, %get3A_919] {strides = array<i32>} : memref<16x128xf32, #tpu.memory_space<vmem>>, vector<16xf32>,
        %get3A_921 = arith.constant 0 : i32
        %get3A_922 = arith.constant 0 : i32
        %get3A_923 = tpu.memref_slice %arg12[%scan3A_267, %get3A_921, %get3A_922] : memref<4x16x128xf32, #tpu.memory_space<vmem>> -> memref<1x16x128xf32, #tpu.memory_space<vmem>>
        %get3A_924 = tpu.memref_squeeze %get3A_923 : memref<1x16x128xf32, #tpu.memory_space<vmem>> -> memref<16x128xf32, #tpu.memory_space<vmem>>
        %get3A_925 = arith.index_cast %add3A_838 : i32 to index
        %get3A_926 = arith.constant 80 : index
        %get3A_927 = tpu.vector_load %get3A_924[%get3A_925, %get3A_926] {strides = array<i32>} : memref<16x128xf32, #tpu.memory_space<vmem>>, vector<16xf32>,
        %mul3A_928 = arith.mulf %get3A_920, %get3A_927 : vector<16xf32>
        %get3A_929 = arith.constant 0 : i32
        %get3A_930 = arith.constant 0 : i32
        %get3A_931 = tpu.memref_slice %arg11[%scan3A_266, %get3A_929, %get3A_930] : memref<4x16x128xf32, #tpu.memory_space<vmem>> -> memref<1x16x128xf32, #tpu.memory_space<vmem>>
        %get3A_932 = tpu.memref_squeeze %get3A_931 : memref<1x16x128xf32, #tpu.memory_space<vmem>> -> memref<16x128xf32, #tpu.memory_space<vmem>>
        %get3A_933 = arith.index_cast %add3A_838 : i32 to index
        %get3A_934 = arith.constant 96 : index
        %get3A_935 = tpu.vector_load %get3A_932[%get3A_933, %get3A_934] {strides = array<i32>} : memref<16x128xf32, #tpu.memory_space<vmem>>, vector<16xf32>,
        %get3A_936 = arith.constant 0 : i32
        %get3A_937 = arith.constant 0 : i32
        %get3A_938 = tpu.memref_slice %arg12[%scan3A_267, %get3A_936, %get3A_937] : memref<4x16x128xf32, #tpu.memory_space<vmem>> -> memref<1x16x128xf32, #tpu.memory_space<vmem>>
        %get3A_939 = tpu.memref_squeeze %get3A_938 : memref<1x16x128xf32, #tpu.memory_space<vmem>> -> memref<16x128xf32, #tpu.memory_space<vmem>>
        %get3A_940 = arith.index_cast %add3A_838 : i32 to index
        %get3A_941 = arith.constant 96 : index
        %get3A_942 = tpu.vector_load %get3A_939[%get3A_940, %get3A_941] {strides = array<i32>} : memref<16x128xf32, #tpu.memory_space<vmem>>, vector<16xf32>,
        %mul3A_943 = arith.mulf %get3A_935, %get3A_942 : vector<16xf32>
        %get3A_944 = arith.constant 0 : i32
        %get3A_945 = arith.constant 0 : i32
        %get3A_946 = tpu.memref_slice %arg11[%scan3A_266, %get3A_944, %get3A_945] : memref<4x16x128xf32, #tpu.memory_space<vmem>> -> memref<1x16x128xf32, #tpu.memory_space<vmem>>
        %get3A_947 = tpu.memref_squeeze %get3A_946 : memref<1x16x128xf32, #tpu.memory_space<vmem>> -> memref<16x128xf32, #tpu.memory_space<vmem>>
        %get3A_948 = arith.index_cast %add3A_838 : i32 to index
        %get3A_949 = arith.constant 112 : index
        %get3A_950 = tpu.vector_load %get3A_947[%get3A_948, %get3A_949] {strides = array<i32>} : memref<16x128xf32, #tpu.memory_space<vmem>>, vector<16xf32>,
        %get3A_951 = arith.constant 0 : i32
        %get3A_952 = arith.constant 0 : i32
        %get3A_953 = tpu.memref_slice %arg12[%scan3A_267, %get3A_951, %get3A_952] : memref<4x16x128xf32, #tpu.memory_space<vmem>> -> memref<1x16x128xf32, #tpu.memory_space<vmem>>
        %get3A_954 = tpu.memref_squeeze %get3A_953 : memref<1x16x128xf32, #tpu.memory_space<vmem>> -> memref<16x128xf32, #tpu.memory_space<vmem>>
        %get3A_955 = arith.index_cast %add3A_838 : i32 to index
        %get3A_956 = arith.constant 112 : index
        %get3A_957 = tpu.vector_load %get3A_954[%get3A_955, %get3A_956] {strides = array<i32>} : memref<16x128xf32, #tpu.memory_space<vmem>>, vector<16xf32>,
        %mul3A_958 = arith.mulf %get3A_950, %get3A_957 : vector<16xf32>
        %add3A_959 = arith.addf %mul3A_853, %mul3A_868 : vector<16xf32>
        %add3A_960 = arith.addf %mul3A_883, %mul3A_898 : vector<16xf32>
        %add3A_961 = arith.addf %mul3A_913, %mul3A_928 : vector<16xf32>
        %add3A_962 = arith.addf %mul3A_943, %mul3A_958 : vector<16xf32>
        %add3A_963 = arith.addf %add3A_959, %add3A_960 : vector<16xf32>
        %add3A_964 = arith.addf %add3A_961, %add3A_962 : vector<16xf32>
        %add3A_965 = arith.addf %add3A_963, %add3A_964 : vector<16xf32>
        %mul3A_966 = arith.constant 17 : i32
        %mul3A_967 = arith.muli %add3A_838, %mul3A_966 : i32
        %swap3A_968 = arith.index_cast %mul3A_967 : i32 to index
        %swap3A_969 = tpu.vector_load %arg16[%swap3A_968] {strides = array<i32>} : memref<272xf32, #tpu.memory_space<vmem>>, vector<16xf32>,
        tpu.vector_store %arg16[%swap3A_968], %add3A_965 {strides = array<i32>} : memref<272xf32, #tpu.memory_space<vmem>>, vector<16xf32>,
      }
      %scan3A_272 = arith.constant 8 : i32
      %gather3A = tpu.vector_load_idx %arg16[%add3A_8] : memref<272xf32, #tpu.memory_space<vmem>>[vector<16xi32>], vector<16xf32>,
      %gather3A_273 = tpu.vector_load_idx %arg16[%add3A_11] : memref<272xf32, #tpu.memory_space<vmem>>[vector<16xi32>], vector<16xf32>,
      %gather3A_274 = tpu.vector_load_idx %arg16[%add3A_14] : memref<272xf32, #tpu.memory_space<vmem>>[vector<16xi32>], vector<16xf32>,
      %gather3A_275 = tpu.vector_load_idx %arg16[%add3A_17] : memref<272xf32, #tpu.memory_space<vmem>>[vector<16xi32>], vector<16xf32>,
      %gather3A_276 = tpu.vector_load_idx %arg16[%add3A_20] : memref<272xf32, #tpu.memory_space<vmem>>[vector<16xi32>], vector<16xf32>,
      %gather3A_277 = tpu.vector_load_idx %arg16[%add3A_23] : memref<272xf32, #tpu.memory_space<vmem>>[vector<16xi32>], vector<16xf32>,
      %gather3A_278 = tpu.vector_load_idx %arg16[%add3A_26] : memref<272xf32, #tpu.memory_space<vmem>>[vector<16xi32>], vector<16xf32>,
      %gather3A_279 = tpu.vector_load_idx %arg16[%add3A_29] : memref<272xf32, #tpu.memory_space<vmem>>[vector<16xi32>], vector<16xf32>,
      %gather3A_280 = tpu.vector_load_idx %arg16[%add3A_32] : memref<272xf32, #tpu.memory_space<vmem>>[vector<16xi32>], vector<16xf32>,
      %gather3A_281 = tpu.vector_load_idx %arg16[%add3A_35] : memref<272xf32, #tpu.memory_space<vmem>>[vector<16xi32>], vector<16xf32>,
      %gather3A_282 = tpu.vector_load_idx %arg16[%add3A_38] : memref<272xf32, #tpu.memory_space<vmem>>[vector<16xi32>], vector<16xf32>,
      %gather3A_283 = tpu.vector_load_idx %arg16[%add3A_41] : memref<272xf32, #tpu.memory_space<vmem>>[vector<16xi32>], vector<16xf32>,
      %gather3A_284 = tpu.vector_load_idx %arg16[%add3A_44] : memref<272xf32, #tpu.memory_space<vmem>>[vector<16xi32>], vector<16xf32>,
      %gather3A_285 = tpu.vector_load_idx %arg16[%add3A_47] : memref<272xf32, #tpu.memory_space<vmem>>[vector<16xi32>], vector<16xf32>,
      %gather3A_286 = tpu.vector_load_idx %arg16[%add3A_50] : memref<272xf32, #tpu.memory_space<vmem>>[vector<16xi32>], vector<16xf32>,
      %gather3A_287 = tpu.vector_load_idx %arg16[%add3A_53] : memref<272xf32, #tpu.memory_space<vmem>>[vector<16xi32>], vector<16xf32>,
      %add3A_288 = arith.addf %gather3A, %gather3A_273 : vector<16xf32>
      %add3A_289 = arith.addf %gather3A_274, %gather3A_275 : vector<16xf32>
      %add3A_290 = arith.addf %gather3A_276, %gather3A_277 : vector<16xf32>
      %add3A_291 = arith.addf %gather3A_278, %gather3A_279 : vector<16xf32>
      %add3A_292 = arith.addf %gather3A_280, %gather3A_281 : vector<16xf32>
      %add3A_293 = arith.addf %gather3A_282, %gather3A_283 : vector<16xf32>
      %add3A_294 = arith.addf %gather3A_284, %gather3A_285 : vector<16xf32>
      %add3A_295 = arith.addf %gather3A_286, %gather3A_287 : vector<16xf32>
      %add3A_296 = arith.addf %add3A_288, %add3A_289 : vector<16xf32>
      %add3A_297 = arith.addf %add3A_290, %add3A_291 : vector<16xf32>
      %add3A_298 = arith.addf %add3A_292, %add3A_293 : vector<16xf32>
      %add3A_299 = arith.addf %add3A_294, %add3A_295 : vector<16xf32>
      %add3A_300 = arith.addf %add3A_296, %add3A_297 : vector<16xf32>
      %add3A_301 = arith.addf %add3A_298, %add3A_299 : vector<16xf32>
      %add3A_302 = arith.addf %add3A_300, %add3A_301 : vector<16xf32>
      %get3A_303 = arith.constant 0 : i32
      %get3A_304 = arith.index_cast %get3A_303 : i32 to index
      %get3A_305 = arith.constant 0 : index
      %get3A_306 = tpu.vector_load %arg13[%get3A_304, %get3A_305] {strides = array<i32>} : memref<4x16xf32, #tpu.memory_space<vmem>>, vector<16xf32>,
      %add3A_307 = arith.addf %add3A_302, %get3A_306 : vector<16xf32>
      %get3A_308 = arith.constant 0 : i32
      %get3A_309 = arith.index_cast %get3A_308 : i32 to index
      %get3A_310 = arith.constant 0 : index
      %get3A_311 = tpu.vector_load %arg14[%get3A_309, %get3A_310] {strides = array<i32>} : memref<4x16xf32, #tpu.memory_space<vmem>>, vector<16xf32>,
      %add3A_312 = arith.addf %add3A_307, %get3A_311 : vector<16xf32>
      %neg3A = arith.constant 0.000000e+00 : f32
      %neg3A_313 = vector.broadcast %neg3A : f32 to vector<16xf32>
      %neg3A_314 = arith.subf %neg3A_313, %add3A_312 : vector<16xf32>
      %exp3A = math.exp %neg3A_314 : vector<16xf32>
      %add3A_315 = arith.constant 1.000000e+00 : f32
      %add3A_316 = vector.broadcast %add3A_315 : f32 to vector<16xf32>
      %add3A_317 = arith.addf %add3A_316, %exp3A : vector<16xf32>
      %div3A = arith.constant 1.000000e+00 : f32
      %div3A_318 = vector.broadcast %div3A : f32 to vector<16xf32>
      %div3A_319 = arith.divf %div3A_318, %add3A_317 : vector<16xf32>
      %mul3A_320 = arith.constant 16 : i32
      %mul3A_321 = arith.muli %add3A_213, %mul3A_320 : i32
      %swap3A = arith.index_cast %mul3A_321 : i32 to index
      %swap3A_322 = tpu.vector_load %arg15[%swap3A] {strides = array<i32>} : memref<512xf32, #tpu.memory_space<vmem>>, vector<16xf32>,
      tpu.vector_store %arg15[%swap3A], %div3A_319 {strides = array<i32>} : memref<512xf32, #tpu.memory_space<vmem>>, vector<16xf32>,
      %add3A_323 = arith.constant 4 : i32
      %add3A_324 = arith.addi %add3A_213, %add3A_323 : i32
      %lt3A = arith.constant 32 : i32
      %lt3A_325 = arith.cmpi slt, %add3A_324, %lt3A : i32
      %convert_element_type3A = arith.extui %lt3A_325 : i1 to i32
      %cond3A = arith.constant 0 : i32
      %cond3A_326 = arith.cmpi ne, %convert_element_type3A, %cond3A : i32
      scf.if %cond3A_326 {
        %add3A_699 = arith.constant 4 : i32
        %add3A_700 = arith.addi %add3A_213, %add3A_699 : i32
        %mul3A_701 = arith.constant 16 : i32
        %mul3A_702 = arith.muli %add3A_700, %mul3A_701 : i32
        %get3A_703 = arith.index_cast %mul3A_702 : i32 to index
        %get3A_704 = tpu.vector_load %arg9[%get3A_703] {strides = array<i32>} : memref<512xi32, #tpu.memory_space<vmem>>, vector<16xi32>,
        %mul3A_705 = arith.constant 16 : i32
        %mul3A_706 = arith.muli %add3A_700, %mul3A_705 : i32
        %get3A_707 = arith.index_cast %mul3A_706 : i32 to index
        %get3A_708 = tpu.vector_load %arg10[%get3A_707] {strides = array<i32>} : memref<512xi32, #tpu.memory_space<vmem>>, vector<16xi32>,
        %dma_start3A_709 = arith.constant 0 : i32
        %dma_start3A_710 = arith.constant 0 : i32
        %dma_start3A_711 = arith.constant 0 : i32
        %dma_start3A_712 = tpu.memref_slice %arg11[%dma_start3A_709, %dma_start3A_710, %dma_start3A_711] : memref<4x16x128xf32, #tpu.memory_space<vmem>> -> memref<1x16x128xf32, #tpu.memory_space<vmem>>
        %dma_start3A_713 = tpu.memref_squeeze %dma_start3A_712 : memref<1x16x128xf32, #tpu.memory_space<vmem>> -> memref<16x128xf32, #tpu.memory_space<vmem>>
        %dma_start3A_714 = arith.constant 0 : i32
        %dma_start3A_715 = arith.constant 0 : i32
        %dma_start3A_716 = tpu.memref_slice %arg4[%dma_start3A_714, %dma_start3A_715] : memref<100001x128xf32, #tpu.memory_space<hbm>> -> memref<100001x128xf32, #tpu.memory_space<hbm>>
        tpu.enqueue_indirect_dma source(%dma_start3A_716 : memref<100001x128xf32, #tpu.memory_space<hbm>>) target(%dma_start3A_713 : memref<16x128xf32, #tpu.memory_space<vmem>>) offsets(%get3A_704 : vector<16xi32>) semaphore(%arg17 : memref<!tpu.dma_semaphore, #tpu.memory_space<semaphore_mem>>)
        %dma_start3A_717 = arith.constant 0 : i32
        %dma_start3A_718 = arith.constant 0 : i32
        %dma_start3A_719 = arith.constant 0 : i32
        %dma_start3A_720 = tpu.memref_slice %arg12[%dma_start3A_717, %dma_start3A_718, %dma_start3A_719] : memref<4x16x128xf32, #tpu.memory_space<vmem>> -> memref<1x16x128xf32, #tpu.memory_space<vmem>>
        %dma_start3A_721 = tpu.memref_squeeze %dma_start3A_720 : memref<1x16x128xf32, #tpu.memory_space<vmem>> -> memref<16x128xf32, #tpu.memory_space<vmem>>
        %dma_start3A_722 = arith.constant 0 : i32
        %dma_start3A_723 = arith.constant 0 : i32
        %dma_start3A_724 = tpu.memref_slice %arg5[%dma_start3A_722, %dma_start3A_723] : memref<100001x128xf32, #tpu.memory_space<hbm>> -> memref<100001x128xf32, #tpu.memory_space<hbm>>
        tpu.enqueue_indirect_dma source(%dma_start3A_724 : memref<100001x128xf32, #tpu.memory_space<hbm>>) target(%dma_start3A_721 : memref<16x128xf32, #tpu.memory_space<vmem>>) offsets(%get3A_708 : vector<16xi32>) semaphore(%arg17 : memref<!tpu.dma_semaphore, #tpu.memory_space<semaphore_mem>>)
        %dma_start3A_725 = arith.constant 0 : i32
        %dma_start3A_726 = arith.constant 0 : i32
        %dma_start3A_727 = tpu.memref_slice %arg13[%dma_start3A_725, %dma_start3A_726] : memref<4x16xf32, #tpu.memory_space<vmem>> -> memref<1x16xf32, #tpu.memory_space<vmem>>
        %dma_start3A_728 = tpu.memref_squeeze %dma_start3A_727 : memref<1x16xf32, #tpu.memory_space<vmem>> -> memref<16xf32, #tpu.memory_space<vmem>>
        %dma_start3A_729 = arith.constant 0 : i32
        %dma_start3A_730 = tpu.memref_slice %arg6[%dma_start3A_729] : memref<100001xf32, #tpu.memory_space<hbm>> -> memref<100001xf32, #tpu.memory_space<hbm>>
        tpu.enqueue_indirect_dma source(%dma_start3A_730 : memref<100001xf32, #tpu.memory_space<hbm>>) target(%dma_start3A_728 : memref<16xf32, #tpu.memory_space<vmem>>) offsets(%get3A_704 : vector<16xi32>) semaphore(%arg17 : memref<!tpu.dma_semaphore, #tpu.memory_space<semaphore_mem>>)
        %dma_start3A_731 = arith.constant 0 : i32
        %dma_start3A_732 = arith.constant 0 : i32
        %dma_start3A_733 = tpu.memref_slice %arg14[%dma_start3A_731, %dma_start3A_732] : memref<4x16xf32, #tpu.memory_space<vmem>> -> memref<1x16xf32, #tpu.memory_space<vmem>>
        %dma_start3A_734 = tpu.memref_squeeze %dma_start3A_733 : memref<1x16xf32, #tpu.memory_space<vmem>> -> memref<16xf32, #tpu.memory_space<vmem>>
        %dma_start3A_735 = arith.constant 0 : i32
        %dma_start3A_736 = tpu.memref_slice %arg7[%dma_start3A_735] : memref<100001xf32, #tpu.memory_space<hbm>> -> memref<100001xf32, #tpu.memory_space<hbm>>
        tpu.enqueue_indirect_dma source(%dma_start3A_736 : memref<100001xf32, #tpu.memory_space<hbm>>) target(%dma_start3A_734 : memref<16xf32, #tpu.memory_space<vmem>>) offsets(%get3A_708 : vector<16xi32>) semaphore(%arg17 : memref<!tpu.dma_semaphore, #tpu.memory_space<semaphore_mem>>)
      } else {
      }
      %add3A_327 = arith.constant 1 : i32
      %add3A_328 = arith.addi %mul3A_211, %add3A_327 : i32
      %dma_wait3A_329 = arith.constant 1 : i32
      %dma_wait3A_330 = arith.constant 0 : i32
      %dma_wait3A_331 = arith.constant 0 : i32
      %dma_wait3A_332 = tpu.memref_slice %arg11[%dma_wait3A_329, %dma_wait3A_330, %dma_wait3A_331] : memref<4x16x128xf32, #tpu.memory_space<vmem>> -> memref<1x16x128xf32, #tpu.memory_space<vmem>>
      %dma_wait3A_333 = tpu.memref_squeeze %dma_wait3A_332 : memref<1x16x128xf32, #tpu.memory_space<vmem>> -> memref<16x128xf32, #tpu.memory_space<vmem>>
      %dma_wait3A_334 = arith.constant 0 : i32
      %dma_wait3A_335 = arith.constant 0 : i32
      %dma_wait3A_336 = tpu.memref_slice %arg4[%dma_wait3A_334, %dma_wait3A_335] : memref<100001x128xf32, #tpu.memory_space<hbm>> -> memref<16x128xf32, #tpu.memory_space<hbm>>
      %dma_wait3A_337 = arith.constant 0 : i32
      %dma_wait3A_338 = arith.constant 0 : i32
      %dma_wait3A_339 = tpu.memref_slice %arg11[%dma_wait3A_329, %dma_wait3A_337, %dma_wait3A_338] : memref<4x16x128xf32, #tpu.memory_space<vmem>> -> memref<1x16x128xf32, #tpu.memory_space<vmem>>
      %dma_wait3A_340 = tpu.memref_squeeze %dma_wait3A_339 : memref<1x16x128xf32, #tpu.memory_space<vmem>> -> memref<16x128xf32, #tpu.memory_space<vmem>>
      %dma_wait3A_341 = arith.constant 0 : i32
      %dma_wait3A_342 = arith.constant 0 : i32
      %dma_wait3A_343 = tpu.memref_slice %arg4[%dma_wait3A_341, %dma_wait3A_342] : memref<100001x128xf32, #tpu.memory_space<hbm>> -> memref<16x128xf32, #tpu.memory_space<hbm>>
      tpu.wait_dma2 semaphore(%arg18 : memref<!tpu.dma_semaphore, #tpu.memory_space<semaphore_mem>>) src(%dma_wait3A_343 : memref<16x128xf32, #tpu.memory_space<hbm>>) dst(%dma_wait3A_340 : memref<16x128xf32, #tpu.memory_space<vmem>>)
      %dma_wait3A_344 = arith.constant 1 : i32
      %dma_wait3A_345 = arith.constant 0 : i32
      %dma_wait3A_346 = arith.constant 0 : i32
      %dma_wait3A_347 = tpu.memref_slice %arg12[%dma_wait3A_344, %dma_wait3A_345, %dma_wait3A_346] : memref<4x16x128xf32, #tpu.memory_space<vmem>> -> memref<1x16x128xf32, #tpu.memory_space<vmem>>
      %dma_wait3A_348 = tpu.memref_squeeze %dma_wait3A_347 : memref<1x16x128xf32, #tpu.memory_space<vmem>> -> memref<16x128xf32, #tpu.memory_space<vmem>>
      %dma_wait3A_349 = arith.constant 0 : i32
      %dma_wait3A_350 = arith.constant 0 : i32
      %dma_wait3A_351 = tpu.memref_slice %arg5[%dma_wait3A_349, %dma_wait3A_350] : memref<100001x128xf32, #tpu.memory_space<hbm>> -> memref<16x128xf32, #tpu.memory_space<hbm>>
      %dma_wait3A_352 = arith.constant 0 : i32
      %dma_wait3A_353 = arith.constant 0 : i32
      %dma_wait3A_354 = tpu.memref_slice %arg12[%dma_wait3A_344, %dma_wait3A_352, %dma_wait3A_353] : memref<4x16x128xf32, #tpu.memory_space<vmem>> -> memref<1x16x128xf32, #tpu.memory_space<vmem>>
      %dma_wait3A_355 = tpu.memref_squeeze %dma_wait3A_354 : memref<1x16x128xf32, #tpu.memory_space<vmem>> -> memref<16x128xf32, #tpu.memory_space<vmem>>
      %dma_wait3A_356 = arith.constant 0 : i32
      %dma_wait3A_357 = arith.constant 0 : i32
      %dma_wait3A_358 = tpu.memref_slice %arg5[%dma_wait3A_356, %dma_wait3A_357] : memref<100001x128xf32, #tpu.memory_space<hbm>> -> memref<16x128xf32, #tpu.memory_space<hbm>>
      tpu.wait_dma2 semaphore(%arg18 : memref<!tpu.dma_semaphore, #tpu.memory_space<semaphore_mem>>) src(%dma_wait3A_358 : memref<16x128xf32, #tpu.memory_space<hbm>>) dst(%dma_wait3A_355 : memref<16x128xf32, #tpu.memory_space<vmem>>)
      %dma_wait3A_359 = arith.constant 1 : i32
      %dma_wait3A_360 = arith.constant 0 : i32
      %dma_wait3A_361 = tpu.memref_slice %arg13[%dma_wait3A_359, %dma_wait3A_360] : memref<4x16xf32, #tpu.memory_space<vmem>> -> memref<1x16xf32, #tpu.memory_space<vmem>>
      %dma_wait3A_362 = tpu.memref_squeeze %dma_wait3A_361 : memref<1x16xf32, #tpu.memory_space<vmem>> -> memref<16xf32, #tpu.memory_space<vmem>>
      %dma_wait3A_363 = arith.constant 0 : i32
      %dma_wait3A_364 = tpu.memref_slice %arg6[%dma_wait3A_363] : memref<100001xf32, #tpu.memory_space<hbm>> -> memref<16xf32, #tpu.memory_space<hbm>>
      %dma_wait3A_365 = arith.constant 0 : i32
      %dma_wait3A_366 = tpu.memref_slice %arg13[%dma_wait3A_359, %dma_wait3A_365] : memref<4x16xf32, #tpu.memory_space<vmem>> -> memref<1x16xf32, #tpu.memory_space<vmem>>
      %dma_wait3A_367 = tpu.memref_squeeze %dma_wait3A_366 : memref<1x16xf32, #tpu.memory_space<vmem>> -> memref<16xf32, #tpu.memory_space<vmem>>
      %dma_wait3A_368 = arith.constant 0 : i32
      %dma_wait3A_369 = tpu.memref_slice %arg6[%dma_wait3A_368] : memref<100001xf32, #tpu.memory_space<hbm>> -> memref<16xf32, #tpu.memory_space<hbm>>
      tpu.wait_dma2 semaphore(%arg18 : memref<!tpu.dma_semaphore, #tpu.memory_space<semaphore_mem>>) src(%dma_wait3A_369 : memref<16xf32, #tpu.memory_space<hbm>>) dst(%dma_wait3A_367 : memref<16xf32, #tpu.memory_space<vmem>>)
      %dma_wait3A_370 = arith.constant 1 : i32
      %dma_wait3A_371 = arith.constant 0 : i32
      %dma_wait3A_372 = tpu.memref_slice %arg14[%dma_wait3A_370, %dma_wait3A_371] : memref<4x16xf32, #tpu.memory_space<vmem>> -> memref<1x16xf32, #tpu.memory_space<vmem>>
      %dma_wait3A_373 = tpu.memref_squeeze %dma_wait3A_372 : memref<1x16xf32, #tpu.memory_space<vmem>> -> memref<16xf32, #tpu.memory_space<vmem>>
      %dma_wait3A_374 = arith.constant 0 : i32
      %dma_wait3A_375 = tpu.memref_slice %arg7[%dma_wait3A_374] : memref<100001xf32, #tpu.memory_space<hbm>> -> memref<16xf32, #tpu.memory_space<hbm>>
      %dma_wait3A_376 = arith.constant 0 : i32
      %dma_wait3A_377 = tpu.memref_slice %arg14[%dma_wait3A_370, %dma_wait3A_376] : memref<4x16xf32, #tpu.memory_space<vmem>> -> memref<1x16xf32, #tpu.memory_space<vmem>>
      %dma_wait3A_378 = tpu.memref_squeeze %dma_wait3A_377 : memref<1x16xf32, #tpu.memory_space<vmem>> -> memref<16xf32, #tpu.memory_space<vmem>>
      %dma_wait3A_379 = arith.constant 0 : i32
      %dma_wait3A_380 = tpu.memref_slice %arg7[%dma_wait3A_379] : memref<100001xf32, #tpu.memory_space<hbm>> -> memref<16xf32, #tpu.memory_space<hbm>>
      tpu.wait_dma2 semaphore(%arg18 : memref<!tpu.dma_semaphore, #tpu.memory_space<semaphore_mem>>) src(%dma_wait3A_380 : memref<16xf32, #tpu.memory_space<hbm>>) dst(%dma_wait3A_378 : memref<16xf32, #tpu.memory_space<vmem>>)
      %scan3A_381 = arith.constant 0 : i32
      %scan3A_382 = arith.constant 1 : i32
      %scan3A_383 = arith.constant 1 : i32
      %scan3A_384 = arith.constant 0 : i32
      %scan3A_385 = arith.constant 8 : i32
      %scan3A_386 = arith.addi %scan3A_384, %scan3A_385 : i32
      %scan3A_387 = arith.constant 1 : i32
      scf.for %scan3A_699 = %scan3A_384 to %scan3A_386 step %scan3A_387  : i32 {
        %mul3A_700 = arith.constant 2 : i32
        %mul3A_701 = arith.muli %scan3A_699, %mul3A_700 : i32
        %add3A_702 = arith.constant 0 : i32
        %add3A_703 = arith.addi %mul3A_701, %add3A_702 : i32
        %get3A_704 = arith.constant 0 : i32
        %get3A_705 = arith.constant 0 : i32
        %get3A_706 = tpu.memref_slice %arg11[%scan3A_382, %get3A_704, %get3A_705] : memref<4x16x128xf32, #tpu.memory_space<vmem>> -> memref<1x16x128xf32, #tpu.memory_space<vmem>>
        %get3A_707 = tpu.memref_squeeze %get3A_706 : memref<1x16x128xf32, #tpu.memory_space<vmem>> -> memref<16x128xf32, #tpu.memory_space<vmem>>
        %get3A_708 = arith.index_cast %add3A_703 : i32 to index
        %get3A_709 = arith.constant 0 : index
        %get3A_710 = tpu.vector_load %get3A_707[%get3A_708, %get3A_709] {strides = array<i32>} : memref<16x128xf32, #tpu.memory_space<vmem>>, vector<16xf32>,
        %get3A_711 = arith.constant 0 : i32
        %get3A_712 = arith.constant 0 : i32
        %get3A_713 = tpu.memref_slice %arg12[%scan3A_383, %get3A_711, %get3A_712] : memref<4x16x128xf32, #tpu.memory_space<vmem>> -> memref<1x16x128xf32, #tpu.memory_space<vmem>>
        %get3A_714 = tpu.memref_squeeze %get3A_713 : memref<1x16x128xf32, #tpu.memory_space<vmem>> -> memref<16x128xf32, #tpu.memory_space<vmem>>
        %get3A_715 = arith.index_cast %add3A_703 : i32 to index
        %get3A_716 = arith.constant 0 : index
        %get3A_717 = tpu.vector_load %get3A_714[%get3A_715, %get3A_716] {strides = array<i32>} : memref<16x128xf32, #tpu.memory_space<vmem>>, vector<16xf32>,
        %mul3A_718 = arith.mulf %get3A_710, %get3A_717 : vector<16xf32>
        %get3A_719 = arith.constant 0 : i32
        %get3A_720 = arith.constant 0 : i32
        %get3A_721 = tpu.memref_slice %arg11[%scan3A_382, %get3A_719, %get3A_720] : memref<4x16x128xf32, #tpu.memory_space<vmem>> -> memref<1x16x128xf32, #tpu.memory_space<vmem>>
        %get3A_722 = tpu.memref_squeeze %get3A_721 : memref<1x16x128xf32, #tpu.memory_space<vmem>> -> memref<16x128xf32, #tpu.memory_space<vmem>>
        %get3A_723 = arith.index_cast %add3A_703 : i32 to index
        %get3A_724 = arith.constant 16 : index
        %get3A_725 = tpu.vector_load %get3A_722[%get3A_723, %get3A_724] {strides = array<i32>} : memref<16x128xf32, #tpu.memory_space<vmem>>, vector<16xf32>,
        %get3A_726 = arith.constant 0 : i32
        %get3A_727 = arith.constant 0 : i32
        %get3A_728 = tpu.memref_slice %arg12[%scan3A_383, %get3A_726, %get3A_727] : memref<4x16x128xf32, #tpu.memory_space<vmem>> -> memref<1x16x128xf32, #tpu.memory_space<vmem>>
        %get3A_729 = tpu.memref_squeeze %get3A_728 : memref<1x16x128xf32, #tpu.memory_space<vmem>> -> memref<16x128xf32, #tpu.memory_space<vmem>>
        %get3A_730 = arith.index_cast %add3A_703 : i32 to index
        %get3A_731 = arith.constant 16 : index
        %get3A_732 = tpu.vector_load %get3A_729[%get3A_730, %get3A_731] {strides = array<i32>} : memref<16x128xf32, #tpu.memory_space<vmem>>, vector<16xf32>,
        %mul3A_733 = arith.mulf %get3A_725, %get3A_732 : vector<16xf32>
        %get3A_734 = arith.constant 0 : i32
        %get3A_735 = arith.constant 0 : i32
        %get3A_736 = tpu.memref_slice %arg11[%scan3A_382, %get3A_734, %get3A_735] : memref<4x16x128xf32, #tpu.memory_space<vmem>> -> memref<1x16x128xf32, #tpu.memory_space<vmem>>
        %get3A_737 = tpu.memref_squeeze %get3A_736 : memref<1x16x128xf32, #tpu.memory_space<vmem>> -> memref<16x128xf32, #tpu.memory_space<vmem>>
        %get3A_738 = arith.index_cast %add3A_703 : i32 to index
        %get3A_739 = arith.constant 32 : index
        %get3A_740 = tpu.vector_load %get3A_737[%get3A_738, %get3A_739] {strides = array<i32>} : memref<16x128xf32, #tpu.memory_space<vmem>>, vector<16xf32>,
        %get3A_741 = arith.constant 0 : i32
        %get3A_742 = arith.constant 0 : i32
        %get3A_743 = tpu.memref_slice %arg12[%scan3A_383, %get3A_741, %get3A_742] : memref<4x16x128xf32, #tpu.memory_space<vmem>> -> memref<1x16x128xf32, #tpu.memory_space<vmem>>
        %get3A_744 = tpu.memref_squeeze %get3A_743 : memref<1x16x128xf32, #tpu.memory_space<vmem>> -> memref<16x128xf32, #tpu.memory_space<vmem>>
        %get3A_745 = arith.index_cast %add3A_703 : i32 to index
        %get3A_746 = arith.constant 32 : index
        %get3A_747 = tpu.vector_load %get3A_744[%get3A_745, %get3A_746] {strides = array<i32>} : memref<16x128xf32, #tpu.memory_space<vmem>>, vector<16xf32>,
        %mul3A_748 = arith.mulf %get3A_740, %get3A_747 : vector<16xf32>
        %get3A_749 = arith.constant 0 : i32
        %get3A_750 = arith.constant 0 : i32
        %get3A_751 = tpu.memref_slice %arg11[%scan3A_382, %get3A_749, %get3A_750] : memref<4x16x128xf32, #tpu.memory_space<vmem>> -> memref<1x16x128xf32, #tpu.memory_space<vmem>>
        %get3A_752 = tpu.memref_squeeze %get3A_751 : memref<1x16x128xf32, #tpu.memory_space<vmem>> -> memref<16x128xf32, #tpu.memory_space<vmem>>
        %get3A_753 = arith.index_cast %add3A_703 : i32 to index
        %get3A_754 = arith.constant 48 : index
        %get3A_755 = tpu.vector_load %get3A_752[%get3A_753, %get3A_754] {strides = array<i32>} : memref<16x128xf32, #tpu.memory_space<vmem>>, vector<16xf32>,
        %get3A_756 = arith.constant 0 : i32
        %get3A_757 = arith.constant 0 : i32
        %get3A_758 = tpu.memref_slice %arg12[%scan3A_383, %get3A_756, %get3A_757] : memref<4x16x128xf32, #tpu.memory_space<vmem>> -> memref<1x16x128xf32, #tpu.memory_space<vmem>>
        %get3A_759 = tpu.memref_squeeze %get3A_758 : memref<1x16x128xf32, #tpu.memory_space<vmem>> -> memref<16x128xf32, #tpu.memory_space<vmem>>
        %get3A_760 = arith.index_cast %add3A_703 : i32 to index
        %get3A_761 = arith.constant 48 : index
        %get3A_762 = tpu.vector_load %get3A_759[%get3A_760, %get3A_761] {strides = array<i32>} : memref<16x128xf32, #tpu.memory_space<vmem>>, vector<16xf32>,
        %mul3A_763 = arith.mulf %get3A_755, %get3A_762 : vector<16xf32>
        %get3A_764 = arith.constant 0 : i32
        %get3A_765 = arith.constant 0 : i32
        %get3A_766 = tpu.memref_slice %arg11[%scan3A_382, %get3A_764, %get3A_765] : memref<4x16x128xf32, #tpu.memory_space<vmem>> -> memref<1x16x128xf32, #tpu.memory_space<vmem>>
        %get3A_767 = tpu.memref_squeeze %get3A_766 : memref<1x16x128xf32, #tpu.memory_space<vmem>> -> memref<16x128xf32, #tpu.memory_space<vmem>>
        %get3A_768 = arith.index_cast %add3A_703 : i32 to index
        %get3A_769 = arith.constant 64 : index
        %get3A_770 = tpu.vector_load %get3A_767[%get3A_768, %get3A_769] {strides = array<i32>} : memref<16x128xf32, #tpu.memory_space<vmem>>, vector<16xf32>,
        %get3A_771 = arith.constant 0 : i32
        %get3A_772 = arith.constant 0 : i32
        %get3A_773 = tpu.memref_slice %arg12[%scan3A_383, %get3A_771, %get3A_772] : memref<4x16x128xf32, #tpu.memory_space<vmem>> -> memref<1x16x128xf32, #tpu.memory_space<vmem>>
        %get3A_774 = tpu.memref_squeeze %get3A_773 : memref<1x16x128xf32, #tpu.memory_space<vmem>> -> memref<16x128xf32, #tpu.memory_space<vmem>>
        %get3A_775 = arith.index_cast %add3A_703 : i32 to index
        %get3A_776 = arith.constant 64 : index
        %get3A_777 = tpu.vector_load %get3A_774[%get3A_775, %get3A_776] {strides = array<i32>} : memref<16x128xf32, #tpu.memory_space<vmem>>, vector<16xf32>,
        %mul3A_778 = arith.mulf %get3A_770, %get3A_777 : vector<16xf32>
        %get3A_779 = arith.constant 0 : i32
        %get3A_780 = arith.constant 0 : i32
        %get3A_781 = tpu.memref_slice %arg11[%scan3A_382, %get3A_779, %get3A_780] : memref<4x16x128xf32, #tpu.memory_space<vmem>> -> memref<1x16x128xf32, #tpu.memory_space<vmem>>
        %get3A_782 = tpu.memref_squeeze %get3A_781 : memref<1x16x128xf32, #tpu.memory_space<vmem>> -> memref<16x128xf32, #tpu.memory_space<vmem>>
        %get3A_783 = arith.index_cast %add3A_703 : i32 to index
        %get3A_784 = arith.constant 80 : index
        %get3A_785 = tpu.vector_load %get3A_782[%get3A_783, %get3A_784] {strides = array<i32>} : memref<16x128xf32, #tpu.memory_space<vmem>>, vector<16xf32>,
        %get3A_786 = arith.constant 0 : i32
        %get3A_787 = arith.constant 0 : i32
        %get3A_788 = tpu.memref_slice %arg12[%scan3A_383, %get3A_786, %get3A_787] : memref<4x16x128xf32, #tpu.memory_space<vmem>> -> memref<1x16x128xf32, #tpu.memory_space<vmem>>
        %get3A_789 = tpu.memref_squeeze %get3A_788 : memref<1x16x128xf32, #tpu.memory_space<vmem>> -> memref<16x128xf32, #tpu.memory_space<vmem>>
        %get3A_790 = arith.index_cast %add3A_703 : i32 to index
        %get3A_791 = arith.constant 80 : index
        %get3A_792 = tpu.vector_load %get3A_789[%get3A_790, %get3A_791] {strides = array<i32>} : memref<16x128xf32, #tpu.memory_space<vmem>>, vector<16xf32>,
        %mul3A_793 = arith.mulf %get3A_785, %get3A_792 : vector<16xf32>
        %get3A_794 = arith.constant 0 : i32
        %get3A_795 = arith.constant 0 : i32
        %get3A_796 = tpu.memref_slice %arg11[%scan3A_382, %get3A_794, %get3A_795] : memref<4x16x128xf32, #tpu.memory_space<vmem>> -> memref<1x16x128xf32, #tpu.memory_space<vmem>>
        %get3A_797 = tpu.memref_squeeze %get3A_796 : memref<1x16x128xf32, #tpu.memory_space<vmem>> -> memref<16x128xf32, #tpu.memory_space<vmem>>
        %get3A_798 = arith.index_cast %add3A_703 : i32 to index
        %get3A_799 = arith.constant 96 : index
        %get3A_800 = tpu.vector_load %get3A_797[%get3A_798, %get3A_799] {strides = array<i32>} : memref<16x128xf32, #tpu.memory_space<vmem>>, vector<16xf32>,
        %get3A_801 = arith.constant 0 : i32
        %get3A_802 = arith.constant 0 : i32
        %get3A_803 = tpu.memref_slice %arg12[%scan3A_383, %get3A_801, %get3A_802] : memref<4x16x128xf32, #tpu.memory_space<vmem>> -> memref<1x16x128xf32, #tpu.memory_space<vmem>>
        %get3A_804 = tpu.memref_squeeze %get3A_803 : memref<1x16x128xf32, #tpu.memory_space<vmem>> -> memref<16x128xf32, #tpu.memory_space<vmem>>
        %get3A_805 = arith.index_cast %add3A_703 : i32 to index
        %get3A_806 = arith.constant 96 : index
        %get3A_807 = tpu.vector_load %get3A_804[%get3A_805, %get3A_806] {strides = array<i32>} : memref<16x128xf32, #tpu.memory_space<vmem>>, vector<16xf32>,
        %mul3A_808 = arith.mulf %get3A_800, %get3A_807 : vector<16xf32>
        %get3A_809 = arith.constant 0 : i32
        %get3A_810 = arith.constant 0 : i32
        %get3A_811 = tpu.memref_slice %arg11[%scan3A_382, %get3A_809, %get3A_810] : memref<4x16x128xf32, #tpu.memory_space<vmem>> -> memref<1x16x128xf32, #tpu.memory_space<vmem>>
        %get3A_812 = tpu.memref_squeeze %get3A_811 : memref<1x16x128xf32, #tpu.memory_space<vmem>> -> memref<16x128xf32, #tpu.memory_space<vmem>>
        %get3A_813 = arith.index_cast %add3A_703 : i32 to index
        %get3A_814 = arith.constant 112 : index
        %get3A_815 = tpu.vector_load %get3A_812[%get3A_813, %get3A_814] {strides = array<i32>} : memref<16x128xf32, #tpu.memory_space<vmem>>, vector<16xf32>,
        %get3A_816 = arith.constant 0 : i32
        %get3A_817 = arith.constant 0 : i32
        %get3A_818 = tpu.memref_slice %arg12[%scan3A_383, %get3A_816, %get3A_817] : memref<4x16x128xf32, #tpu.memory_space<vmem>> -> memref<1x16x128xf32, #tpu.memory_space<vmem>>
        %get3A_819 = tpu.memref_squeeze %get3A_818 : memref<1x16x128xf32, #tpu.memory_space<vmem>> -> memref<16x128xf32, #tpu.memory_space<vmem>>
        %get3A_820 = arith.index_cast %add3A_703 : i32 to index
        %get3A_821 = arith.constant 112 : index
        %get3A_822 = tpu.vector_load %get3A_819[%get3A_820, %get3A_821] {strides = array<i32>} : memref<16x128xf32, #tpu.memory_space<vmem>>, vector<16xf32>,
        %mul3A_823 = arith.mulf %get3A_815, %get3A_822 : vector<16xf32>
        %add3A_824 = arith.addf %mul3A_718, %mul3A_733 : vector<16xf32>
        %add3A_825 = arith.addf %mul3A_748, %mul3A_763 : vector<16xf32>
        %add3A_826 = arith.addf %mul3A_778, %mul3A_793 : vector<16xf32>
        %add3A_827 = arith.addf %mul3A_808, %mul3A_823 : vector<16xf32>
        %add3A_828 = arith.addf %add3A_824, %add3A_825 : vector<16xf32>
        %add3A_829 = arith.addf %add3A_826, %add3A_827 : vector<16xf32>
        %add3A_830 = arith.addf %add3A_828, %add3A_829 : vector<16xf32>
        %mul3A_831 = arith.constant 17 : i32
        %mul3A_832 = arith.muli %add3A_703, %mul3A_831 : i32
        %swap3A_833 = arith.index_cast %mul3A_832 : i32 to index
        %swap3A_834 = tpu.vector_load %arg16[%swap3A_833] {strides = array<i32>} : memref<272xf32, #tpu.memory_space<vmem>>, vector<16xf32>,
        tpu.vector_store %arg16[%swap3A_833], %add3A_830 {strides = array<i32>} : memref<272xf32, #tpu.memory_space<vmem>>, vector<16xf32>,
        %mul3A_835 = arith.constant 2 : i32
        %mul3A_836 = arith.muli %scan3A_699, %mul3A_835 : i32
        %add3A_837 = arith.constant 1 : i32
        %add3A_838 = arith.addi %mul3A_836, %add3A_837 : i32
        %get3A_839 = arith.constant 0 : i32
        %get3A_840 = arith.constant 0 : i32
        %get3A_841 = tpu.memref_slice %arg11[%scan3A_382, %get3A_839, %get3A_840] : memref<4x16x128xf32, #tpu.memory_space<vmem>> -> memref<1x16x128xf32, #tpu.memory_space<vmem>>
        %get3A_842 = tpu.memref_squeeze %get3A_841 : memref<1x16x128xf32, #tpu.memory_space<vmem>> -> memref<16x128xf32, #tpu.memory_space<vmem>>
        %get3A_843 = arith.index_cast %add3A_838 : i32 to index
        %get3A_844 = arith.constant 0 : index
        %get3A_845 = tpu.vector_load %get3A_842[%get3A_843, %get3A_844] {strides = array<i32>} : memref<16x128xf32, #tpu.memory_space<vmem>>, vector<16xf32>,
        %get3A_846 = arith.constant 0 : i32
        %get3A_847 = arith.constant 0 : i32
        %get3A_848 = tpu.memref_slice %arg12[%scan3A_383, %get3A_846, %get3A_847] : memref<4x16x128xf32, #tpu.memory_space<vmem>> -> memref<1x16x128xf32, #tpu.memory_space<vmem>>
        %get3A_849 = tpu.memref_squeeze %get3A_848 : memref<1x16x128xf32, #tpu.memory_space<vmem>> -> memref<16x128xf32, #tpu.memory_space<vmem>>
        %get3A_850 = arith.index_cast %add3A_838 : i32 to index
        %get3A_851 = arith.constant 0 : index
        %get3A_852 = tpu.vector_load %get3A_849[%get3A_850, %get3A_851] {strides = array<i32>} : memref<16x128xf32, #tpu.memory_space<vmem>>, vector<16xf32>,
        %mul3A_853 = arith.mulf %get3A_845, %get3A_852 : vector<16xf32>
        %get3A_854 = arith.constant 0 : i32
        %get3A_855 = arith.constant 0 : i32
        %get3A_856 = tpu.memref_slice %arg11[%scan3A_382, %get3A_854, %get3A_855] : memref<4x16x128xf32, #tpu.memory_space<vmem>> -> memref<1x16x128xf32, #tpu.memory_space<vmem>>
        %get3A_857 = tpu.memref_squeeze %get3A_856 : memref<1x16x128xf32, #tpu.memory_space<vmem>> -> memref<16x128xf32, #tpu.memory_space<vmem>>
        %get3A_858 = arith.index_cast %add3A_838 : i32 to index
        %get3A_859 = arith.constant 16 : index
        %get3A_860 = tpu.vector_load %get3A_857[%get3A_858, %get3A_859] {strides = array<i32>} : memref<16x128xf32, #tpu.memory_space<vmem>>, vector<16xf32>,
        %get3A_861 = arith.constant 0 : i32
        %get3A_862 = arith.constant 0 : i32
        %get3A_863 = tpu.memref_slice %arg12[%scan3A_383, %get3A_861, %get3A_862] : memref<4x16x128xf32, #tpu.memory_space<vmem>> -> memref<1x16x128xf32, #tpu.memory_space<vmem>>
        %get3A_864 = tpu.memref_squeeze %get3A_863 : memref<1x16x128xf32, #tpu.memory_space<vmem>> -> memref<16x128xf32, #tpu.memory_space<vmem>>
        %get3A_865 = arith.index_cast %add3A_838 : i32 to index
        %get3A_866 = arith.constant 16 : index
        %get3A_867 = tpu.vector_load %get3A_864[%get3A_865, %get3A_866] {strides = array<i32>} : memref<16x128xf32, #tpu.memory_space<vmem>>, vector<16xf32>,
        %mul3A_868 = arith.mulf %get3A_860, %get3A_867 : vector<16xf32>
        %get3A_869 = arith.constant 0 : i32
        %get3A_870 = arith.constant 0 : i32
        %get3A_871 = tpu.memref_slice %arg11[%scan3A_382, %get3A_869, %get3A_870] : memref<4x16x128xf32, #tpu.memory_space<vmem>> -> memref<1x16x128xf32, #tpu.memory_space<vmem>>
        %get3A_872 = tpu.memref_squeeze %get3A_871 : memref<1x16x128xf32, #tpu.memory_space<vmem>> -> memref<16x128xf32, #tpu.memory_space<vmem>>
        %get3A_873 = arith.index_cast %add3A_838 : i32 to index
        %get3A_874 = arith.constant 32 : index
        %get3A_875 = tpu.vector_load %get3A_872[%get3A_873, %get3A_874] {strides = array<i32>} : memref<16x128xf32, #tpu.memory_space<vmem>>, vector<16xf32>,
        %get3A_876 = arith.constant 0 : i32
        %get3A_877 = arith.constant 0 : i32
        %get3A_878 = tpu.memref_slice %arg12[%scan3A_383, %get3A_876, %get3A_877] : memref<4x16x128xf32, #tpu.memory_space<vmem>> -> memref<1x16x128xf32, #tpu.memory_space<vmem>>
        %get3A_879 = tpu.memref_squeeze %get3A_878 : memref<1x16x128xf32, #tpu.memory_space<vmem>> -> memref<16x128xf32, #tpu.memory_space<vmem>>
        %get3A_880 = arith.index_cast %add3A_838 : i32 to index
        %get3A_881 = arith.constant 32 : index
        %get3A_882 = tpu.vector_load %get3A_879[%get3A_880, %get3A_881] {strides = array<i32>} : memref<16x128xf32, #tpu.memory_space<vmem>>, vector<16xf32>,
        %mul3A_883 = arith.mulf %get3A_875, %get3A_882 : vector<16xf32>
        %get3A_884 = arith.constant 0 : i32
        %get3A_885 = arith.constant 0 : i32
        %get3A_886 = tpu.memref_slice %arg11[%scan3A_382, %get3A_884, %get3A_885] : memref<4x16x128xf32, #tpu.memory_space<vmem>> -> memref<1x16x128xf32, #tpu.memory_space<vmem>>
        %get3A_887 = tpu.memref_squeeze %get3A_886 : memref<1x16x128xf32, #tpu.memory_space<vmem>> -> memref<16x128xf32, #tpu.memory_space<vmem>>
        %get3A_888 = arith.index_cast %add3A_838 : i32 to index
        %get3A_889 = arith.constant 48 : index
        %get3A_890 = tpu.vector_load %get3A_887[%get3A_888, %get3A_889] {strides = array<i32>} : memref<16x128xf32, #tpu.memory_space<vmem>>, vector<16xf32>,
        %get3A_891 = arith.constant 0 : i32
        %get3A_892 = arith.constant 0 : i32
        %get3A_893 = tpu.memref_slice %arg12[%scan3A_383, %get3A_891, %get3A_892] : memref<4x16x128xf32, #tpu.memory_space<vmem>> -> memref<1x16x128xf32, #tpu.memory_space<vmem>>
        %get3A_894 = tpu.memref_squeeze %get3A_893 : memref<1x16x128xf32, #tpu.memory_space<vmem>> -> memref<16x128xf32, #tpu.memory_space<vmem>>
        %get3A_895 = arith.index_cast %add3A_838 : i32 to index
        %get3A_896 = arith.constant 48 : index
        %get3A_897 = tpu.vector_load %get3A_894[%get3A_895, %get3A_896] {strides = array<i32>} : memref<16x128xf32, #tpu.memory_space<vmem>>, vector<16xf32>,
        %mul3A_898 = arith.mulf %get3A_890, %get3A_897 : vector<16xf32>
        %get3A_899 = arith.constant 0 : i32
        %get3A_900 = arith.constant 0 : i32
        %get3A_901 = tpu.memref_slice %arg11[%scan3A_382, %get3A_899, %get3A_900] : memref<4x16x128xf32, #tpu.memory_space<vmem>> -> memref<1x16x128xf32, #tpu.memory_space<vmem>>
        %get3A_902 = tpu.memref_squeeze %get3A_901 : memref<1x16x128xf32, #tpu.memory_space<vmem>> -> memref<16x128xf32, #tpu.memory_space<vmem>>
        %get3A_903 = arith.index_cast %add3A_838 : i32 to index
        %get3A_904 = arith.constant 64 : index
        %get3A_905 = tpu.vector_load %get3A_902[%get3A_903, %get3A_904] {strides = array<i32>} : memref<16x128xf32, #tpu.memory_space<vmem>>, vector<16xf32>,
        %get3A_906 = arith.constant 0 : i32
        %get3A_907 = arith.constant 0 : i32
        %get3A_908 = tpu.memref_slice %arg12[%scan3A_383, %get3A_906, %get3A_907] : memref<4x16x128xf32, #tpu.memory_space<vmem>> -> memref<1x16x128xf32, #tpu.memory_space<vmem>>
        %get3A_909 = tpu.memref_squeeze %get3A_908 : memref<1x16x128xf32, #tpu.memory_space<vmem>> -> memref<16x128xf32, #tpu.memory_space<vmem>>
        %get3A_910 = arith.index_cast %add3A_838 : i32 to index
        %get3A_911 = arith.constant 64 : index
        %get3A_912 = tpu.vector_load %get3A_909[%get3A_910, %get3A_911] {strides = array<i32>} : memref<16x128xf32, #tpu.memory_space<vmem>>, vector<16xf32>,
        %mul3A_913 = arith.mulf %get3A_905, %get3A_912 : vector<16xf32>
        %get3A_914 = arith.constant 0 : i32
        %get3A_915 = arith.constant 0 : i32
        %get3A_916 = tpu.memref_slice %arg11[%scan3A_382, %get3A_914, %get3A_915] : memref<4x16x128xf32, #tpu.memory_space<vmem>> -> memref<1x16x128xf32, #tpu.memory_space<vmem>>
        %get3A_917 = tpu.memref_squeeze %get3A_916 : memref<1x16x128xf32, #tpu.memory_space<vmem>> -> memref<16x128xf32, #tpu.memory_space<vmem>>
        %get3A_918 = arith.index_cast %add3A_838 : i32 to index
        %get3A_919 = arith.constant 80 : index
        %get3A_920 = tpu.vector_load %get3A_917[%get3A_918, %get3A_919] {strides = array<i32>} : memref<16x128xf32, #tpu.memory_space<vmem>>, vector<16xf32>,
        %get3A_921 = arith.constant 0 : i32
        %get3A_922 = arith.constant 0 : i32
        %get3A_923 = tpu.memref_slice %arg12[%scan3A_383, %get3A_921, %get3A_922] : memref<4x16x128xf32, #tpu.memory_space<vmem>> -> memref<1x16x128xf32, #tpu.memory_space<vmem>>
        %get3A_924 = tpu.memref_squeeze %get3A_923 : memref<1x16x128xf32, #tpu.memory_space<vmem>> -> memref<16x128xf32, #tpu.memory_space<vmem>>
        %get3A_925 = arith.index_cast %add3A_838 : i32 to index
        %get3A_926 = arith.constant 80 : index
        %get3A_927 = tpu.vector_load %get3A_924[%get3A_925, %get3A_926] {strides = array<i32>} : memref<16x128xf32, #tpu.memory_space<vmem>>, vector<16xf32>,
        %mul3A_928 = arith.mulf %get3A_920, %get3A_927 : vector<16xf32>
        %get3A_929 = arith.constant 0 : i32
        %get3A_930 = arith.constant 0 : i32
        %get3A_931 = tpu.memref_slice %arg11[%scan3A_382, %get3A_929, %get3A_930] : memref<4x16x128xf32, #tpu.memory_space<vmem>> -> memref<1x16x128xf32, #tpu.memory_space<vmem>>
        %get3A_932 = tpu.memref_squeeze %get3A_931 : memref<1x16x128xf32, #tpu.memory_space<vmem>> -> memref<16x128xf32, #tpu.memory_space<vmem>>
        %get3A_933 = arith.index_cast %add3A_838 : i32 to index
        %get3A_934 = arith.constant 96 : index
        %get3A_935 = tpu.vector_load %get3A_932[%get3A_933, %get3A_934] {strides = array<i32>} : memref<16x128xf32, #tpu.memory_space<vmem>>, vector<16xf32>,
        %get3A_936 = arith.constant 0 : i32
        %get3A_937 = arith.constant 0 : i32
        %get3A_938 = tpu.memref_slice %arg12[%scan3A_383, %get3A_936, %get3A_937] : memref<4x16x128xf32, #tpu.memory_space<vmem>> -> memref<1x16x128xf32, #tpu.memory_space<vmem>>
        %get3A_939 = tpu.memref_squeeze %get3A_938 : memref<1x16x128xf32, #tpu.memory_space<vmem>> -> memref<16x128xf32, #tpu.memory_space<vmem>>
        %get3A_940 = arith.index_cast %add3A_838 : i32 to index
        %get3A_941 = arith.constant 96 : index
        %get3A_942 = tpu.vector_load %get3A_939[%get3A_940, %get3A_941] {strides = array<i32>} : memref<16x128xf32, #tpu.memory_space<vmem>>, vector<16xf32>,
        %mul3A_943 = arith.mulf %get3A_935, %get3A_942 : vector<16xf32>
        %get3A_944 = arith.constant 0 : i32
        %get3A_945 = arith.constant 0 : i32
        %get3A_946 = tpu.memref_slice %arg11[%scan3A_382, %get3A_944, %get3A_945] : memref<4x16x128xf32, #tpu.memory_space<vmem>> -> memref<1x16x128xf32, #tpu.memory_space<vmem>>
        %get3A_947 = tpu.memref_squeeze %get3A_946 : memref<1x16x128xf32, #tpu.memory_space<vmem>> -> memref<16x128xf32, #tpu.memory_space<vmem>>
        %get3A_948 = arith.index_cast %add3A_838 : i32 to index
        %get3A_949 = arith.constant 112 : index
        %get3A_950 = tpu.vector_load %get3A_947[%get3A_948, %get3A_949] {strides = array<i32>} : memref<16x128xf32, #tpu.memory_space<vmem>>, vector<16xf32>,
        %get3A_951 = arith.constant 0 : i32
        %get3A_952 = arith.constant 0 : i32
        %get3A_953 = tpu.memref_slice %arg12[%scan3A_383, %get3A_951, %get3A_952] : memref<4x16x128xf32, #tpu.memory_space<vmem>> -> memref<1x16x128xf32, #tpu.memory_space<vmem>>
        %get3A_954 = tpu.memref_squeeze %get3A_953 : memref<1x16x128xf32, #tpu.memory_space<vmem>> -> memref<16x128xf32, #tpu.memory_space<vmem>>
        %get3A_955 = arith.index_cast %add3A_838 : i32 to index
        %get3A_956 = arith.constant 112 : index
        %get3A_957 = tpu.vector_load %get3A_954[%get3A_955, %get3A_956] {strides = array<i32>} : memref<16x128xf32, #tpu.memory_space<vmem>>, vector<16xf32>,
        %mul3A_958 = arith.mulf %get3A_950, %get3A_957 : vector<16xf32>
        %add3A_959 = arith.addf %mul3A_853, %mul3A_868 : vector<16xf32>
        %add3A_960 = arith.addf %mul3A_883, %mul3A_898 : vector<16xf32>
        %add3A_961 = arith.addf %mul3A_913, %mul3A_928 : vector<16xf32>
        %add3A_962 = arith.addf %mul3A_943, %mul3A_958 : vector<16xf32>
        %add3A_963 = arith.addf %add3A_959, %add3A_960 : vector<16xf32>
        %add3A_964 = arith.addf %add3A_961, %add3A_962 : vector<16xf32>
        %add3A_965 = arith.addf %add3A_963, %add3A_964 : vector<16xf32>
        %mul3A_966 = arith.constant 17 : i32
        %mul3A_967 = arith.muli %add3A_838, %mul3A_966 : i32
        %swap3A_968 = arith.index_cast %mul3A_967 : i32 to index
        %swap3A_969 = tpu.vector_load %arg16[%swap3A_968] {strides = array<i32>} : memref<272xf32, #tpu.memory_space<vmem>>, vector<16xf32>,
        tpu.vector_store %arg16[%swap3A_968], %add3A_965 {strides = array<i32>} : memref<272xf32, #tpu.memory_space<vmem>>, vector<16xf32>,
      }
      %scan3A_388 = arith.constant 8 : i32
      %gather3A_389 = tpu.vector_load_idx %arg16[%add3A_8] : memref<272xf32, #tpu.memory_space<vmem>>[vector<16xi32>], vector<16xf32>,
      %gather3A_390 = tpu.vector_load_idx %arg16[%add3A_11] : memref<272xf32, #tpu.memory_space<vmem>>[vector<16xi32>], vector<16xf32>,
      %gather3A_391 = tpu.vector_load_idx %arg16[%add3A_14] : memref<272xf32, #tpu.memory_space<vmem>>[vector<16xi32>], vector<16xf32>,
      %gather3A_392 = tpu.vector_load_idx %arg16[%add3A_17] : memref<272xf32, #tpu.memory_space<vmem>>[vector<16xi32>], vector<16xf32>,
      %gather3A_393 = tpu.vector_load_idx %arg16[%add3A_20] : memref<272xf32, #tpu.memory_space<vmem>>[vector<16xi32>], vector<16xf32>,
      %gather3A_394 = tpu.vector_load_idx %arg16[%add3A_23] : memref<272xf32, #tpu.memory_space<vmem>>[vector<16xi32>], vector<16xf32>,
      %gather3A_395 = tpu.vector_load_idx %arg16[%add3A_26] : memref<272xf32, #tpu.memory_space<vmem>>[vector<16xi32>], vector<16xf32>,
      %gather3A_396 = tpu.vector_load_idx %arg16[%add3A_29] : memref<272xf32, #tpu.memory_space<vmem>>[vector<16xi32>], vector<16xf32>,
      %gather3A_397 = tpu.vector_load_idx %arg16[%add3A_32] : memref<272xf32, #tpu.memory_space<vmem>>[vector<16xi32>], vector<16xf32>,
      %gather3A_398 = tpu.vector_load_idx %arg16[%add3A_35] : memref<272xf32, #tpu.memory_space<vmem>>[vector<16xi32>], vector<16xf32>,
      %gather3A_399 = tpu.vector_load_idx %arg16[%add3A_38] : memref<272xf32, #tpu.memory_space<vmem>>[vector<16xi32>], vector<16xf32>,
      %gather3A_400 = tpu.vector_load_idx %arg16[%add3A_41] : memref<272xf32, #tpu.memory_space<vmem>>[vector<16xi32>], vector<16xf32>,
      %gather3A_401 = tpu.vector_load_idx %arg16[%add3A_44] : memref<272xf32, #tpu.memory_space<vmem>>[vector<16xi32>], vector<16xf32>,
      %gather3A_402 = tpu.vector_load_idx %arg16[%add3A_47] : memref<272xf32, #tpu.memory_space<vmem>>[vector<16xi32>], vector<16xf32>,
      %gather3A_403 = tpu.vector_load_idx %arg16[%add3A_50] : memref<272xf32, #tpu.memory_space<vmem>>[vector<16xi32>], vector<16xf32>,
      %gather3A_404 = tpu.vector_load_idx %arg16[%add3A_53] : memref<272xf32, #tpu.memory_space<vmem>>[vector<16xi32>], vector<16xf32>,
      %add3A_405 = arith.addf %gather3A_389, %gather3A_390 : vector<16xf32>
      %add3A_406 = arith.addf %gather3A_391, %gather3A_392 : vector<16xf32>
      %add3A_407 = arith.addf %gather3A_393, %gather3A_394 : vector<16xf32>
      %add3A_408 = arith.addf %gather3A_395, %gather3A_396 : vector<16xf32>
      %add3A_409 = arith.addf %gather3A_397, %gather3A_398 : vector<16xf32>
      %add3A_410 = arith.addf %gather3A_399, %gather3A_400 : vector<16xf32>
      %add3A_411 = arith.addf %gather3A_401, %gather3A_402 : vector<16xf32>
      %add3A_412 = arith.addf %gather3A_403, %gather3A_404 : vector<16xf32>
      %add3A_413 = arith.addf %add3A_405, %add3A_406 : vector<16xf32>
      %add3A_414 = arith.addf %add3A_407, %add3A_408 : vector<16xf32>
      %add3A_415 = arith.addf %add3A_409, %add3A_410 : vector<16xf32>
      %add3A_416 = arith.addf %add3A_411, %add3A_412 : vector<16xf32>
      %add3A_417 = arith.addf %add3A_413, %add3A_414 : vector<16xf32>
      %add3A_418 = arith.addf %add3A_415, %add3A_416 : vector<16xf32>
      %add3A_419 = arith.addf %add3A_417, %add3A_418 : vector<16xf32>
      %get3A_420 = arith.constant 1 : i32
      %get3A_421 = arith.index_cast %get3A_420 : i32 to index
      %get3A_422 = arith.constant 0 : index
      %get3A_423 = tpu.vector_load %arg13[%get3A_421, %get3A_422] {strides = array<i32>} : memref<4x16xf32, #tpu.memory_space<vmem>>, vector<16xf32>,
      %add3A_424 = arith.addf %add3A_419, %get3A_423 : vector<16xf32>
      %get3A_425 = arith.constant 1 : i32
      %get3A_426 = arith.index_cast %get3A_425 : i32 to index
      %get3A_427 = arith.constant 0 : index
      %get3A_428 = tpu.vector_load %arg14[%get3A_426, %get3A_427] {strides = array<i32>} : memref<4x16xf32, #tpu.memory_space<vmem>>, vector<16xf32>,
      %add3A_429 = arith.addf %add3A_424, %get3A_428 : vector<16xf32>
      %neg3A_430 = arith.constant 0.000000e+00 : f32
      %neg3A_431 = vector.broadcast %neg3A_430 : f32 to vector<16xf32>
      %neg3A_432 = arith.subf %neg3A_431, %add3A_429 : vector<16xf32>
      %exp3A_433 = math.exp %neg3A_432 : vector<16xf32>
      %add3A_434 = arith.constant 1.000000e+00 : f32
      %add3A_435 = vector.broadcast %add3A_434 : f32 to vector<16xf32>
      %add3A_436 = arith.addf %add3A_435, %exp3A_433 : vector<16xf32>
      %div3A_437 = arith.constant 1.000000e+00 : f32
      %div3A_438 = vector.broadcast %div3A_437 : f32 to vector<16xf32>
      %div3A_439 = arith.divf %div3A_438, %add3A_436 : vector<16xf32>
      %mul3A_440 = arith.constant 16 : i32
      %mul3A_441 = arith.muli %add3A_328, %mul3A_440 : i32
      %swap3A_442 = arith.index_cast %mul3A_441 : i32 to index
      %swap3A_443 = tpu.vector_load %arg15[%swap3A_442] {strides = array<i32>} : memref<512xf32, #tpu.memory_space<vmem>>, vector<16xf32>,
      tpu.vector_store %arg15[%swap3A_442], %div3A_439 {strides = array<i32>} : memref<512xf32, #tpu.memory_space<vmem>>, vector<16xf32>,
      %add3A_444 = arith.constant 4 : i32
      %add3A_445 = arith.addi %add3A_328, %add3A_444 : i32
      %lt3A_446 = arith.constant 32 : i32
      %lt3A_447 = arith.cmpi slt, %add3A_445, %lt3A_446 : i32
      %convert_element_type3A_448 = arith.extui %lt3A_447 : i1 to i32
      %cond3A_449 = arith.constant 0 : i32
      %cond3A_450 = arith.cmpi ne, %convert_element_type3A_448, %cond3A_449 : i32
      scf.if %cond3A_450 {
        %add3A_699 = arith.constant 4 : i32
        %add3A_700 = arith.addi %add3A_328, %add3A_699 : i32
        %mul3A_701 = arith.constant 16 : i32
        %mul3A_702 = arith.muli %add3A_700, %mul3A_701 : i32
        %get3A_703 = arith.index_cast %mul3A_702 : i32 to index
        %get3A_704 = tpu.vector_load %arg9[%get3A_703] {strides = array<i32>} : memref<512xi32, #tpu.memory_space<vmem>>, vector<16xi32>,
        %mul3A_705 = arith.constant 16 : i32
        %mul3A_706 = arith.muli %add3A_700, %mul3A_705 : i32
        %get3A_707 = arith.index_cast %mul3A_706 : i32 to index
        %get3A_708 = tpu.vector_load %arg10[%get3A_707] {strides = array<i32>} : memref<512xi32, #tpu.memory_space<vmem>>, vector<16xi32>,
        %dma_start3A_709 = arith.constant 1 : i32
        %dma_start3A_710 = arith.constant 0 : i32
        %dma_start3A_711 = arith.constant 0 : i32
        %dma_start3A_712 = tpu.memref_slice %arg11[%dma_start3A_709, %dma_start3A_710, %dma_start3A_711] : memref<4x16x128xf32, #tpu.memory_space<vmem>> -> memref<1x16x128xf32, #tpu.memory_space<vmem>>
        %dma_start3A_713 = tpu.memref_squeeze %dma_start3A_712 : memref<1x16x128xf32, #tpu.memory_space<vmem>> -> memref<16x128xf32, #tpu.memory_space<vmem>>
        %dma_start3A_714 = arith.constant 0 : i32
        %dma_start3A_715 = arith.constant 0 : i32
        %dma_start3A_716 = tpu.memref_slice %arg4[%dma_start3A_714, %dma_start3A_715] : memref<100001x128xf32, #tpu.memory_space<hbm>> -> memref<100001x128xf32, #tpu.memory_space<hbm>>
        tpu.enqueue_indirect_dma source(%dma_start3A_716 : memref<100001x128xf32, #tpu.memory_space<hbm>>) target(%dma_start3A_713 : memref<16x128xf32, #tpu.memory_space<vmem>>) offsets(%get3A_704 : vector<16xi32>) semaphore(%arg18 : memref<!tpu.dma_semaphore, #tpu.memory_space<semaphore_mem>>)
        %dma_start3A_717 = arith.constant 1 : i32
        %dma_start3A_718 = arith.constant 0 : i32
        %dma_start3A_719 = arith.constant 0 : i32
        %dma_start3A_720 = tpu.memref_slice %arg12[%dma_start3A_717, %dma_start3A_718, %dma_start3A_719] : memref<4x16x128xf32, #tpu.memory_space<vmem>> -> memref<1x16x128xf32, #tpu.memory_space<vmem>>
        %dma_start3A_721 = tpu.memref_squeeze %dma_start3A_720 : memref<1x16x128xf32, #tpu.memory_space<vmem>> -> memref<16x128xf32, #tpu.memory_space<vmem>>
        %dma_start3A_722 = arith.constant 0 : i32
        %dma_start3A_723 = arith.constant 0 : i32
        %dma_start3A_724 = tpu.memref_slice %arg5[%dma_start3A_722, %dma_start3A_723] : memref<100001x128xf32, #tpu.memory_space<hbm>> -> memref<100001x128xf32, #tpu.memory_space<hbm>>
        tpu.enqueue_indirect_dma source(%dma_start3A_724 : memref<100001x128xf32, #tpu.memory_space<hbm>>) target(%dma_start3A_721 : memref<16x128xf32, #tpu.memory_space<vmem>>) offsets(%get3A_708 : vector<16xi32>) semaphore(%arg18 : memref<!tpu.dma_semaphore, #tpu.memory_space<semaphore_mem>>)
        %dma_start3A_725 = arith.constant 1 : i32
        %dma_start3A_726 = arith.constant 0 : i32
        %dma_start3A_727 = tpu.memref_slice %arg13[%dma_start3A_725, %dma_start3A_726] : memref<4x16xf32, #tpu.memory_space<vmem>> -> memref<1x16xf32, #tpu.memory_space<vmem>>
        %dma_start3A_728 = tpu.memref_squeeze %dma_start3A_727 : memref<1x16xf32, #tpu.memory_space<vmem>> -> memref<16xf32, #tpu.memory_space<vmem>>
        %dma_start3A_729 = arith.constant 0 : i32
        %dma_start3A_730 = tpu.memref_slice %arg6[%dma_start3A_729] : memref<100001xf32, #tpu.memory_space<hbm>> -> memref<100001xf32, #tpu.memory_space<hbm>>
        tpu.enqueue_indirect_dma source(%dma_start3A_730 : memref<100001xf32, #tpu.memory_space<hbm>>) target(%dma_start3A_728 : memref<16xf32, #tpu.memory_space<vmem>>) offsets(%get3A_704 : vector<16xi32>) semaphore(%arg18 : memref<!tpu.dma_semaphore, #tpu.memory_space<semaphore_mem>>)
        %dma_start3A_731 = arith.constant 1 : i32
        %dma_start3A_732 = arith.constant 0 : i32
        %dma_start3A_733 = tpu.memref_slice %arg14[%dma_start3A_731, %dma_start3A_732] : memref<4x16xf32, #tpu.memory_space<vmem>> -> memref<1x16xf32, #tpu.memory_space<vmem>>
        %dma_start3A_734 = tpu.memref_squeeze %dma_start3A_733 : memref<1x16xf32, #tpu.memory_space<vmem>> -> memref<16xf32, #tpu.memory_space<vmem>>
        %dma_start3A_735 = arith.constant 0 : i32
        %dma_start3A_736 = tpu.memref_slice %arg7[%dma_start3A_735] : memref<100001xf32, #tpu.memory_space<hbm>> -> memref<100001xf32, #tpu.memory_space<hbm>>
        tpu.enqueue_indirect_dma source(%dma_start3A_736 : memref<100001xf32, #tpu.memory_space<hbm>>) target(%dma_start3A_734 : memref<16xf32, #tpu.memory_space<vmem>>) offsets(%get3A_708 : vector<16xi32>) semaphore(%arg18 : memref<!tpu.dma_semaphore, #tpu.memory_space<semaphore_mem>>)
      } else {
      }
      %add3A_451 = arith.constant 2 : i32
      %add3A_452 = arith.addi %mul3A_211, %add3A_451 : i32
      %dma_wait3A_453 = arith.constant 2 : i32
      %dma_wait3A_454 = arith.constant 0 : i32
      %dma_wait3A_455 = arith.constant 0 : i32
      %dma_wait3A_456 = tpu.memref_slice %arg11[%dma_wait3A_453, %dma_wait3A_454, %dma_wait3A_455] : memref<4x16x128xf32, #tpu.memory_space<vmem>> -> memref<1x16x128xf32, #tpu.memory_space<vmem>>
      %dma_wait3A_457 = tpu.memref_squeeze %dma_wait3A_456 : memref<1x16x128xf32, #tpu.memory_space<vmem>> -> memref<16x128xf32, #tpu.memory_space<vmem>>
      %dma_wait3A_458 = arith.constant 0 : i32
      %dma_wait3A_459 = arith.constant 0 : i32
      %dma_wait3A_460 = tpu.memref_slice %arg4[%dma_wait3A_458, %dma_wait3A_459] : memref<100001x128xf32, #tpu.memory_space<hbm>> -> memref<16x128xf32, #tpu.memory_space<hbm>>
      %dma_wait3A_461 = arith.constant 0 : i32
      %dma_wait3A_462 = arith.constant 0 : i32
      %dma_wait3A_463 = tpu.memref_slice %arg11[%dma_wait3A_453, %dma_wait3A_461, %dma_wait3A_462] : memref<4x16x128xf32, #tpu.memory_space<vmem>> -> memref<1x16x128xf32, #tpu.memory_space<vmem>>
      %dma_wait3A_464 = tpu.memref_squeeze %dma_wait3A_463 : memref<1x16x128xf32, #tpu.memory_space<vmem>> -> memref<16x128xf32, #tpu.memory_space<vmem>>
      %dma_wait3A_465 = arith.constant 0 : i32
      %dma_wait3A_466 = arith.constant 0 : i32
      %dma_wait3A_467 = tpu.memref_slice %arg4[%dma_wait3A_465, %dma_wait3A_466] : memref<100001x128xf32, #tpu.memory_space<hbm>> -> memref<16x128xf32, #tpu.memory_space<hbm>>
      tpu.wait_dma2 semaphore(%arg19 : memref<!tpu.dma_semaphore, #tpu.memory_space<semaphore_mem>>) src(%dma_wait3A_467 : memref<16x128xf32, #tpu.memory_space<hbm>>) dst(%dma_wait3A_464 : memref<16x128xf32, #tpu.memory_space<vmem>>)
      %dma_wait3A_468 = arith.constant 2 : i32
      %dma_wait3A_469 = arith.constant 0 : i32
      %dma_wait3A_470 = arith.constant 0 : i32
      %dma_wait3A_471 = tpu.memref_slice %arg12[%dma_wait3A_468, %dma_wait3A_469, %dma_wait3A_470] : memref<4x16x128xf32, #tpu.memory_space<vmem>> -> memref<1x16x128xf32, #tpu.memory_space<vmem>>
      %dma_wait3A_472 = tpu.memref_squeeze %dma_wait3A_471 : memref<1x16x128xf32, #tpu.memory_space<vmem>> -> memref<16x128xf32, #tpu.memory_space<vmem>>
      %dma_wait3A_473 = arith.constant 0 : i32
      %dma_wait3A_474 = arith.constant 0 : i32
      %dma_wait3A_475 = tpu.memref_slice %arg5[%dma_wait3A_473, %dma_wait3A_474] : memref<100001x128xf32, #tpu.memory_space<hbm>> -> memref<16x128xf32, #tpu.memory_space<hbm>>
      %dma_wait3A_476 = arith.constant 0 : i32
      %dma_wait3A_477 = arith.constant 0 : i32
      %dma_wait3A_478 = tpu.memref_slice %arg12[%dma_wait3A_468, %dma_wait3A_476, %dma_wait3A_477] : memref<4x16x128xf32, #tpu.memory_space<vmem>> -> memref<1x16x128xf32, #tpu.memory_space<vmem>>
      %dma_wait3A_479 = tpu.memref_squeeze %dma_wait3A_478 : memref<1x16x128xf32, #tpu.memory_space<vmem>> -> memref<16x128xf32, #tpu.memory_space<vmem>>
      %dma_wait3A_480 = arith.constant 0 : i32
      %dma_wait3A_481 = arith.constant 0 : i32
      %dma_wait3A_482 = tpu.memref_slice %arg5[%dma_wait3A_480, %dma_wait3A_481] : memref<100001x128xf32, #tpu.memory_space<hbm>> -> memref<16x128xf32, #tpu.memory_space<hbm>>
      tpu.wait_dma2 semaphore(%arg19 : memref<!tpu.dma_semaphore, #tpu.memory_space<semaphore_mem>>) src(%dma_wait3A_482 : memref<16x128xf32, #tpu.memory_space<hbm>>) dst(%dma_wait3A_479 : memref<16x128xf32, #tpu.memory_space<vmem>>)
      %dma_wait3A_483 = arith.constant 2 : i32
      %dma_wait3A_484 = arith.constant 0 : i32
      %dma_wait3A_485 = tpu.memref_slice %arg13[%dma_wait3A_483, %dma_wait3A_484] : memref<4x16xf32, #tpu.memory_space<vmem>> -> memref<1x16xf32, #tpu.memory_space<vmem>>
      %dma_wait3A_486 = tpu.memref_squeeze %dma_wait3A_485 : memref<1x16xf32, #tpu.memory_space<vmem>> -> memref<16xf32, #tpu.memory_space<vmem>>
      %dma_wait3A_487 = arith.constant 0 : i32
      %dma_wait3A_488 = tpu.memref_slice %arg6[%dma_wait3A_487] : memref<100001xf32, #tpu.memory_space<hbm>> -> memref<16xf32, #tpu.memory_space<hbm>>
      %dma_wait3A_489 = arith.constant 0 : i32
      %dma_wait3A_490 = tpu.memref_slice %arg13[%dma_wait3A_483, %dma_wait3A_489] : memref<4x16xf32, #tpu.memory_space<vmem>> -> memref<1x16xf32, #tpu.memory_space<vmem>>
      %dma_wait3A_491 = tpu.memref_squeeze %dma_wait3A_490 : memref<1x16xf32, #tpu.memory_space<vmem>> -> memref<16xf32, #tpu.memory_space<vmem>>
      %dma_wait3A_492 = arith.constant 0 : i32
      %dma_wait3A_493 = tpu.memref_slice %arg6[%dma_wait3A_492] : memref<100001xf32, #tpu.memory_space<hbm>> -> memref<16xf32, #tpu.memory_space<hbm>>
      tpu.wait_dma2 semaphore(%arg19 : memref<!tpu.dma_semaphore, #tpu.memory_space<semaphore_mem>>) src(%dma_wait3A_493 : memref<16xf32, #tpu.memory_space<hbm>>) dst(%dma_wait3A_491 : memref<16xf32, #tpu.memory_space<vmem>>)
      %dma_wait3A_494 = arith.constant 2 : i32
      %dma_wait3A_495 = arith.constant 0 : i32
      %dma_wait3A_496 = tpu.memref_slice %arg14[%dma_wait3A_494, %dma_wait3A_495] : memref<4x16xf32, #tpu.memory_space<vmem>> -> memref<1x16xf32, #tpu.memory_space<vmem>>
      %dma_wait3A_497 = tpu.memref_squeeze %dma_wait3A_496 : memref<1x16xf32, #tpu.memory_space<vmem>> -> memref<16xf32, #tpu.memory_space<vmem>>
      %dma_wait3A_498 = arith.constant 0 : i32
      %dma_wait3A_499 = tpu.memref_slice %arg7[%dma_wait3A_498] : memref<100001xf32, #tpu.memory_space<hbm>> -> memref<16xf32, #tpu.memory_space<hbm>>
      %dma_wait3A_500 = arith.constant 0 : i32
      %dma_wait3A_501 = tpu.memref_slice %arg14[%dma_wait3A_494, %dma_wait3A_500] : memref<4x16xf32, #tpu.memory_space<vmem>> -> memref<1x16xf32, #tpu.memory_space<vmem>>
      %dma_wait3A_502 = tpu.memref_squeeze %dma_wait3A_501 : memref<1x16xf32, #tpu.memory_space<vmem>> -> memref<16xf32, #tpu.memory_space<vmem>>
      %dma_wait3A_503 = arith.constant 0 : i32
      %dma_wait3A_504 = tpu.memref_slice %arg7[%dma_wait3A_503] : memref<100001xf32, #tpu.memory_space<hbm>> -> memref<16xf32, #tpu.memory_space<hbm>>
      tpu.wait_dma2 semaphore(%arg19 : memref<!tpu.dma_semaphore, #tpu.memory_space<semaphore_mem>>) src(%dma_wait3A_504 : memref<16xf32, #tpu.memory_space<hbm>>) dst(%dma_wait3A_502 : memref<16xf32, #tpu.memory_space<vmem>>)
      %scan3A_505 = arith.constant 0 : i32
      %scan3A_506 = arith.constant 2 : i32
      %scan3A_507 = arith.constant 2 : i32
      %scan3A_508 = arith.constant 0 : i32
      %scan3A_509 = arith.constant 8 : i32
      %scan3A_510 = arith.addi %scan3A_508, %scan3A_509 : i32
      %scan3A_511 = arith.constant 1 : i32
      scf.for %scan3A_699 = %scan3A_508 to %scan3A_510 step %scan3A_511  : i32 {
        %mul3A_700 = arith.constant 2 : i32
        %mul3A_701 = arith.muli %scan3A_699, %mul3A_700 : i32
        %add3A_702 = arith.constant 0 : i32
        %add3A_703 = arith.addi %mul3A_701, %add3A_702 : i32
        %get3A_704 = arith.constant 0 : i32
        %get3A_705 = arith.constant 0 : i32
        %get3A_706 = tpu.memref_slice %arg11[%scan3A_506, %get3A_704, %get3A_705] : memref<4x16x128xf32, #tpu.memory_space<vmem>> -> memref<1x16x128xf32, #tpu.memory_space<vmem>>
        %get3A_707 = tpu.memref_squeeze %get3A_706 : memref<1x16x128xf32, #tpu.memory_space<vmem>> -> memref<16x128xf32, #tpu.memory_space<vmem>>
        %get3A_708 = arith.index_cast %add3A_703 : i32 to index
        %get3A_709 = arith.constant 0 : index
        %get3A_710 = tpu.vector_load %get3A_707[%get3A_708, %get3A_709] {strides = array<i32>} : memref<16x128xf32, #tpu.memory_space<vmem>>, vector<16xf32>,
        %get3A_711 = arith.constant 0 : i32
        %get3A_712 = arith.constant 0 : i32
        %get3A_713 = tpu.memref_slice %arg12[%scan3A_507, %get3A_711, %get3A_712] : memref<4x16x128xf32, #tpu.memory_space<vmem>> -> memref<1x16x128xf32, #tpu.memory_space<vmem>>
        %get3A_714 = tpu.memref_squeeze %get3A_713 : memref<1x16x128xf32, #tpu.memory_space<vmem>> -> memref<16x128xf32, #tpu.memory_space<vmem>>
        %get3A_715 = arith.index_cast %add3A_703 : i32 to index
        %get3A_716 = arith.constant 0 : index
        %get3A_717 = tpu.vector_load %get3A_714[%get3A_715, %get3A_716] {strides = array<i32>} : memref<16x128xf32, #tpu.memory_space<vmem>>, vector<16xf32>,
        %mul3A_718 = arith.mulf %get3A_710, %get3A_717 : vector<16xf32>
        %get3A_719 = arith.constant 0 : i32
        %get3A_720 = arith.constant 0 : i32
        %get3A_721 = tpu.memref_slice %arg11[%scan3A_506, %get3A_719, %get3A_720] : memref<4x16x128xf32, #tpu.memory_space<vmem>> -> memref<1x16x128xf32, #tpu.memory_space<vmem>>
        %get3A_722 = tpu.memref_squeeze %get3A_721 : memref<1x16x128xf32, #tpu.memory_space<vmem>> -> memref<16x128xf32, #tpu.memory_space<vmem>>
        %get3A_723 = arith.index_cast %add3A_703 : i32 to index
        %get3A_724 = arith.constant 16 : index
        %get3A_725 = tpu.vector_load %get3A_722[%get3A_723, %get3A_724] {strides = array<i32>} : memref<16x128xf32, #tpu.memory_space<vmem>>, vector<16xf32>,
        %get3A_726 = arith.constant 0 : i32
        %get3A_727 = arith.constant 0 : i32
        %get3A_728 = tpu.memref_slice %arg12[%scan3A_507, %get3A_726, %get3A_727] : memref<4x16x128xf32, #tpu.memory_space<vmem>> -> memref<1x16x128xf32, #tpu.memory_space<vmem>>
        %get3A_729 = tpu.memref_squeeze %get3A_728 : memref<1x16x128xf32, #tpu.memory_space<vmem>> -> memref<16x128xf32, #tpu.memory_space<vmem>>
        %get3A_730 = arith.index_cast %add3A_703 : i32 to index
        %get3A_731 = arith.constant 16 : index
        %get3A_732 = tpu.vector_load %get3A_729[%get3A_730, %get3A_731] {strides = array<i32>} : memref<16x128xf32, #tpu.memory_space<vmem>>, vector<16xf32>,
        %mul3A_733 = arith.mulf %get3A_725, %get3A_732 : vector<16xf32>
        %get3A_734 = arith.constant 0 : i32
        %get3A_735 = arith.constant 0 : i32
        %get3A_736 = tpu.memref_slice %arg11[%scan3A_506, %get3A_734, %get3A_735] : memref<4x16x128xf32, #tpu.memory_space<vmem>> -> memref<1x16x128xf32, #tpu.memory_space<vmem>>
        %get3A_737 = tpu.memref_squeeze %get3A_736 : memref<1x16x128xf32, #tpu.memory_space<vmem>> -> memref<16x128xf32, #tpu.memory_space<vmem>>
        %get3A_738 = arith.index_cast %add3A_703 : i32 to index
        %get3A_739 = arith.constant 32 : index
        %get3A_740 = tpu.vector_load %get3A_737[%get3A_738, %get3A_739] {strides = array<i32>} : memref<16x128xf32, #tpu.memory_space<vmem>>, vector<16xf32>,
        %get3A_741 = arith.constant 0 : i32
        %get3A_742 = arith.constant 0 : i32
        %get3A_743 = tpu.memref_slice %arg12[%scan3A_507, %get3A_741, %get3A_742] : memref<4x16x128xf32, #tpu.memory_space<vmem>> -> memref<1x16x128xf32, #tpu.memory_space<vmem>>
        %get3A_744 = tpu.memref_squeeze %get3A_743 : memref<1x16x128xf32, #tpu.memory_space<vmem>> -> memref<16x128xf32, #tpu.memory_space<vmem>>
        %get3A_745 = arith.index_cast %add3A_703 : i32 to index
        %get3A_746 = arith.constant 32 : index
        %get3A_747 = tpu.vector_load %get3A_744[%get3A_745, %get3A_746] {strides = array<i32>} : memref<16x128xf32, #tpu.memory_space<vmem>>, vector<16xf32>,
        %mul3A_748 = arith.mulf %get3A_740, %get3A_747 : vector<16xf32>
        %get3A_749 = arith.constant 0 : i32
        %get3A_750 = arith.constant 0 : i32
        %get3A_751 = tpu.memref_slice %arg11[%scan3A_506, %get3A_749, %get3A_750] : memref<4x16x128xf32, #tpu.memory_space<vmem>> -> memref<1x16x128xf32, #tpu.memory_space<vmem>>
        %get3A_752 = tpu.memref_squeeze %get3A_751 : memref<1x16x128xf32, #tpu.memory_space<vmem>> -> memref<16x128xf32, #tpu.memory_space<vmem>>
        %get3A_753 = arith.index_cast %add3A_703 : i32 to index
        %get3A_754 = arith.constant 48 : index
        %get3A_755 = tpu.vector_load %get3A_752[%get3A_753, %get3A_754] {strides = array<i32>} : memref<16x128xf32, #tpu.memory_space<vmem>>, vector<16xf32>,
        %get3A_756 = arith.constant 0 : i32
        %get3A_757 = arith.constant 0 : i32
        %get3A_758 = tpu.memref_slice %arg12[%scan3A_507, %get3A_756, %get3A_757] : memref<4x16x128xf32, #tpu.memory_space<vmem>> -> memref<1x16x128xf32, #tpu.memory_space<vmem>>
        %get3A_759 = tpu.memref_squeeze %get3A_758 : memref<1x16x128xf32, #tpu.memory_space<vmem>> -> memref<16x128xf32, #tpu.memory_space<vmem>>
        %get3A_760 = arith.index_cast %add3A_703 : i32 to index
        %get3A_761 = arith.constant 48 : index
        %get3A_762 = tpu.vector_load %get3A_759[%get3A_760, %get3A_761] {strides = array<i32>} : memref<16x128xf32, #tpu.memory_space<vmem>>, vector<16xf32>,
        %mul3A_763 = arith.mulf %get3A_755, %get3A_762 : vector<16xf32>
        %get3A_764 = arith.constant 0 : i32
        %get3A_765 = arith.constant 0 : i32
        %get3A_766 = tpu.memref_slice %arg11[%scan3A_506, %get3A_764, %get3A_765] : memref<4x16x128xf32, #tpu.memory_space<vmem>> -> memref<1x16x128xf32, #tpu.memory_space<vmem>>
        %get3A_767 = tpu.memref_squeeze %get3A_766 : memref<1x16x128xf32, #tpu.memory_space<vmem>> -> memref<16x128xf32, #tpu.memory_space<vmem>>
        %get3A_768 = arith.index_cast %add3A_703 : i32 to index
        %get3A_769 = arith.constant 64 : index
        %get3A_770 = tpu.vector_load %get3A_767[%get3A_768, %get3A_769] {strides = array<i32>} : memref<16x128xf32, #tpu.memory_space<vmem>>, vector<16xf32>,
        %get3A_771 = arith.constant 0 : i32
        %get3A_772 = arith.constant 0 : i32
        %get3A_773 = tpu.memref_slice %arg12[%scan3A_507, %get3A_771, %get3A_772] : memref<4x16x128xf32, #tpu.memory_space<vmem>> -> memref<1x16x128xf32, #tpu.memory_space<vmem>>
        %get3A_774 = tpu.memref_squeeze %get3A_773 : memref<1x16x128xf32, #tpu.memory_space<vmem>> -> memref<16x128xf32, #tpu.memory_space<vmem>>
        %get3A_775 = arith.index_cast %add3A_703 : i32 to index
        %get3A_776 = arith.constant 64 : index
        %get3A_777 = tpu.vector_load %get3A_774[%get3A_775, %get3A_776] {strides = array<i32>} : memref<16x128xf32, #tpu.memory_space<vmem>>, vector<16xf32>,
        %mul3A_778 = arith.mulf %get3A_770, %get3A_777 : vector<16xf32>
        %get3A_779 = arith.constant 0 : i32
        %get3A_780 = arith.constant 0 : i32
        %get3A_781 = tpu.memref_slice %arg11[%scan3A_506, %get3A_779, %get3A_780] : memref<4x16x128xf32, #tpu.memory_space<vmem>> -> memref<1x16x128xf32, #tpu.memory_space<vmem>>
        %get3A_782 = tpu.memref_squeeze %get3A_781 : memref<1x16x128xf32, #tpu.memory_space<vmem>> -> memref<16x128xf32, #tpu.memory_space<vmem>>
        %get3A_783 = arith.index_cast %add3A_703 : i32 to index
        %get3A_784 = arith.constant 80 : index
        %get3A_785 = tpu.vector_load %get3A_782[%get3A_783, %get3A_784] {strides = array<i32>} : memref<16x128xf32, #tpu.memory_space<vmem>>, vector<16xf32>,
        %get3A_786 = arith.constant 0 : i32
        %get3A_787 = arith.constant 0 : i32
        %get3A_788 = tpu.memref_slice %arg12[%scan3A_507, %get3A_786, %get3A_787] : memref<4x16x128xf32, #tpu.memory_space<vmem>> -> memref<1x16x128xf32, #tpu.memory_space<vmem>>
        %get3A_789 = tpu.memref_squeeze %get3A_788 : memref<1x16x128xf32, #tpu.memory_space<vmem>> -> memref<16x128xf32, #tpu.memory_space<vmem>>
        %get3A_790 = arith.index_cast %add3A_703 : i32 to index
        %get3A_791 = arith.constant 80 : index
        %get3A_792 = tpu.vector_load %get3A_789[%get3A_790, %get3A_791] {strides = array<i32>} : memref<16x128xf32, #tpu.memory_space<vmem>>, vector<16xf32>,
        %mul3A_793 = arith.mulf %get3A_785, %get3A_792 : vector<16xf32>
        %get3A_794 = arith.constant 0 : i32
        %get3A_795 = arith.constant 0 : i32
        %get3A_796 = tpu.memref_slice %arg11[%scan3A_506, %get3A_794, %get3A_795] : memref<4x16x128xf32, #tpu.memory_space<vmem>> -> memref<1x16x128xf32, #tpu.memory_space<vmem>>
        %get3A_797 = tpu.memref_squeeze %get3A_796 : memref<1x16x128xf32, #tpu.memory_space<vmem>> -> memref<16x128xf32, #tpu.memory_space<vmem>>
        %get3A_798 = arith.index_cast %add3A_703 : i32 to index
        %get3A_799 = arith.constant 96 : index
        %get3A_800 = tpu.vector_load %get3A_797[%get3A_798, %get3A_799] {strides = array<i32>} : memref<16x128xf32, #tpu.memory_space<vmem>>, vector<16xf32>,
        %get3A_801 = arith.constant 0 : i32
        %get3A_802 = arith.constant 0 : i32
        %get3A_803 = tpu.memref_slice %arg12[%scan3A_507, %get3A_801, %get3A_802] : memref<4x16x128xf32, #tpu.memory_space<vmem>> -> memref<1x16x128xf32, #tpu.memory_space<vmem>>
        %get3A_804 = tpu.memref_squeeze %get3A_803 : memref<1x16x128xf32, #tpu.memory_space<vmem>> -> memref<16x128xf32, #tpu.memory_space<vmem>>
        %get3A_805 = arith.index_cast %add3A_703 : i32 to index
        %get3A_806 = arith.constant 96 : index
        %get3A_807 = tpu.vector_load %get3A_804[%get3A_805, %get3A_806] {strides = array<i32>} : memref<16x128xf32, #tpu.memory_space<vmem>>, vector<16xf32>,
        %mul3A_808 = arith.mulf %get3A_800, %get3A_807 : vector<16xf32>
        %get3A_809 = arith.constant 0 : i32
        %get3A_810 = arith.constant 0 : i32
        %get3A_811 = tpu.memref_slice %arg11[%scan3A_506, %get3A_809, %get3A_810] : memref<4x16x128xf32, #tpu.memory_space<vmem>> -> memref<1x16x128xf32, #tpu.memory_space<vmem>>
        %get3A_812 = tpu.memref_squeeze %get3A_811 : memref<1x16x128xf32, #tpu.memory_space<vmem>> -> memref<16x128xf32, #tpu.memory_space<vmem>>
        %get3A_813 = arith.index_cast %add3A_703 : i32 to index
        %get3A_814 = arith.constant 112 : index
        %get3A_815 = tpu.vector_load %get3A_812[%get3A_813, %get3A_814] {strides = array<i32>} : memref<16x128xf32, #tpu.memory_space<vmem>>, vector<16xf32>,
        %get3A_816 = arith.constant 0 : i32
        %get3A_817 = arith.constant 0 : i32
        %get3A_818 = tpu.memref_slice %arg12[%scan3A_507, %get3A_816, %get3A_817] : memref<4x16x128xf32, #tpu.memory_space<vmem>> -> memref<1x16x128xf32, #tpu.memory_space<vmem>>
        %get3A_819 = tpu.memref_squeeze %get3A_818 : memref<1x16x128xf32, #tpu.memory_space<vmem>> -> memref<16x128xf32, #tpu.memory_space<vmem>>
        %get3A_820 = arith.index_cast %add3A_703 : i32 to index
        %get3A_821 = arith.constant 112 : index
        %get3A_822 = tpu.vector_load %get3A_819[%get3A_820, %get3A_821] {strides = array<i32>} : memref<16x128xf32, #tpu.memory_space<vmem>>, vector<16xf32>,
        %mul3A_823 = arith.mulf %get3A_815, %get3A_822 : vector<16xf32>
        %add3A_824 = arith.addf %mul3A_718, %mul3A_733 : vector<16xf32>
        %add3A_825 = arith.addf %mul3A_748, %mul3A_763 : vector<16xf32>
        %add3A_826 = arith.addf %mul3A_778, %mul3A_793 : vector<16xf32>
        %add3A_827 = arith.addf %mul3A_808, %mul3A_823 : vector<16xf32>
        %add3A_828 = arith.addf %add3A_824, %add3A_825 : vector<16xf32>
        %add3A_829 = arith.addf %add3A_826, %add3A_827 : vector<16xf32>
        %add3A_830 = arith.addf %add3A_828, %add3A_829 : vector<16xf32>
        %mul3A_831 = arith.constant 17 : i32
        %mul3A_832 = arith.muli %add3A_703, %mul3A_831 : i32
        %swap3A_833 = arith.index_cast %mul3A_832 : i32 to index
        %swap3A_834 = tpu.vector_load %arg16[%swap3A_833] {strides = array<i32>} : memref<272xf32, #tpu.memory_space<vmem>>, vector<16xf32>,
        tpu.vector_store %arg16[%swap3A_833], %add3A_830 {strides = array<i32>} : memref<272xf32, #tpu.memory_space<vmem>>, vector<16xf32>,
        %mul3A_835 = arith.constant 2 : i32
        %mul3A_836 = arith.muli %scan3A_699, %mul3A_835 : i32
        %add3A_837 = arith.constant 1 : i32
        %add3A_838 = arith.addi %mul3A_836, %add3A_837 : i32
        %get3A_839 = arith.constant 0 : i32
        %get3A_840 = arith.constant 0 : i32
        %get3A_841 = tpu.memref_slice %arg11[%scan3A_506, %get3A_839, %get3A_840] : memref<4x16x128xf32, #tpu.memory_space<vmem>> -> memref<1x16x128xf32, #tpu.memory_space<vmem>>
        %get3A_842 = tpu.memref_squeeze %get3A_841 : memref<1x16x128xf32, #tpu.memory_space<vmem>> -> memref<16x128xf32, #tpu.memory_space<vmem>>
        %get3A_843 = arith.index_cast %add3A_838 : i32 to index
        %get3A_844 = arith.constant 0 : index
        %get3A_845 = tpu.vector_load %get3A_842[%get3A_843, %get3A_844] {strides = array<i32>} : memref<16x128xf32, #tpu.memory_space<vmem>>, vector<16xf32>,
        %get3A_846 = arith.constant 0 : i32
        %get3A_847 = arith.constant 0 : i32
        %get3A_848 = tpu.memref_slice %arg12[%scan3A_507, %get3A_846, %get3A_847] : memref<4x16x128xf32, #tpu.memory_space<vmem>> -> memref<1x16x128xf32, #tpu.memory_space<vmem>>
        %get3A_849 = tpu.memref_squeeze %get3A_848 : memref<1x16x128xf32, #tpu.memory_space<vmem>> -> memref<16x128xf32, #tpu.memory_space<vmem>>
        %get3A_850 = arith.index_cast %add3A_838 : i32 to index
        %get3A_851 = arith.constant 0 : index
        %get3A_852 = tpu.vector_load %get3A_849[%get3A_850, %get3A_851] {strides = array<i32>} : memref<16x128xf32, #tpu.memory_space<vmem>>, vector<16xf32>,
        %mul3A_853 = arith.mulf %get3A_845, %get3A_852 : vector<16xf32>
        %get3A_854 = arith.constant 0 : i32
        %get3A_855 = arith.constant 0 : i32
        %get3A_856 = tpu.memref_slice %arg11[%scan3A_506, %get3A_854, %get3A_855] : memref<4x16x128xf32, #tpu.memory_space<vmem>> -> memref<1x16x128xf32, #tpu.memory_space<vmem>>
        %get3A_857 = tpu.memref_squeeze %get3A_856 : memref<1x16x128xf32, #tpu.memory_space<vmem>> -> memref<16x128xf32, #tpu.memory_space<vmem>>
        %get3A_858 = arith.index_cast %add3A_838 : i32 to index
        %get3A_859 = arith.constant 16 : index
        %get3A_860 = tpu.vector_load %get3A_857[%get3A_858, %get3A_859] {strides = array<i32>} : memref<16x128xf32, #tpu.memory_space<vmem>>, vector<16xf32>,
        %get3A_861 = arith.constant 0 : i32
        %get3A_862 = arith.constant 0 : i32
        %get3A_863 = tpu.memref_slice %arg12[%scan3A_507, %get3A_861, %get3A_862] : memref<4x16x128xf32, #tpu.memory_space<vmem>> -> memref<1x16x128xf32, #tpu.memory_space<vmem>>
        %get3A_864 = tpu.memref_squeeze %get3A_863 : memref<1x16x128xf32, #tpu.memory_space<vmem>> -> memref<16x128xf32, #tpu.memory_space<vmem>>
        %get3A_865 = arith.index_cast %add3A_838 : i32 to index
        %get3A_866 = arith.constant 16 : index
        %get3A_867 = tpu.vector_load %get3A_864[%get3A_865, %get3A_866] {strides = array<i32>} : memref<16x128xf32, #tpu.memory_space<vmem>>, vector<16xf32>,
        %mul3A_868 = arith.mulf %get3A_860, %get3A_867 : vector<16xf32>
        %get3A_869 = arith.constant 0 : i32
        %get3A_870 = arith.constant 0 : i32
        %get3A_871 = tpu.memref_slice %arg11[%scan3A_506, %get3A_869, %get3A_870] : memref<4x16x128xf32, #tpu.memory_space<vmem>> -> memref<1x16x128xf32, #tpu.memory_space<vmem>>
        %get3A_872 = tpu.memref_squeeze %get3A_871 : memref<1x16x128xf32, #tpu.memory_space<vmem>> -> memref<16x128xf32, #tpu.memory_space<vmem>>
        %get3A_873 = arith.index_cast %add3A_838 : i32 to index
        %get3A_874 = arith.constant 32 : index
        %get3A_875 = tpu.vector_load %get3A_872[%get3A_873, %get3A_874] {strides = array<i32>} : memref<16x128xf32, #tpu.memory_space<vmem>>, vector<16xf32>,
        %get3A_876 = arith.constant 0 : i32
        %get3A_877 = arith.constant 0 : i32
        %get3A_878 = tpu.memref_slice %arg12[%scan3A_507, %get3A_876, %get3A_877] : memref<4x16x128xf32, #tpu.memory_space<vmem>> -> memref<1x16x128xf32, #tpu.memory_space<vmem>>
        %get3A_879 = tpu.memref_squeeze %get3A_878 : memref<1x16x128xf32, #tpu.memory_space<vmem>> -> memref<16x128xf32, #tpu.memory_space<vmem>>
        %get3A_880 = arith.index_cast %add3A_838 : i32 to index
        %get3A_881 = arith.constant 32 : index
        %get3A_882 = tpu.vector_load %get3A_879[%get3A_880, %get3A_881] {strides = array<i32>} : memref<16x128xf32, #tpu.memory_space<vmem>>, vector<16xf32>,
        %mul3A_883 = arith.mulf %get3A_875, %get3A_882 : vector<16xf32>
        %get3A_884 = arith.constant 0 : i32
        %get3A_885 = arith.constant 0 : i32
        %get3A_886 = tpu.memref_slice %arg11[%scan3A_506, %get3A_884, %get3A_885] : memref<4x16x128xf32, #tpu.memory_space<vmem>> -> memref<1x16x128xf32, #tpu.memory_space<vmem>>
        %get3A_887 = tpu.memref_squeeze %get3A_886 : memref<1x16x128xf32, #tpu.memory_space<vmem>> -> memref<16x128xf32, #tpu.memory_space<vmem>>
        %get3A_888 = arith.index_cast %add3A_838 : i32 to index
        %get3A_889 = arith.constant 48 : index
        %get3A_890 = tpu.vector_load %get3A_887[%get3A_888, %get3A_889] {strides = array<i32>} : memref<16x128xf32, #tpu.memory_space<vmem>>, vector<16xf32>,
        %get3A_891 = arith.constant 0 : i32
        %get3A_892 = arith.constant 0 : i32
        %get3A_893 = tpu.memref_slice %arg12[%scan3A_507, %get3A_891, %get3A_892] : memref<4x16x128xf32, #tpu.memory_space<vmem>> -> memref<1x16x128xf32, #tpu.memory_space<vmem>>
        %get3A_894 = tpu.memref_squeeze %get3A_893 : memref<1x16x128xf32, #tpu.memory_space<vmem>> -> memref<16x128xf32, #tpu.memory_space<vmem>>
        %get3A_895 = arith.index_cast %add3A_838 : i32 to index
        %get3A_896 = arith.constant 48 : index
        %get3A_897 = tpu.vector_load %get3A_894[%get3A_895, %get3A_896] {strides = array<i32>} : memref<16x128xf32, #tpu.memory_space<vmem>>, vector<16xf32>,
        %mul3A_898 = arith.mulf %get3A_890, %get3A_897 : vector<16xf32>
        %get3A_899 = arith.constant 0 : i32
        %get3A_900 = arith.constant 0 : i32
        %get3A_901 = tpu.memref_slice %arg11[%scan3A_506, %get3A_899, %get3A_900] : memref<4x16x128xf32, #tpu.memory_space<vmem>> -> memref<1x16x128xf32, #tpu.memory_space<vmem>>
        %get3A_902 = tpu.memref_squeeze %get3A_901 : memref<1x16x128xf32, #tpu.memory_space<vmem>> -> memref<16x128xf32, #tpu.memory_space<vmem>>
        %get3A_903 = arith.index_cast %add3A_838 : i32 to index
        %get3A_904 = arith.constant 64 : index
        %get3A_905 = tpu.vector_load %get3A_902[%get3A_903, %get3A_904] {strides = array<i32>} : memref<16x128xf32, #tpu.memory_space<vmem>>, vector<16xf32>,
        %get3A_906 = arith.constant 0 : i32
        %get3A_907 = arith.constant 0 : i32
        %get3A_908 = tpu.memref_slice %arg12[%scan3A_507, %get3A_906, %get3A_907] : memref<4x16x128xf32, #tpu.memory_space<vmem>> -> memref<1x16x128xf32, #tpu.memory_space<vmem>>
        %get3A_909 = tpu.memref_squeeze %get3A_908 : memref<1x16x128xf32, #tpu.memory_space<vmem>> -> memref<16x128xf32, #tpu.memory_space<vmem>>
        %get3A_910 = arith.index_cast %add3A_838 : i32 to index
        %get3A_911 = arith.constant 64 : index
        %get3A_912 = tpu.vector_load %get3A_909[%get3A_910, %get3A_911] {strides = array<i32>} : memref<16x128xf32, #tpu.memory_space<vmem>>, vector<16xf32>,
        %mul3A_913 = arith.mulf %get3A_905, %get3A_912 : vector<16xf32>
        %get3A_914 = arith.constant 0 : i32
        %get3A_915 = arith.constant 0 : i32
        %get3A_916 = tpu.memref_slice %arg11[%scan3A_506, %get3A_914, %get3A_915] : memref<4x16x128xf32, #tpu.memory_space<vmem>> -> memref<1x16x128xf32, #tpu.memory_space<vmem>>
        %get3A_917 = tpu.memref_squeeze %get3A_916 : memref<1x16x128xf32, #tpu.memory_space<vmem>> -> memref<16x128xf32, #tpu.memory_space<vmem>>
        %get3A_918 = arith.index_cast %add3A_838 : i32 to index
        %get3A_919 = arith.constant 80 : index
        %get3A_920 = tpu.vector_load %get3A_917[%get3A_918, %get3A_919] {strides = array<i32>} : memref<16x128xf32, #tpu.memory_space<vmem>>, vector<16xf32>,
        %get3A_921 = arith.constant 0 : i32
        %get3A_922 = arith.constant 0 : i32
        %get3A_923 = tpu.memref_slice %arg12[%scan3A_507, %get3A_921, %get3A_922] : memref<4x16x128xf32, #tpu.memory_space<vmem>> -> memref<1x16x128xf32, #tpu.memory_space<vmem>>
        %get3A_924 = tpu.memref_squeeze %get3A_923 : memref<1x16x128xf32, #tpu.memory_space<vmem>> -> memref<16x128xf32, #tpu.memory_space<vmem>>
        %get3A_925 = arith.index_cast %add3A_838 : i32 to index
        %get3A_926 = arith.constant 80 : index
        %get3A_927 = tpu.vector_load %get3A_924[%get3A_925, %get3A_926] {strides = array<i32>} : memref<16x128xf32, #tpu.memory_space<vmem>>, vector<16xf32>,
        %mul3A_928 = arith.mulf %get3A_920, %get3A_927 : vector<16xf32>
        %get3A_929 = arith.constant 0 : i32
        %get3A_930 = arith.constant 0 : i32
        %get3A_931 = tpu.memref_slice %arg11[%scan3A_506, %get3A_929, %get3A_930] : memref<4x16x128xf32, #tpu.memory_space<vmem>> -> memref<1x16x128xf32, #tpu.memory_space<vmem>>
        %get3A_932 = tpu.memref_squeeze %get3A_931 : memref<1x16x128xf32, #tpu.memory_space<vmem>> -> memref<16x128xf32, #tpu.memory_space<vmem>>
        %get3A_933 = arith.index_cast %add3A_838 : i32 to index
        %get3A_934 = arith.constant 96 : index
        %get3A_935 = tpu.vector_load %get3A_932[%get3A_933, %get3A_934] {strides = array<i32>} : memref<16x128xf32, #tpu.memory_space<vmem>>, vector<16xf32>,
        %get3A_936 = arith.constant 0 : i32
        %get3A_937 = arith.constant 0 : i32
        %get3A_938 = tpu.memref_slice %arg12[%scan3A_507, %get3A_936, %get3A_937] : memref<4x16x128xf32, #tpu.memory_space<vmem>> -> memref<1x16x128xf32, #tpu.memory_space<vmem>>
        %get3A_939 = tpu.memref_squeeze %get3A_938 : memref<1x16x128xf32, #tpu.memory_space<vmem>> -> memref<16x128xf32, #tpu.memory_space<vmem>>
        %get3A_940 = arith.index_cast %add3A_838 : i32 to index
        %get3A_941 = arith.constant 96 : index
        %get3A_942 = tpu.vector_load %get3A_939[%get3A_940, %get3A_941] {strides = array<i32>} : memref<16x128xf32, #tpu.memory_space<vmem>>, vector<16xf32>,
        %mul3A_943 = arith.mulf %get3A_935, %get3A_942 : vector<16xf32>
        %get3A_944 = arith.constant 0 : i32
        %get3A_945 = arith.constant 0 : i32
        %get3A_946 = tpu.memref_slice %arg11[%scan3A_506, %get3A_944, %get3A_945] : memref<4x16x128xf32, #tpu.memory_space<vmem>> -> memref<1x16x128xf32, #tpu.memory_space<vmem>>
        %get3A_947 = tpu.memref_squeeze %get3A_946 : memref<1x16x128xf32, #tpu.memory_space<vmem>> -> memref<16x128xf32, #tpu.memory_space<vmem>>
        %get3A_948 = arith.index_cast %add3A_838 : i32 to index
        %get3A_949 = arith.constant 112 : index
        %get3A_950 = tpu.vector_load %get3A_947[%get3A_948, %get3A_949] {strides = array<i32>} : memref<16x128xf32, #tpu.memory_space<vmem>>, vector<16xf32>,
        %get3A_951 = arith.constant 0 : i32
        %get3A_952 = arith.constant 0 : i32
        %get3A_953 = tpu.memref_slice %arg12[%scan3A_507, %get3A_951, %get3A_952] : memref<4x16x128xf32, #tpu.memory_space<vmem>> -> memref<1x16x128xf32, #tpu.memory_space<vmem>>
        %get3A_954 = tpu.memref_squeeze %get3A_953 : memref<1x16x128xf32, #tpu.memory_space<vmem>> -> memref<16x128xf32, #tpu.memory_space<vmem>>
        %get3A_955 = arith.index_cast %add3A_838 : i32 to index
        %get3A_956 = arith.constant 112 : index
        %get3A_957 = tpu.vector_load %get3A_954[%get3A_955, %get3A_956] {strides = array<i32>} : memref<16x128xf32, #tpu.memory_space<vmem>>, vector<16xf32>,
        %mul3A_958 = arith.mulf %get3A_950, %get3A_957 : vector<16xf32>
        %add3A_959 = arith.addf %mul3A_853, %mul3A_868 : vector<16xf32>
        %add3A_960 = arith.addf %mul3A_883, %mul3A_898 : vector<16xf32>
        %add3A_961 = arith.addf %mul3A_913, %mul3A_928 : vector<16xf32>
        %add3A_962 = arith.addf %mul3A_943, %mul3A_958 : vector<16xf32>
        %add3A_963 = arith.addf %add3A_959, %add3A_960 : vector<16xf32>
        %add3A_964 = arith.addf %add3A_961, %add3A_962 : vector<16xf32>
        %add3A_965 = arith.addf %add3A_963, %add3A_964 : vector<16xf32>
        %mul3A_966 = arith.constant 17 : i32
        %mul3A_967 = arith.muli %add3A_838, %mul3A_966 : i32
        %swap3A_968 = arith.index_cast %mul3A_967 : i32 to index
        %swap3A_969 = tpu.vector_load %arg16[%swap3A_968] {strides = array<i32>} : memref<272xf32, #tpu.memory_space<vmem>>, vector<16xf32>,
        tpu.vector_store %arg16[%swap3A_968], %add3A_965 {strides = array<i32>} : memref<272xf32, #tpu.memory_space<vmem>>, vector<16xf32>,
      }
      %scan3A_512 = arith.constant 8 : i32
      %gather3A_513 = tpu.vector_load_idx %arg16[%add3A_8] : memref<272xf32, #tpu.memory_space<vmem>>[vector<16xi32>], vector<16xf32>,
      %gather3A_514 = tpu.vector_load_idx %arg16[%add3A_11] : memref<272xf32, #tpu.memory_space<vmem>>[vector<16xi32>], vector<16xf32>,
      %gather3A_515 = tpu.vector_load_idx %arg16[%add3A_14] : memref<272xf32, #tpu.memory_space<vmem>>[vector<16xi32>], vector<16xf32>,
      %gather3A_516 = tpu.vector_load_idx %arg16[%add3A_17] : memref<272xf32, #tpu.memory_space<vmem>>[vector<16xi32>], vector<16xf32>,
      %gather3A_517 = tpu.vector_load_idx %arg16[%add3A_20] : memref<272xf32, #tpu.memory_space<vmem>>[vector<16xi32>], vector<16xf32>,
      %gather3A_518 = tpu.vector_load_idx %arg16[%add3A_23] : memref<272xf32, #tpu.memory_space<vmem>>[vector<16xi32>], vector<16xf32>,
      %gather3A_519 = tpu.vector_load_idx %arg16[%add3A_26] : memref<272xf32, #tpu.memory_space<vmem>>[vector<16xi32>], vector<16xf32>,
      %gather3A_520 = tpu.vector_load_idx %arg16[%add3A_29] : memref<272xf32, #tpu.memory_space<vmem>>[vector<16xi32>], vector<16xf32>,
      %gather3A_521 = tpu.vector_load_idx %arg16[%add3A_32] : memref<272xf32, #tpu.memory_space<vmem>>[vector<16xi32>], vector<16xf32>,
      %gather3A_522 = tpu.vector_load_idx %arg16[%add3A_35] : memref<272xf32, #tpu.memory_space<vmem>>[vector<16xi32>], vector<16xf32>,
      %gather3A_523 = tpu.vector_load_idx %arg16[%add3A_38] : memref<272xf32, #tpu.memory_space<vmem>>[vector<16xi32>], vector<16xf32>,
      %gather3A_524 = tpu.vector_load_idx %arg16[%add3A_41] : memref<272xf32, #tpu.memory_space<vmem>>[vector<16xi32>], vector<16xf32>,
      %gather3A_525 = tpu.vector_load_idx %arg16[%add3A_44] : memref<272xf32, #tpu.memory_space<vmem>>[vector<16xi32>], vector<16xf32>,
      %gather3A_526 = tpu.vector_load_idx %arg16[%add3A_47] : memref<272xf32, #tpu.memory_space<vmem>>[vector<16xi32>], vector<16xf32>,
      %gather3A_527 = tpu.vector_load_idx %arg16[%add3A_50] : memref<272xf32, #tpu.memory_space<vmem>>[vector<16xi32>], vector<16xf32>,
      %gather3A_528 = tpu.vector_load_idx %arg16[%add3A_53] : memref<272xf32, #tpu.memory_space<vmem>>[vector<16xi32>], vector<16xf32>,
      %add3A_529 = arith.addf %gather3A_513, %gather3A_514 : vector<16xf32>
      %add3A_530 = arith.addf %gather3A_515, %gather3A_516 : vector<16xf32>
      %add3A_531 = arith.addf %gather3A_517, %gather3A_518 : vector<16xf32>
      %add3A_532 = arith.addf %gather3A_519, %gather3A_520 : vector<16xf32>
      %add3A_533 = arith.addf %gather3A_521, %gather3A_522 : vector<16xf32>
      %add3A_534 = arith.addf %gather3A_523, %gather3A_524 : vector<16xf32>
      %add3A_535 = arith.addf %gather3A_525, %gather3A_526 : vector<16xf32>
      %add3A_536 = arith.addf %gather3A_527, %gather3A_528 : vector<16xf32>
      %add3A_537 = arith.addf %add3A_529, %add3A_530 : vector<16xf32>
      %add3A_538 = arith.addf %add3A_531, %add3A_532 : vector<16xf32>
      %add3A_539 = arith.addf %add3A_533, %add3A_534 : vector<16xf32>
      %add3A_540 = arith.addf %add3A_535, %add3A_536 : vector<16xf32>
      %add3A_541 = arith.addf %add3A_537, %add3A_538 : vector<16xf32>
      %add3A_542 = arith.addf %add3A_539, %add3A_540 : vector<16xf32>
      %add3A_543 = arith.addf %add3A_541, %add3A_542 : vector<16xf32>
      %get3A_544 = arith.constant 2 : i32
      %get3A_545 = arith.index_cast %get3A_544 : i32 to index
      %get3A_546 = arith.constant 0 : index
      %get3A_547 = tpu.vector_load %arg13[%get3A_545, %get3A_546] {strides = array<i32>} : memref<4x16xf32, #tpu.memory_space<vmem>>, vector<16xf32>,
      %add3A_548 = arith.addf %add3A_543, %get3A_547 : vector<16xf32>
      %get3A_549 = arith.constant 2 : i32
      %get3A_550 = arith.index_cast %get3A_549 : i32 to index
      %get3A_551 = arith.constant 0 : index
      %get3A_552 = tpu.vector_load %arg14[%get3A_550, %get3A_551] {strides = array<i32>} : memref<4x16xf32, #tpu.memory_space<vmem>>, vector<16xf32>,
      %add3A_553 = arith.addf %add3A_548, %get3A_552 : vector<16xf32>
      %neg3A_554 = arith.constant 0.000000e+00 : f32
      %neg3A_555 = vector.broadcast %neg3A_554 : f32 to vector<16xf32>
      %neg3A_556 = arith.subf %neg3A_555, %add3A_553 : vector<16xf32>
      %exp3A_557 = math.exp %neg3A_556 : vector<16xf32>
      %add3A_558 = arith.constant 1.000000e+00 : f32
      %add3A_559 = vector.broadcast %add3A_558 : f32 to vector<16xf32>
      %add3A_560 = arith.addf %add3A_559, %exp3A_557 : vector<16xf32>
      %div3A_561 = arith.constant 1.000000e+00 : f32
      %div3A_562 = vector.broadcast %div3A_561 : f32 to vector<16xf32>
      %div3A_563 = arith.divf %div3A_562, %add3A_560 : vector<16xf32>
      %mul3A_564 = arith.constant 16 : i32
      %mul3A_565 = arith.muli %add3A_452, %mul3A_564 : i32
      %swap3A_566 = arith.index_cast %mul3A_565 : i32 to index
      %swap3A_567 = tpu.vector_load %arg15[%swap3A_566] {strides = array<i32>} : memref<512xf32, #tpu.memory_space<vmem>>, vector<16xf32>,
      tpu.vector_store %arg15[%swap3A_566], %div3A_563 {strides = array<i32>} : memref<512xf32, #tpu.memory_space<vmem>>, vector<16xf32>,
      %add3A_568 = arith.constant 4 : i32
      %add3A_569 = arith.addi %add3A_452, %add3A_568 : i32
      %lt3A_570 = arith.constant 32 : i32
      %lt3A_571 = arith.cmpi slt, %add3A_569, %lt3A_570 : i32
      %convert_element_type3A_572 = arith.extui %lt3A_571 : i1 to i32
      %cond3A_573 = arith.constant 0 : i32
      %cond3A_574 = arith.cmpi ne, %convert_element_type3A_572, %cond3A_573 : i32
      scf.if %cond3A_574 {
        %add3A_699 = arith.constant 4 : i32
        %add3A_700 = arith.addi %add3A_452, %add3A_699 : i32
        %mul3A_701 = arith.constant 16 : i32
        %mul3A_702 = arith.muli %add3A_700, %mul3A_701 : i32
        %get3A_703 = arith.index_cast %mul3A_702 : i32 to index
        %get3A_704 = tpu.vector_load %arg9[%get3A_703] {strides = array<i32>} : memref<512xi32, #tpu.memory_space<vmem>>, vector<16xi32>,
        %mul3A_705 = arith.constant 16 : i32
        %mul3A_706 = arith.muli %add3A_700, %mul3A_705 : i32
        %get3A_707 = arith.index_cast %mul3A_706 : i32 to index
        %get3A_708 = tpu.vector_load %arg10[%get3A_707] {strides = array<i32>} : memref<512xi32, #tpu.memory_space<vmem>>, vector<16xi32>,
        %dma_start3A_709 = arith.constant 2 : i32
        %dma_start3A_710 = arith.constant 0 : i32
        %dma_start3A_711 = arith.constant 0 : i32
        %dma_start3A_712 = tpu.memref_slice %arg11[%dma_start3A_709, %dma_start3A_710, %dma_start3A_711] : memref<4x16x128xf32, #tpu.memory_space<vmem>> -> memref<1x16x128xf32, #tpu.memory_space<vmem>>
        %dma_start3A_713 = tpu.memref_squeeze %dma_start3A_712 : memref<1x16x128xf32, #tpu.memory_space<vmem>> -> memref<16x128xf32, #tpu.memory_space<vmem>>
        %dma_start3A_714 = arith.constant 0 : i32
        %dma_start3A_715 = arith.constant 0 : i32
        %dma_start3A_716 = tpu.memref_slice %arg4[%dma_start3A_714, %dma_start3A_715] : memref<100001x128xf32, #tpu.memory_space<hbm>> -> memref<100001x128xf32, #tpu.memory_space<hbm>>
        tpu.enqueue_indirect_dma source(%dma_start3A_716 : memref<100001x128xf32, #tpu.memory_space<hbm>>) target(%dma_start3A_713 : memref<16x128xf32, #tpu.memory_space<vmem>>) offsets(%get3A_704 : vector<16xi32>) semaphore(%arg19 : memref<!tpu.dma_semaphore, #tpu.memory_space<semaphore_mem>>)
        %dma_start3A_717 = arith.constant 2 : i32
        %dma_start3A_718 = arith.constant 0 : i32
        %dma_start3A_719 = arith.constant 0 : i32
        %dma_start3A_720 = tpu.memref_slice %arg12[%dma_start3A_717, %dma_start3A_718, %dma_start3A_719] : memref<4x16x128xf32, #tpu.memory_space<vmem>> -> memref<1x16x128xf32, #tpu.memory_space<vmem>>
        %dma_start3A_721 = tpu.memref_squeeze %dma_start3A_720 : memref<1x16x128xf32, #tpu.memory_space<vmem>> -> memref<16x128xf32, #tpu.memory_space<vmem>>
        %dma_start3A_722 = arith.constant 0 : i32
        %dma_start3A_723 = arith.constant 0 : i32
        %dma_start3A_724 = tpu.memref_slice %arg5[%dma_start3A_722, %dma_start3A_723] : memref<100001x128xf32, #tpu.memory_space<hbm>> -> memref<100001x128xf32, #tpu.memory_space<hbm>>
        tpu.enqueue_indirect_dma source(%dma_start3A_724 : memref<100001x128xf32, #tpu.memory_space<hbm>>) target(%dma_start3A_721 : memref<16x128xf32, #tpu.memory_space<vmem>>) offsets(%get3A_708 : vector<16xi32>) semaphore(%arg19 : memref<!tpu.dma_semaphore, #tpu.memory_space<semaphore_mem>>)
        %dma_start3A_725 = arith.constant 2 : i32
        %dma_start3A_726 = arith.constant 0 : i32
        %dma_start3A_727 = tpu.memref_slice %arg13[%dma_start3A_725, %dma_start3A_726] : memref<4x16xf32, #tpu.memory_space<vmem>> -> memref<1x16xf32, #tpu.memory_space<vmem>>
        %dma_start3A_728 = tpu.memref_squeeze %dma_start3A_727 : memref<1x16xf32, #tpu.memory_space<vmem>> -> memref<16xf32, #tpu.memory_space<vmem>>
        %dma_start3A_729 = arith.constant 0 : i32
        %dma_start3A_730 = tpu.memref_slice %arg6[%dma_start3A_729] : memref<100001xf32, #tpu.memory_space<hbm>> -> memref<100001xf32, #tpu.memory_space<hbm>>
        tpu.enqueue_indirect_dma source(%dma_start3A_730 : memref<100001xf32, #tpu.memory_space<hbm>>) target(%dma_start3A_728 : memref<16xf32, #tpu.memory_space<vmem>>) offsets(%get3A_704 : vector<16xi32>) semaphore(%arg19 : memref<!tpu.dma_semaphore, #tpu.memory_space<semaphore_mem>>)
        %dma_start3A_731 = arith.constant 2 : i32
        %dma_start3A_732 = arith.constant 0 : i32
        %dma_start3A_733 = tpu.memref_slice %arg14[%dma_start3A_731, %dma_start3A_732] : memref<4x16xf32, #tpu.memory_space<vmem>> -> memref<1x16xf32, #tpu.memory_space<vmem>>
        %dma_start3A_734 = tpu.memref_squeeze %dma_start3A_733 : memref<1x16xf32, #tpu.memory_space<vmem>> -> memref<16xf32, #tpu.memory_space<vmem>>
        %dma_start3A_735 = arith.constant 0 : i32
        %dma_start3A_736 = tpu.memref_slice %arg7[%dma_start3A_735] : memref<100001xf32, #tpu.memory_space<hbm>> -> memref<100001xf32, #tpu.memory_space<hbm>>
        tpu.enqueue_indirect_dma source(%dma_start3A_736 : memref<100001xf32, #tpu.memory_space<hbm>>) target(%dma_start3A_734 : memref<16xf32, #tpu.memory_space<vmem>>) offsets(%get3A_708 : vector<16xi32>) semaphore(%arg19 : memref<!tpu.dma_semaphore, #tpu.memory_space<semaphore_mem>>)
      } else {
      }
      %add3A_575 = arith.constant 3 : i32
      %add3A_576 = arith.addi %mul3A_211, %add3A_575 : i32
      %dma_wait3A_577 = arith.constant 3 : i32
      %dma_wait3A_578 = arith.constant 0 : i32
      %dma_wait3A_579 = arith.constant 0 : i32
      %dma_wait3A_580 = tpu.memref_slice %arg11[%dma_wait3A_577, %dma_wait3A_578, %dma_wait3A_579] : memref<4x16x128xf32, #tpu.memory_space<vmem>> -> memref<1x16x128xf32, #tpu.memory_space<vmem>>
      %dma_wait3A_581 = tpu.memref_squeeze %dma_wait3A_580 : memref<1x16x128xf32, #tpu.memory_space<vmem>> -> memref<16x128xf32, #tpu.memory_space<vmem>>
      %dma_wait3A_582 = arith.constant 0 : i32
      %dma_wait3A_583 = arith.constant 0 : i32
      %dma_wait3A_584 = tpu.memref_slice %arg4[%dma_wait3A_582, %dma_wait3A_583] : memref<100001x128xf32, #tpu.memory_space<hbm>> -> memref<16x128xf32, #tpu.memory_space<hbm>>
      %dma_wait3A_585 = arith.constant 0 : i32
      %dma_wait3A_586 = arith.constant 0 : i32
      %dma_wait3A_587 = tpu.memref_slice %arg11[%dma_wait3A_577, %dma_wait3A_585, %dma_wait3A_586] : memref<4x16x128xf32, #tpu.memory_space<vmem>> -> memref<1x16x128xf32, #tpu.memory_space<vmem>>
      %dma_wait3A_588 = tpu.memref_squeeze %dma_wait3A_587 : memref<1x16x128xf32, #tpu.memory_space<vmem>> -> memref<16x128xf32, #tpu.memory_space<vmem>>
      %dma_wait3A_589 = arith.constant 0 : i32
      %dma_wait3A_590 = arith.constant 0 : i32
      %dma_wait3A_591 = tpu.memref_slice %arg4[%dma_wait3A_589, %dma_wait3A_590] : memref<100001x128xf32, #tpu.memory_space<hbm>> -> memref<16x128xf32, #tpu.memory_space<hbm>>
      tpu.wait_dma2 semaphore(%arg20 : memref<!tpu.dma_semaphore, #tpu.memory_space<semaphore_mem>>) src(%dma_wait3A_591 : memref<16x128xf32, #tpu.memory_space<hbm>>) dst(%dma_wait3A_588 : memref<16x128xf32, #tpu.memory_space<vmem>>)
      %dma_wait3A_592 = arith.constant 3 : i32
      %dma_wait3A_593 = arith.constant 0 : i32
      %dma_wait3A_594 = arith.constant 0 : i32
      %dma_wait3A_595 = tpu.memref_slice %arg12[%dma_wait3A_592, %dma_wait3A_593, %dma_wait3A_594] : memref<4x16x128xf32, #tpu.memory_space<vmem>> -> memref<1x16x128xf32, #tpu.memory_space<vmem>>
      %dma_wait3A_596 = tpu.memref_squeeze %dma_wait3A_595 : memref<1x16x128xf32, #tpu.memory_space<vmem>> -> memref<16x128xf32, #tpu.memory_space<vmem>>
      %dma_wait3A_597 = arith.constant 0 : i32
      %dma_wait3A_598 = arith.constant 0 : i32
      %dma_wait3A_599 = tpu.memref_slice %arg5[%dma_wait3A_597, %dma_wait3A_598] : memref<100001x128xf32, #tpu.memory_space<hbm>> -> memref<16x128xf32, #tpu.memory_space<hbm>>
      %dma_wait3A_600 = arith.constant 0 : i32
      %dma_wait3A_601 = arith.constant 0 : i32
      %dma_wait3A_602 = tpu.memref_slice %arg12[%dma_wait3A_592, %dma_wait3A_600, %dma_wait3A_601] : memref<4x16x128xf32, #tpu.memory_space<vmem>> -> memref<1x16x128xf32, #tpu.memory_space<vmem>>
      %dma_wait3A_603 = tpu.memref_squeeze %dma_wait3A_602 : memref<1x16x128xf32, #tpu.memory_space<vmem>> -> memref<16x128xf32, #tpu.memory_space<vmem>>
      %dma_wait3A_604 = arith.constant 0 : i32
      %dma_wait3A_605 = arith.constant 0 : i32
      %dma_wait3A_606 = tpu.memref_slice %arg5[%dma_wait3A_604, %dma_wait3A_605] : memref<100001x128xf32, #tpu.memory_space<hbm>> -> memref<16x128xf32, #tpu.memory_space<hbm>>
      tpu.wait_dma2 semaphore(%arg20 : memref<!tpu.dma_semaphore, #tpu.memory_space<semaphore_mem>>) src(%dma_wait3A_606 : memref<16x128xf32, #tpu.memory_space<hbm>>) dst(%dma_wait3A_603 : memref<16x128xf32, #tpu.memory_space<vmem>>)
      %dma_wait3A_607 = arith.constant 3 : i32
      %dma_wait3A_608 = arith.constant 0 : i32
      %dma_wait3A_609 = tpu.memref_slice %arg13[%dma_wait3A_607, %dma_wait3A_608] : memref<4x16xf32, #tpu.memory_space<vmem>> -> memref<1x16xf32, #tpu.memory_space<vmem>>
      %dma_wait3A_610 = tpu.memref_squeeze %dma_wait3A_609 : memref<1x16xf32, #tpu.memory_space<vmem>> -> memref<16xf32, #tpu.memory_space<vmem>>
      %dma_wait3A_611 = arith.constant 0 : i32
      %dma_wait3A_612 = tpu.memref_slice %arg6[%dma_wait3A_611] : memref<100001xf32, #tpu.memory_space<hbm>> -> memref<16xf32, #tpu.memory_space<hbm>>
      %dma_wait3A_613 = arith.constant 0 : i32
      %dma_wait3A_614 = tpu.memref_slice %arg13[%dma_wait3A_607, %dma_wait3A_613] : memref<4x16xf32, #tpu.memory_space<vmem>> -> memref<1x16xf32, #tpu.memory_space<vmem>>
      %dma_wait3A_615 = tpu.memref_squeeze %dma_wait3A_614 : memref<1x16xf32, #tpu.memory_space<vmem>> -> memref<16xf32, #tpu.memory_space<vmem>>
      %dma_wait3A_616 = arith.constant 0 : i32
      %dma_wait3A_617 = tpu.memref_slice %arg6[%dma_wait3A_616] : memref<100001xf32, #tpu.memory_space<hbm>> -> memref<16xf32, #tpu.memory_space<hbm>>
      tpu.wait_dma2 semaphore(%arg20 : memref<!tpu.dma_semaphore, #tpu.memory_space<semaphore_mem>>) src(%dma_wait3A_617 : memref<16xf32, #tpu.memory_space<hbm>>) dst(%dma_wait3A_615 : memref<16xf32, #tpu.memory_space<vmem>>)
      %dma_wait3A_618 = arith.constant 3 : i32
      %dma_wait3A_619 = arith.constant 0 : i32
      %dma_wait3A_620 = tpu.memref_slice %arg14[%dma_wait3A_618, %dma_wait3A_619] : memref<4x16xf32, #tpu.memory_space<vmem>> -> memref<1x16xf32, #tpu.memory_space<vmem>>
      %dma_wait3A_621 = tpu.memref_squeeze %dma_wait3A_620 : memref<1x16xf32, #tpu.memory_space<vmem>> -> memref<16xf32, #tpu.memory_space<vmem>>
      %dma_wait3A_622 = arith.constant 0 : i32
      %dma_wait3A_623 = tpu.memref_slice %arg7[%dma_wait3A_622] : memref<100001xf32, #tpu.memory_space<hbm>> -> memref<16xf32, #tpu.memory_space<hbm>>
      %dma_wait3A_624 = arith.constant 0 : i32
      %dma_wait3A_625 = tpu.memref_slice %arg14[%dma_wait3A_618, %dma_wait3A_624] : memref<4x16xf32, #tpu.memory_space<vmem>> -> memref<1x16xf32, #tpu.memory_space<vmem>>
      %dma_wait3A_626 = tpu.memref_squeeze %dma_wait3A_625 : memref<1x16xf32, #tpu.memory_space<vmem>> -> memref<16xf32, #tpu.memory_space<vmem>>
      %dma_wait3A_627 = arith.constant 0 : i32
      %dma_wait3A_628 = tpu.memref_slice %arg7[%dma_wait3A_627] : memref<100001xf32, #tpu.memory_space<hbm>> -> memref<16xf32, #tpu.memory_space<hbm>>
      tpu.wait_dma2 semaphore(%arg20 : memref<!tpu.dma_semaphore, #tpu.memory_space<semaphore_mem>>) src(%dma_wait3A_628 : memref<16xf32, #tpu.memory_space<hbm>>) dst(%dma_wait3A_626 : memref<16xf32, #tpu.memory_space<vmem>>)
      %scan3A_629 = arith.constant 0 : i32
      %scan3A_630 = arith.constant 3 : i32
      %scan3A_631 = arith.constant 3 : i32
      %scan3A_632 = arith.constant 0 : i32
      %scan3A_633 = arith.constant 8 : i32
      %scan3A_634 = arith.addi %scan3A_632, %scan3A_633 : i32
      %scan3A_635 = arith.constant 1 : i32
      scf.for %scan3A_699 = %scan3A_632 to %scan3A_634 step %scan3A_635  : i32 {
        %mul3A_700 = arith.constant 2 : i32
        %mul3A_701 = arith.muli %scan3A_699, %mul3A_700 : i32
        %add3A_702 = arith.constant 0 : i32
        %add3A_703 = arith.addi %mul3A_701, %add3A_702 : i32
        %get3A_704 = arith.constant 0 : i32
        %get3A_705 = arith.constant 0 : i32
        %get3A_706 = tpu.memref_slice %arg11[%scan3A_630, %get3A_704, %get3A_705] : memref<4x16x128xf32, #tpu.memory_space<vmem>> -> memref<1x16x128xf32, #tpu.memory_space<vmem>>
        %get3A_707 = tpu.memref_squeeze %get3A_706 : memref<1x16x128xf32, #tpu.memory_space<vmem>> -> memref<16x128xf32, #tpu.memory_space<vmem>>
        %get3A_708 = arith.index_cast %add3A_703 : i32 to index
        %get3A_709 = arith.constant 0 : index
        %get3A_710 = tpu.vector_load %get3A_707[%get3A_708, %get3A_709] {strides = array<i32>} : memref<16x128xf32, #tpu.memory_space<vmem>>, vector<16xf32>,
        %get3A_711 = arith.constant 0 : i32
        %get3A_712 = arith.constant 0 : i32
        %get3A_713 = tpu.memref_slice %arg12[%scan3A_631, %get3A_711, %get3A_712] : memref<4x16x128xf32, #tpu.memory_space<vmem>> -> memref<1x16x128xf32, #tpu.memory_space<vmem>>
        %get3A_714 = tpu.memref_squeeze %get3A_713 : memref<1x16x128xf32, #tpu.memory_space<vmem>> -> memref<16x128xf32, #tpu.memory_space<vmem>>
        %get3A_715 = arith.index_cast %add3A_703 : i32 to index
        %get3A_716 = arith.constant 0 : index
        %get3A_717 = tpu.vector_load %get3A_714[%get3A_715, %get3A_716] {strides = array<i32>} : memref<16x128xf32, #tpu.memory_space<vmem>>, vector<16xf32>,
        %mul3A_718 = arith.mulf %get3A_710, %get3A_717 : vector<16xf32>
        %get3A_719 = arith.constant 0 : i32
        %get3A_720 = arith.constant 0 : i32
        %get3A_721 = tpu.memref_slice %arg11[%scan3A_630, %get3A_719, %get3A_720] : memref<4x16x128xf32, #tpu.memory_space<vmem>> -> memref<1x16x128xf32, #tpu.memory_space<vmem>>
        %get3A_722 = tpu.memref_squeeze %get3A_721 : memref<1x16x128xf32, #tpu.memory_space<vmem>> -> memref<16x128xf32, #tpu.memory_space<vmem>>
        %get3A_723 = arith.index_cast %add3A_703 : i32 to index
        %get3A_724 = arith.constant 16 : index
        %get3A_725 = tpu.vector_load %get3A_722[%get3A_723, %get3A_724] {strides = array<i32>} : memref<16x128xf32, #tpu.memory_space<vmem>>, vector<16xf32>,
        %get3A_726 = arith.constant 0 : i32
        %get3A_727 = arith.constant 0 : i32
        %get3A_728 = tpu.memref_slice %arg12[%scan3A_631, %get3A_726, %get3A_727] : memref<4x16x128xf32, #tpu.memory_space<vmem>> -> memref<1x16x128xf32, #tpu.memory_space<vmem>>
        %get3A_729 = tpu.memref_squeeze %get3A_728 : memref<1x16x128xf32, #tpu.memory_space<vmem>> -> memref<16x128xf32, #tpu.memory_space<vmem>>
        %get3A_730 = arith.index_cast %add3A_703 : i32 to index
        %get3A_731 = arith.constant 16 : index
        %get3A_732 = tpu.vector_load %get3A_729[%get3A_730, %get3A_731] {strides = array<i32>} : memref<16x128xf32, #tpu.memory_space<vmem>>, vector<16xf32>,
        %mul3A_733 = arith.mulf %get3A_725, %get3A_732 : vector<16xf32>
        %get3A_734 = arith.constant 0 : i32
        %get3A_735 = arith.constant 0 : i32
        %get3A_736 = tpu.memref_slice %arg11[%scan3A_630, %get3A_734, %get3A_735] : memref<4x16x128xf32, #tpu.memory_space<vmem>> -> memref<1x16x128xf32, #tpu.memory_space<vmem>>
        %get3A_737 = tpu.memref_squeeze %get3A_736 : memref<1x16x128xf32, #tpu.memory_space<vmem>> -> memref<16x128xf32, #tpu.memory_space<vmem>>
        %get3A_738 = arith.index_cast %add3A_703 : i32 to index
        %get3A_739 = arith.constant 32 : index
        %get3A_740 = tpu.vector_load %get3A_737[%get3A_738, %get3A_739] {strides = array<i32>} : memref<16x128xf32, #tpu.memory_space<vmem>>, vector<16xf32>,
        %get3A_741 = arith.constant 0 : i32
        %get3A_742 = arith.constant 0 : i32
        %get3A_743 = tpu.memref_slice %arg12[%scan3A_631, %get3A_741, %get3A_742] : memref<4x16x128xf32, #tpu.memory_space<vmem>> -> memref<1x16x128xf32, #tpu.memory_space<vmem>>
        %get3A_744 = tpu.memref_squeeze %get3A_743 : memref<1x16x128xf32, #tpu.memory_space<vmem>> -> memref<16x128xf32, #tpu.memory_space<vmem>>
        %get3A_745 = arith.index_cast %add3A_703 : i32 to index
        %get3A_746 = arith.constant 32 : index
        %get3A_747 = tpu.vector_load %get3A_744[%get3A_745, %get3A_746] {strides = array<i32>} : memref<16x128xf32, #tpu.memory_space<vmem>>, vector<16xf32>,
        %mul3A_748 = arith.mulf %get3A_740, %get3A_747 : vector<16xf32>
        %get3A_749 = arith.constant 0 : i32
        %get3A_750 = arith.constant 0 : i32
        %get3A_751 = tpu.memref_slice %arg11[%scan3A_630, %get3A_749, %get3A_750] : memref<4x16x128xf32, #tpu.memory_space<vmem>> -> memref<1x16x128xf32, #tpu.memory_space<vmem>>
        %get3A_752 = tpu.memref_squeeze %get3A_751 : memref<1x16x128xf32, #tpu.memory_space<vmem>> -> memref<16x128xf32, #tpu.memory_space<vmem>>
        %get3A_753 = arith.index_cast %add3A_703 : i32 to index
        %get3A_754 = arith.constant 48 : index
        %get3A_755 = tpu.vector_load %get3A_752[%get3A_753, %get3A_754] {strides = array<i32>} : memref<16x128xf32, #tpu.memory_space<vmem>>, vector<16xf32>,
        %get3A_756 = arith.constant 0 : i32
        %get3A_757 = arith.constant 0 : i32
        %get3A_758 = tpu.memref_slice %arg12[%scan3A_631, %get3A_756, %get3A_757] : memref<4x16x128xf32, #tpu.memory_space<vmem>> -> memref<1x16x128xf32, #tpu.memory_space<vmem>>
        %get3A_759 = tpu.memref_squeeze %get3A_758 : memref<1x16x128xf32, #tpu.memory_space<vmem>> -> memref<16x128xf32, #tpu.memory_space<vmem>>
        %get3A_760 = arith.index_cast %add3A_703 : i32 to index
        %get3A_761 = arith.constant 48 : index
        %get3A_762 = tpu.vector_load %get3A_759[%get3A_760, %get3A_761] {strides = array<i32>} : memref<16x128xf32, #tpu.memory_space<vmem>>, vector<16xf32>,
        %mul3A_763 = arith.mulf %get3A_755, %get3A_762 : vector<16xf32>
        %get3A_764 = arith.constant 0 : i32
        %get3A_765 = arith.constant 0 : i32
        %get3A_766 = tpu.memref_slice %arg11[%scan3A_630, %get3A_764, %get3A_765] : memref<4x16x128xf32, #tpu.memory_space<vmem>> -> memref<1x16x128xf32, #tpu.memory_space<vmem>>
        %get3A_767 = tpu.memref_squeeze %get3A_766 : memref<1x16x128xf32, #tpu.memory_space<vmem>> -> memref<16x128xf32, #tpu.memory_space<vmem>>
        %get3A_768 = arith.index_cast %add3A_703 : i32 to index
        %get3A_769 = arith.constant 64 : index
        %get3A_770 = tpu.vector_load %get3A_767[%get3A_768, %get3A_769] {strides = array<i32>} : memref<16x128xf32, #tpu.memory_space<vmem>>, vector<16xf32>,
        %get3A_771 = arith.constant 0 : i32
        %get3A_772 = arith.constant 0 : i32
        %get3A_773 = tpu.memref_slice %arg12[%scan3A_631, %get3A_771, %get3A_772] : memref<4x16x128xf32, #tpu.memory_space<vmem>> -> memref<1x16x128xf32, #tpu.memory_space<vmem>>
        %get3A_774 = tpu.memref_squeeze %get3A_773 : memref<1x16x128xf32, #tpu.memory_space<vmem>> -> memref<16x128xf32, #tpu.memory_space<vmem>>
        %get3A_775 = arith.index_cast %add3A_703 : i32 to index
        %get3A_776 = arith.constant 64 : index
        %get3A_777 = tpu.vector_load %get3A_774[%get3A_775, %get3A_776] {strides = array<i32>} : memref<16x128xf32, #tpu.memory_space<vmem>>, vector<16xf32>,
        %mul3A_778 = arith.mulf %get3A_770, %get3A_777 : vector<16xf32>
        %get3A_779 = arith.constant 0 : i32
        %get3A_780 = arith.constant 0 : i32
        %get3A_781 = tpu.memref_slice %arg11[%scan3A_630, %get3A_779, %get3A_780] : memref<4x16x128xf32, #tpu.memory_space<vmem>> -> memref<1x16x128xf32, #tpu.memory_space<vmem>>
        %get3A_782 = tpu.memref_squeeze %get3A_781 : memref<1x16x128xf32, #tpu.memory_space<vmem>> -> memref<16x128xf32, #tpu.memory_space<vmem>>
        %get3A_783 = arith.index_cast %add3A_703 : i32 to index
        %get3A_784 = arith.constant 80 : index
        %get3A_785 = tpu.vector_load %get3A_782[%get3A_783, %get3A_784] {strides = array<i32>} : memref<16x128xf32, #tpu.memory_space<vmem>>, vector<16xf32>,
        %get3A_786 = arith.constant 0 : i32
        %get3A_787 = arith.constant 0 : i32
        %get3A_788 = tpu.memref_slice %arg12[%scan3A_631, %get3A_786, %get3A_787] : memref<4x16x128xf32, #tpu.memory_space<vmem>> -> memref<1x16x128xf32, #tpu.memory_space<vmem>>
        %get3A_789 = tpu.memref_squeeze %get3A_788 : memref<1x16x128xf32, #tpu.memory_space<vmem>> -> memref<16x128xf32, #tpu.memory_space<vmem>>
        %get3A_790 = arith.index_cast %add3A_703 : i32 to index
        %get3A_791 = arith.constant 80 : index
        %get3A_792 = tpu.vector_load %get3A_789[%get3A_790, %get3A_791] {strides = array<i32>} : memref<16x128xf32, #tpu.memory_space<vmem>>, vector<16xf32>,
        %mul3A_793 = arith.mulf %get3A_785, %get3A_792 : vector<16xf32>
        %get3A_794 = arith.constant 0 : i32
        %get3A_795 = arith.constant 0 : i32
        %get3A_796 = tpu.memref_slice %arg11[%scan3A_630, %get3A_794, %get3A_795] : memref<4x16x128xf32, #tpu.memory_space<vmem>> -> memref<1x16x128xf32, #tpu.memory_space<vmem>>
        %get3A_797 = tpu.memref_squeeze %get3A_796 : memref<1x16x128xf32, #tpu.memory_space<vmem>> -> memref<16x128xf32, #tpu.memory_space<vmem>>
        %get3A_798 = arith.index_cast %add3A_703 : i32 to index
        %get3A_799 = arith.constant 96 : index
        %get3A_800 = tpu.vector_load %get3A_797[%get3A_798, %get3A_799] {strides = array<i32>} : memref<16x128xf32, #tpu.memory_space<vmem>>, vector<16xf32>,
        %get3A_801 = arith.constant 0 : i32
        %get3A_802 = arith.constant 0 : i32
        %get3A_803 = tpu.memref_slice %arg12[%scan3A_631, %get3A_801, %get3A_802] : memref<4x16x128xf32, #tpu.memory_space<vmem>> -> memref<1x16x128xf32, #tpu.memory_space<vmem>>
        %get3A_804 = tpu.memref_squeeze %get3A_803 : memref<1x16x128xf32, #tpu.memory_space<vmem>> -> memref<16x128xf32, #tpu.memory_space<vmem>>
        %get3A_805 = arith.index_cast %add3A_703 : i32 to index
        %get3A_806 = arith.constant 96 : index
        %get3A_807 = tpu.vector_load %get3A_804[%get3A_805, %get3A_806] {strides = array<i32>} : memref<16x128xf32, #tpu.memory_space<vmem>>, vector<16xf32>,
        %mul3A_808 = arith.mulf %get3A_800, %get3A_807 : vector<16xf32>
        %get3A_809 = arith.constant 0 : i32
        %get3A_810 = arith.constant 0 : i32
        %get3A_811 = tpu.memref_slice %arg11[%scan3A_630, %get3A_809, %get3A_810] : memref<4x16x128xf32, #tpu.memory_space<vmem>> -> memref<1x16x128xf32, #tpu.memory_space<vmem>>
        %get3A_812 = tpu.memref_squeeze %get3A_811 : memref<1x16x128xf32, #tpu.memory_space<vmem>> -> memref<16x128xf32, #tpu.memory_space<vmem>>
        %get3A_813 = arith.index_cast %add3A_703 : i32 to index
        %get3A_814 = arith.constant 112 : index
        %get3A_815 = tpu.vector_load %get3A_812[%get3A_813, %get3A_814] {strides = array<i32>} : memref<16x128xf32, #tpu.memory_space<vmem>>, vector<16xf32>,
        %get3A_816 = arith.constant 0 : i32
        %get3A_817 = arith.constant 0 : i32
        %get3A_818 = tpu.memref_slice %arg12[%scan3A_631, %get3A_816, %get3A_817] : memref<4x16x128xf32, #tpu.memory_space<vmem>> -> memref<1x16x128xf32, #tpu.memory_space<vmem>>
        %get3A_819 = tpu.memref_squeeze %get3A_818 : memref<1x16x128xf32, #tpu.memory_space<vmem>> -> memref<16x128xf32, #tpu.memory_space<vmem>>
        %get3A_820 = arith.index_cast %add3A_703 : i32 to index
        %get3A_821 = arith.constant 112 : index
        %get3A_822 = tpu.vector_load %get3A_819[%get3A_820, %get3A_821] {strides = array<i32>} : memref<16x128xf32, #tpu.memory_space<vmem>>, vector<16xf32>,
        %mul3A_823 = arith.mulf %get3A_815, %get3A_822 : vector<16xf32>
        %add3A_824 = arith.addf %mul3A_718, %mul3A_733 : vector<16xf32>
        %add3A_825 = arith.addf %mul3A_748, %mul3A_763 : vector<16xf32>
        %add3A_826 = arith.addf %mul3A_778, %mul3A_793 : vector<16xf32>
        %add3A_827 = arith.addf %mul3A_808, %mul3A_823 : vector<16xf32>
        %add3A_828 = arith.addf %add3A_824, %add3A_825 : vector<16xf32>
        %add3A_829 = arith.addf %add3A_826, %add3A_827 : vector<16xf32>
        %add3A_830 = arith.addf %add3A_828, %add3A_829 : vector<16xf32>
        %mul3A_831 = arith.constant 17 : i32
        %mul3A_832 = arith.muli %add3A_703, %mul3A_831 : i32
        %swap3A_833 = arith.index_cast %mul3A_832 : i32 to index
        %swap3A_834 = tpu.vector_load %arg16[%swap3A_833] {strides = array<i32>} : memref<272xf32, #tpu.memory_space<vmem>>, vector<16xf32>,
        tpu.vector_store %arg16[%swap3A_833], %add3A_830 {strides = array<i32>} : memref<272xf32, #tpu.memory_space<vmem>>, vector<16xf32>,
        %mul3A_835 = arith.constant 2 : i32
        %mul3A_836 = arith.muli %scan3A_699, %mul3A_835 : i32
        %add3A_837 = arith.constant 1 : i32
        %add3A_838 = arith.addi %mul3A_836, %add3A_837 : i32
        %get3A_839 = arith.constant 0 : i32
        %get3A_840 = arith.constant 0 : i32
        %get3A_841 = tpu.memref_slice %arg11[%scan3A_630, %get3A_839, %get3A_840] : memref<4x16x128xf32, #tpu.memory_space<vmem>> -> memref<1x16x128xf32, #tpu.memory_space<vmem>>
        %get3A_842 = tpu.memref_squeeze %get3A_841 : memref<1x16x128xf32, #tpu.memory_space<vmem>> -> memref<16x128xf32, #tpu.memory_space<vmem>>
        %get3A_843 = arith.index_cast %add3A_838 : i32 to index
        %get3A_844 = arith.constant 0 : index
        %get3A_845 = tpu.vector_load %get3A_842[%get3A_843, %get3A_844] {strides = array<i32>} : memref<16x128xf32, #tpu.memory_space<vmem>>, vector<16xf32>,
        %get3A_846 = arith.constant 0 : i32
        %get3A_847 = arith.constant 0 : i32
        %get3A_848 = tpu.memref_slice %arg12[%scan3A_631, %get3A_846, %get3A_847] : memref<4x16x128xf32, #tpu.memory_space<vmem>> -> memref<1x16x128xf32, #tpu.memory_space<vmem>>
        %get3A_849 = tpu.memref_squeeze %get3A_848 : memref<1x16x128xf32, #tpu.memory_space<vmem>> -> memref<16x128xf32, #tpu.memory_space<vmem>>
        %get3A_850 = arith.index_cast %add3A_838 : i32 to index
        %get3A_851 = arith.constant 0 : index
        %get3A_852 = tpu.vector_load %get3A_849[%get3A_850, %get3A_851] {strides = array<i32>} : memref<16x128xf32, #tpu.memory_space<vmem>>, vector<16xf32>,
        %mul3A_853 = arith.mulf %get3A_845, %get3A_852 : vector<16xf32>
        %get3A_854 = arith.constant 0 : i32
        %get3A_855 = arith.constant 0 : i32
        %get3A_856 = tpu.memref_slice %arg11[%scan3A_630, %get3A_854, %get3A_855] : memref<4x16x128xf32, #tpu.memory_space<vmem>> -> memref<1x16x128xf32, #tpu.memory_space<vmem>>
        %get3A_857 = tpu.memref_squeeze %get3A_856 : memref<1x16x128xf32, #tpu.memory_space<vmem>> -> memref<16x128xf32, #tpu.memory_space<vmem>>
        %get3A_858 = arith.index_cast %add3A_838 : i32 to index
        %get3A_859 = arith.constant 16 : index
        %get3A_860 = tpu.vector_load %get3A_857[%get3A_858, %get3A_859] {strides = array<i32>} : memref<16x128xf32, #tpu.memory_space<vmem>>, vector<16xf32>,
        %get3A_861 = arith.constant 0 : i32
        %get3A_862 = arith.constant 0 : i32
        %get3A_863 = tpu.memref_slice %arg12[%scan3A_631, %get3A_861, %get3A_862] : memref<4x16x128xf32, #tpu.memory_space<vmem>> -> memref<1x16x128xf32, #tpu.memory_space<vmem>>
        %get3A_864 = tpu.memref_squeeze %get3A_863 : memref<1x16x128xf32, #tpu.memory_space<vmem>> -> memref<16x128xf32, #tpu.memory_space<vmem>>
        %get3A_865 = arith.index_cast %add3A_838 : i32 to index
        %get3A_866 = arith.constant 16 : index
        %get3A_867 = tpu.vector_load %get3A_864[%get3A_865, %get3A_866] {strides = array<i32>} : memref<16x128xf32, #tpu.memory_space<vmem>>, vector<16xf32>,
        %mul3A_868 = arith.mulf %get3A_860, %get3A_867 : vector<16xf32>
        %get3A_869 = arith.constant 0 : i32
        %get3A_870 = arith.constant 0 : i32
        %get3A_871 = tpu.memref_slice %arg11[%scan3A_630, %get3A_869, %get3A_870] : memref<4x16x128xf32, #tpu.memory_space<vmem>> -> memref<1x16x128xf32, #tpu.memory_space<vmem>>
        %get3A_872 = tpu.memref_squeeze %get3A_871 : memref<1x16x128xf32, #tpu.memory_space<vmem>> -> memref<16x128xf32, #tpu.memory_space<vmem>>
        %get3A_873 = arith.index_cast %add3A_838 : i32 to index
        %get3A_874 = arith.constant 32 : index
        %get3A_875 = tpu.vector_load %get3A_872[%get3A_873, %get3A_874] {strides = array<i32>} : memref<16x128xf32, #tpu.memory_space<vmem>>, vector<16xf32>,
        %get3A_876 = arith.constant 0 : i32
        %get3A_877 = arith.constant 0 : i32
        %get3A_878 = tpu.memref_slice %arg12[%scan3A_631, %get3A_876, %get3A_877] : memref<4x16x128xf32, #tpu.memory_space<vmem>> -> memref<1x16x128xf32, #tpu.memory_space<vmem>>
        %get3A_879 = tpu.memref_squeeze %get3A_878 : memref<1x16x128xf32, #tpu.memory_space<vmem>> -> memref<16x128xf32, #tpu.memory_space<vmem>>
        %get3A_880 = arith.index_cast %add3A_838 : i32 to index
        %get3A_881 = arith.constant 32 : index
        %get3A_882 = tpu.vector_load %get3A_879[%get3A_880, %get3A_881] {strides = array<i32>} : memref<16x128xf32, #tpu.memory_space<vmem>>, vector<16xf32>,
        %mul3A_883 = arith.mulf %get3A_875, %get3A_882 : vector<16xf32>
        %get3A_884 = arith.constant 0 : i32
        %get3A_885 = arith.constant 0 : i32
        %get3A_886 = tpu.memref_slice %arg11[%scan3A_630, %get3A_884, %get3A_885] : memref<4x16x128xf32, #tpu.memory_space<vmem>> -> memref<1x16x128xf32, #tpu.memory_space<vmem>>
        %get3A_887 = tpu.memref_squeeze %get3A_886 : memref<1x16x128xf32, #tpu.memory_space<vmem>> -> memref<16x128xf32, #tpu.memory_space<vmem>>
        %get3A_888 = arith.index_cast %add3A_838 : i32 to index
        %get3A_889 = arith.constant 48 : index
        %get3A_890 = tpu.vector_load %get3A_887[%get3A_888, %get3A_889] {strides = array<i32>} : memref<16x128xf32, #tpu.memory_space<vmem>>, vector<16xf32>,
        %get3A_891 = arith.constant 0 : i32
        %get3A_892 = arith.constant 0 : i32
        %get3A_893 = tpu.memref_slice %arg12[%scan3A_631, %get3A_891, %get3A_892] : memref<4x16x128xf32, #tpu.memory_space<vmem>> -> memref<1x16x128xf32, #tpu.memory_space<vmem>>
        %get3A_894 = tpu.memref_squeeze %get3A_893 : memref<1x16x128xf32, #tpu.memory_space<vmem>> -> memref<16x128xf32, #tpu.memory_space<vmem>>
        %get3A_895 = arith.index_cast %add3A_838 : i32 to index
        %get3A_896 = arith.constant 48 : index
        %get3A_897 = tpu.vector_load %get3A_894[%get3A_895, %get3A_896] {strides = array<i32>} : memref<16x128xf32, #tpu.memory_space<vmem>>, vector<16xf32>,
        %mul3A_898 = arith.mulf %get3A_890, %get3A_897 : vector<16xf32>
        %get3A_899 = arith.constant 0 : i32
        %get3A_900 = arith.constant 0 : i32
        %get3A_901 = tpu.memref_slice %arg11[%scan3A_630, %get3A_899, %get3A_900] : memref<4x16x128xf32, #tpu.memory_space<vmem>> -> memref<1x16x128xf32, #tpu.memory_space<vmem>>
        %get3A_902 = tpu.memref_squeeze %get3A_901 : memref<1x16x128xf32, #tpu.memory_space<vmem>> -> memref<16x128xf32, #tpu.memory_space<vmem>>
        %get3A_903 = arith.index_cast %add3A_838 : i32 to index
        %get3A_904 = arith.constant 64 : index
        %get3A_905 = tpu.vector_load %get3A_902[%get3A_903, %get3A_904] {strides = array<i32>} : memref<16x128xf32, #tpu.memory_space<vmem>>, vector<16xf32>,
        %get3A_906 = arith.constant 0 : i32
        %get3A_907 = arith.constant 0 : i32
        %get3A_908 = tpu.memref_slice %arg12[%scan3A_631, %get3A_906, %get3A_907] : memref<4x16x128xf32, #tpu.memory_space<vmem>> -> memref<1x16x128xf32, #tpu.memory_space<vmem>>
        %get3A_909 = tpu.memref_squeeze %get3A_908 : memref<1x16x128xf32, #tpu.memory_space<vmem>> -> memref<16x128xf32, #tpu.memory_space<vmem>>
        %get3A_910 = arith.index_cast %add3A_838 : i32 to index
        %get3A_911 = arith.constant 64 : index
        %get3A_912 = tpu.vector_load %get3A_909[%get3A_910, %get3A_911] {strides = array<i32>} : memref<16x128xf32, #tpu.memory_space<vmem>>, vector<16xf32>,
        %mul3A_913 = arith.mulf %get3A_905, %get3A_912 : vector<16xf32>
        %get3A_914 = arith.constant 0 : i32
        %get3A_915 = arith.constant 0 : i32
        %get3A_916 = tpu.memref_slice %arg11[%scan3A_630, %get3A_914, %get3A_915] : memref<4x16x128xf32, #tpu.memory_space<vmem>> -> memref<1x16x128xf32, #tpu.memory_space<vmem>>
        %get3A_917 = tpu.memref_squeeze %get3A_916 : memref<1x16x128xf32, #tpu.memory_space<vmem>> -> memref<16x128xf32, #tpu.memory_space<vmem>>
        %get3A_918 = arith.index_cast %add3A_838 : i32 to index
        %get3A_919 = arith.constant 80 : index
        %get3A_920 = tpu.vector_load %get3A_917[%get3A_918, %get3A_919] {strides = array<i32>} : memref<16x128xf32, #tpu.memory_space<vmem>>, vector<16xf32>,
        %get3A_921 = arith.constant 0 : i32
        %get3A_922 = arith.constant 0 : i32
        %get3A_923 = tpu.memref_slice %arg12[%scan3A_631, %get3A_921, %get3A_922] : memref<4x16x128xf32, #tpu.memory_space<vmem>> -> memref<1x16x128xf32, #tpu.memory_space<vmem>>
        %get3A_924 = tpu.memref_squeeze %get3A_923 : memref<1x16x128xf32, #tpu.memory_space<vmem>> -> memref<16x128xf32, #tpu.memory_space<vmem>>
        %get3A_925 = arith.index_cast %add3A_838 : i32 to index
        %get3A_926 = arith.constant 80 : index
        %get3A_927 = tpu.vector_load %get3A_924[%get3A_925, %get3A_926] {strides = array<i32>} : memref<16x128xf32, #tpu.memory_space<vmem>>, vector<16xf32>,
        %mul3A_928 = arith.mulf %get3A_920, %get3A_927 : vector<16xf32>
        %get3A_929 = arith.constant 0 : i32
        %get3A_930 = arith.constant 0 : i32
        %get3A_931 = tpu.memref_slice %arg11[%scan3A_630, %get3A_929, %get3A_930] : memref<4x16x128xf32, #tpu.memory_space<vmem>> -> memref<1x16x128xf32, #tpu.memory_space<vmem>>
        %get3A_932 = tpu.memref_squeeze %get3A_931 : memref<1x16x128xf32, #tpu.memory_space<vmem>> -> memref<16x128xf32, #tpu.memory_space<vmem>>
        %get3A_933 = arith.index_cast %add3A_838 : i32 to index
        %get3A_934 = arith.constant 96 : index
        %get3A_935 = tpu.vector_load %get3A_932[%get3A_933, %get3A_934] {strides = array<i32>} : memref<16x128xf32, #tpu.memory_space<vmem>>, vector<16xf32>,
        %get3A_936 = arith.constant 0 : i32
        %get3A_937 = arith.constant 0 : i32
        %get3A_938 = tpu.memref_slice %arg12[%scan3A_631, %get3A_936, %get3A_937] : memref<4x16x128xf32, #tpu.memory_space<vmem>> -> memref<1x16x128xf32, #tpu.memory_space<vmem>>
        %get3A_939 = tpu.memref_squeeze %get3A_938 : memref<1x16x128xf32, #tpu.memory_space<vmem>> -> memref<16x128xf32, #tpu.memory_space<vmem>>
        %get3A_940 = arith.index_cast %add3A_838 : i32 to index
        %get3A_941 = arith.constant 96 : index
        %get3A_942 = tpu.vector_load %get3A_939[%get3A_940, %get3A_941] {strides = array<i32>} : memref<16x128xf32, #tpu.memory_space<vmem>>, vector<16xf32>,
        %mul3A_943 = arith.mulf %get3A_935, %get3A_942 : vector<16xf32>
        %get3A_944 = arith.constant 0 : i32
        %get3A_945 = arith.constant 0 : i32
        %get3A_946 = tpu.memref_slice %arg11[%scan3A_630, %get3A_944, %get3A_945] : memref<4x16x128xf32, #tpu.memory_space<vmem>> -> memref<1x16x128xf32, #tpu.memory_space<vmem>>
        %get3A_947 = tpu.memref_squeeze %get3A_946 : memref<1x16x128xf32, #tpu.memory_space<vmem>> -> memref<16x128xf32, #tpu.memory_space<vmem>>
        %get3A_948 = arith.index_cast %add3A_838 : i32 to index
        %get3A_949 = arith.constant 112 : index
        %get3A_950 = tpu.vector_load %get3A_947[%get3A_948, %get3A_949] {strides = array<i32>} : memref<16x128xf32, #tpu.memory_space<vmem>>, vector<16xf32>,
        %get3A_951 = arith.constant 0 : i32
        %get3A_952 = arith.constant 0 : i32
        %get3A_953 = tpu.memref_slice %arg12[%scan3A_631, %get3A_951, %get3A_952] : memref<4x16x128xf32, #tpu.memory_space<vmem>> -> memref<1x16x128xf32, #tpu.memory_space<vmem>>
        %get3A_954 = tpu.memref_squeeze %get3A_953 : memref<1x16x128xf32, #tpu.memory_space<vmem>> -> memref<16x128xf32, #tpu.memory_space<vmem>>
        %get3A_955 = arith.index_cast %add3A_838 : i32 to index
        %get3A_956 = arith.constant 112 : index
        %get3A_957 = tpu.vector_load %get3A_954[%get3A_955, %get3A_956] {strides = array<i32>} : memref<16x128xf32, #tpu.memory_space<vmem>>, vector<16xf32>,
        %mul3A_958 = arith.mulf %get3A_950, %get3A_957 : vector<16xf32>
        %add3A_959 = arith.addf %mul3A_853, %mul3A_868 : vector<16xf32>
        %add3A_960 = arith.addf %mul3A_883, %mul3A_898 : vector<16xf32>
        %add3A_961 = arith.addf %mul3A_913, %mul3A_928 : vector<16xf32>
        %add3A_962 = arith.addf %mul3A_943, %mul3A_958 : vector<16xf32>
        %add3A_963 = arith.addf %add3A_959, %add3A_960 : vector<16xf32>
        %add3A_964 = arith.addf %add3A_961, %add3A_962 : vector<16xf32>
        %add3A_965 = arith.addf %add3A_963, %add3A_964 : vector<16xf32>
        %mul3A_966 = arith.constant 17 : i32
        %mul3A_967 = arith.muli %add3A_838, %mul3A_966 : i32
        %swap3A_968 = arith.index_cast %mul3A_967 : i32 to index
        %swap3A_969 = tpu.vector_load %arg16[%swap3A_968] {strides = array<i32>} : memref<272xf32, #tpu.memory_space<vmem>>, vector<16xf32>,
        tpu.vector_store %arg16[%swap3A_968], %add3A_965 {strides = array<i32>} : memref<272xf32, #tpu.memory_space<vmem>>, vector<16xf32>,
      }
      %scan3A_636 = arith.constant 8 : i32
      %gather3A_637 = tpu.vector_load_idx %arg16[%add3A_8] : memref<272xf32, #tpu.memory_space<vmem>>[vector<16xi32>], vector<16xf32>,
      %gather3A_638 = tpu.vector_load_idx %arg16[%add3A_11] : memref<272xf32, #tpu.memory_space<vmem>>[vector<16xi32>], vector<16xf32>,
      %gather3A_639 = tpu.vector_load_idx %arg16[%add3A_14] : memref<272xf32, #tpu.memory_space<vmem>>[vector<16xi32>], vector<16xf32>,
      %gather3A_640 = tpu.vector_load_idx %arg16[%add3A_17] : memref<272xf32, #tpu.memory_space<vmem>>[vector<16xi32>], vector<16xf32>,
      %gather3A_641 = tpu.vector_load_idx %arg16[%add3A_20] : memref<272xf32, #tpu.memory_space<vmem>>[vector<16xi32>], vector<16xf32>,
      %gather3A_642 = tpu.vector_load_idx %arg16[%add3A_23] : memref<272xf32, #tpu.memory_space<vmem>>[vector<16xi32>], vector<16xf32>,
      %gather3A_643 = tpu.vector_load_idx %arg16[%add3A_26] : memref<272xf32, #tpu.memory_space<vmem>>[vector<16xi32>], vector<16xf32>,
      %gather3A_644 = tpu.vector_load_idx %arg16[%add3A_29] : memref<272xf32, #tpu.memory_space<vmem>>[vector<16xi32>], vector<16xf32>,
      %gather3A_645 = tpu.vector_load_idx %arg16[%add3A_32] : memref<272xf32, #tpu.memory_space<vmem>>[vector<16xi32>], vector<16xf32>,
      %gather3A_646 = tpu.vector_load_idx %arg16[%add3A_35] : memref<272xf32, #tpu.memory_space<vmem>>[vector<16xi32>], vector<16xf32>,
      %gather3A_647 = tpu.vector_load_idx %arg16[%add3A_38] : memref<272xf32, #tpu.memory_space<vmem>>[vector<16xi32>], vector<16xf32>,
      %gather3A_648 = tpu.vector_load_idx %arg16[%add3A_41] : memref<272xf32, #tpu.memory_space<vmem>>[vector<16xi32>], vector<16xf32>,
      %gather3A_649 = tpu.vector_load_idx %arg16[%add3A_44] : memref<272xf32, #tpu.memory_space<vmem>>[vector<16xi32>], vector<16xf32>,
      %gather3A_650 = tpu.vector_load_idx %arg16[%add3A_47] : memref<272xf32, #tpu.memory_space<vmem>>[vector<16xi32>], vector<16xf32>,
      %gather3A_651 = tpu.vector_load_idx %arg16[%add3A_50] : memref<272xf32, #tpu.memory_space<vmem>>[vector<16xi32>], vector<16xf32>,
      %gather3A_652 = tpu.vector_load_idx %arg16[%add3A_53] : memref<272xf32, #tpu.memory_space<vmem>>[vector<16xi32>], vector<16xf32>,
      %add3A_653 = arith.addf %gather3A_637, %gather3A_638 : vector<16xf32>
      %add3A_654 = arith.addf %gather3A_639, %gather3A_640 : vector<16xf32>
      %add3A_655 = arith.addf %gather3A_641, %gather3A_642 : vector<16xf32>
      %add3A_656 = arith.addf %gather3A_643, %gather3A_644 : vector<16xf32>
      %add3A_657 = arith.addf %gather3A_645, %gather3A_646 : vector<16xf32>
      %add3A_658 = arith.addf %gather3A_647, %gather3A_648 : vector<16xf32>
      %add3A_659 = arith.addf %gather3A_649, %gather3A_650 : vector<16xf32>
      %add3A_660 = arith.addf %gather3A_651, %gather3A_652 : vector<16xf32>
      %add3A_661 = arith.addf %add3A_653, %add3A_654 : vector<16xf32>
      %add3A_662 = arith.addf %add3A_655, %add3A_656 : vector<16xf32>
      %add3A_663 = arith.addf %add3A_657, %add3A_658 : vector<16xf32>
      %add3A_664 = arith.addf %add3A_659, %add3A_660 : vector<16xf32>
      %add3A_665 = arith.addf %add3A_661, %add3A_662 : vector<16xf32>
      %add3A_666 = arith.addf %add3A_663, %add3A_664 : vector<16xf32>
      %add3A_667 = arith.addf %add3A_665, %add3A_666 : vector<16xf32>
      %get3A_668 = arith.constant 3 : i32
      %get3A_669 = arith.index_cast %get3A_668 : i32 to index
      %get3A_670 = arith.constant 0 : index
      %get3A_671 = tpu.vector_load %arg13[%get3A_669, %get3A_670] {strides = array<i32>} : memref<4x16xf32, #tpu.memory_space<vmem>>, vector<16xf32>,
      %add3A_672 = arith.addf %add3A_667, %get3A_671 : vector<16xf32>
      %get3A_673 = arith.constant 3 : i32
      %get3A_674 = arith.index_cast %get3A_673 : i32 to index
      %get3A_675 = arith.constant 0 : index
      %get3A_676 = tpu.vector_load %arg14[%get3A_674, %get3A_675] {strides = array<i32>} : memref<4x16xf32, #tpu.memory_space<vmem>>, vector<16xf32>,
      %add3A_677 = arith.addf %add3A_672, %get3A_676 : vector<16xf32>
      %neg3A_678 = arith.constant 0.000000e+00 : f32
      %neg3A_679 = vector.broadcast %neg3A_678 : f32 to vector<16xf32>
      %neg3A_680 = arith.subf %neg3A_679, %add3A_677 : vector<16xf32>
      %exp3A_681 = math.exp %neg3A_680 : vector<16xf32>
      %add3A_682 = arith.constant 1.000000e+00 : f32
      %add3A_683 = vector.broadcast %add3A_682 : f32 to vector<16xf32>
      %add3A_684 = arith.addf %add3A_683, %exp3A_681 : vector<16xf32>
      %div3A_685 = arith.constant 1.000000e+00 : f32
      %div3A_686 = vector.broadcast %div3A_685 : f32 to vector<16xf32>
      %div3A_687 = arith.divf %div3A_686, %add3A_684 : vector<16xf32>
      %mul3A_688 = arith.constant 16 : i32
      %mul3A_689 = arith.muli %add3A_576, %mul3A_688 : i32
      %swap3A_690 = arith.index_cast %mul3A_689 : i32 to index
      %swap3A_691 = tpu.vector_load %arg15[%swap3A_690] {strides = array<i32>} : memref<512xf32, #tpu.memory_space<vmem>>, vector<16xf32>,
      tpu.vector_store %arg15[%swap3A_690], %div3A_687 {strides = array<i32>} : memref<512xf32, #tpu.memory_space<vmem>>, vector<16xf32>,
      %add3A_692 = arith.constant 4 : i32
      %add3A_693 = arith.addi %add3A_576, %add3A_692 : i32
      %lt3A_694 = arith.constant 32 : i32
      %lt3A_695 = arith.cmpi slt, %add3A_693, %lt3A_694 : i32
      %convert_element_type3A_696 = arith.extui %lt3A_695 : i1 to i32
      %cond3A_697 = arith.constant 0 : i32
      %cond3A_698 = arith.cmpi ne, %convert_element_type3A_696, %cond3A_697 : i32
      scf.if %cond3A_698 {
        %add3A_699 = arith.constant 4 : i32
        %add3A_700 = arith.addi %add3A_576, %add3A_699 : i32
        %mul3A_701 = arith.constant 16 : i32
        %mul3A_702 = arith.muli %add3A_700, %mul3A_701 : i32
        %get3A_703 = arith.index_cast %mul3A_702 : i32 to index
        %get3A_704 = tpu.vector_load %arg9[%get3A_703] {strides = array<i32>} : memref<512xi32, #tpu.memory_space<vmem>>, vector<16xi32>,
        %mul3A_705 = arith.constant 16 : i32
        %mul3A_706 = arith.muli %add3A_700, %mul3A_705 : i32
        %get3A_707 = arith.index_cast %mul3A_706 : i32 to index
        %get3A_708 = tpu.vector_load %arg10[%get3A_707] {strides = array<i32>} : memref<512xi32, #tpu.memory_space<vmem>>, vector<16xi32>,
        %dma_start3A_709 = arith.constant 3 : i32
        %dma_start3A_710 = arith.constant 0 : i32
        %dma_start3A_711 = arith.constant 0 : i32
        %dma_start3A_712 = tpu.memref_slice %arg11[%dma_start3A_709, %dma_start3A_710, %dma_start3A_711] : memref<4x16x128xf32, #tpu.memory_space<vmem>> -> memref<1x16x128xf32, #tpu.memory_space<vmem>>
        %dma_start3A_713 = tpu.memref_squeeze %dma_start3A_712 : memref<1x16x128xf32, #tpu.memory_space<vmem>> -> memref<16x128xf32, #tpu.memory_space<vmem>>
        %dma_start3A_714 = arith.constant 0 : i32
        %dma_start3A_715 = arith.constant 0 : i32
        %dma_start3A_716 = tpu.memref_slice %arg4[%dma_start3A_714, %dma_start3A_715] : memref<100001x128xf32, #tpu.memory_space<hbm>> -> memref<100001x128xf32, #tpu.memory_space<hbm>>
        tpu.enqueue_indirect_dma source(%dma_start3A_716 : memref<100001x128xf32, #tpu.memory_space<hbm>>) target(%dma_start3A_713 : memref<16x128xf32, #tpu.memory_space<vmem>>) offsets(%get3A_704 : vector<16xi32>) semaphore(%arg20 : memref<!tpu.dma_semaphore, #tpu.memory_space<semaphore_mem>>)
        %dma_start3A_717 = arith.constant 3 : i32
        %dma_start3A_718 = arith.constant 0 : i32
        %dma_start3A_719 = arith.constant 0 : i32
        %dma_start3A_720 = tpu.memref_slice %arg12[%dma_start3A_717, %dma_start3A_718, %dma_start3A_719] : memref<4x16x128xf32, #tpu.memory_space<vmem>> -> memref<1x16x128xf32, #tpu.memory_space<vmem>>
        %dma_start3A_721 = tpu.memref_squeeze %dma_start3A_720 : memref<1x16x128xf32, #tpu.memory_space<vmem>> -> memref<16x128xf32, #tpu.memory_space<vmem>>
        %dma_start3A_722 = arith.constant 0 : i32
        %dma_start3A_723 = arith.constant 0 : i32
        %dma_start3A_724 = tpu.memref_slice %arg5[%dma_start3A_722, %dma_start3A_723] : memref<100001x128xf32, #tpu.memory_space<hbm>> -> memref<100001x128xf32, #tpu.memory_space<hbm>>
        tpu.enqueue_indirect_dma source(%dma_start3A_724 : memref<100001x128xf32, #tpu.memory_space<hbm>>) target(%dma_start3A_721 : memref<16x128xf32, #tpu.memory_space<vmem>>) offsets(%get3A_708 : vector<16xi32>) semaphore(%arg20 : memref<!tpu.dma_semaphore, #tpu.memory_space<semaphore_mem>>)
        %dma_start3A_725 = arith.constant 3 : i32
        %dma_start3A_726 = arith.constant 0 : i32
        %dma_start3A_727 = tpu.memref_slice %arg13[%dma_start3A_725, %dma_start3A_726] : memref<4x16xf32, #tpu.memory_space<vmem>> -> memref<1x16xf32, #tpu.memory_space<vmem>>
        %dma_start3A_728 = tpu.memref_squeeze %dma_start3A_727 : memref<1x16xf32, #tpu.memory_space<vmem>> -> memref<16xf32, #tpu.memory_space<vmem>>
        %dma_start3A_729 = arith.constant 0 : i32
        %dma_start3A_730 = tpu.memref_slice %arg6[%dma_start3A_729] : memref<100001xf32, #tpu.memory_space<hbm>> -> memref<100001xf32, #tpu.memory_space<hbm>>
        tpu.enqueue_indirect_dma source(%dma_start3A_730 : memref<100001xf32, #tpu.memory_space<hbm>>) target(%dma_start3A_728 : memref<16xf32, #tpu.memory_space<vmem>>) offsets(%get3A_704 : vector<16xi32>) semaphore(%arg20 : memref<!tpu.dma_semaphore, #tpu.memory_space<semaphore_mem>>)
        %dma_start3A_731 = arith.constant 3 : i32
        %dma_start3A_732 = arith.constant 0 : i32
        %dma_start3A_733 = tpu.memref_slice %arg14[%dma_start3A_731, %dma_start3A_732] : memref<4x16xf32, #tpu.memory_space<vmem>> -> memref<1x16xf32, #tpu.memory_space<vmem>>
        %dma_start3A_734 = tpu.memref_squeeze %dma_start3A_733 : memref<1x16xf32, #tpu.memory_space<vmem>> -> memref<16xf32, #tpu.memory_space<vmem>>
        %dma_start3A_735 = arith.constant 0 : i32
        %dma_start3A_736 = tpu.memref_slice %arg7[%dma_start3A_735] : memref<100001xf32, #tpu.memory_space<hbm>> -> memref<100001xf32, #tpu.memory_space<hbm>>
        tpu.enqueue_indirect_dma source(%dma_start3A_736 : memref<100001xf32, #tpu.memory_space<hbm>>) target(%dma_start3A_734 : memref<16xf32, #tpu.memory_space<vmem>>) offsets(%get3A_708 : vector<16xi32>) semaphore(%arg20 : memref<!tpu.dma_semaphore, #tpu.memory_space<semaphore_mem>>)
      } else {
      }
    }
    %scan3A_208 = arith.constant 8 : i32
    "tpu.region"() ({
      %run_scoped3A = tpu.sem_alloc : memref<!tpu.dma_semaphore, #tpu.memory_space<semaphore_mem>>
      %dma_start3A_209 = tpu.memref_slice %arg8[%mul3A_2] : memref<16384xf32, #tpu.memory_space<hbm>> -> memref<512xf32, #tpu.memory_space<hbm>>
      %dma_start3A_210 = tpu.memref_slice %arg8[%mul3A_2] : memref<16384xf32, #tpu.memory_space<hbm>> -> memref<512xf32, #tpu.memory_space<hbm>>
      tpu.enqueue_dma source(%arg15 : memref<512xf32, #tpu.memory_space<vmem>>) target(%dma_start3A_210 : memref<512xf32, #tpu.memory_space<hbm>>) target_semaphore(%run_scoped3A : memref<!tpu.dma_semaphore, #tpu.memory_space<semaphore_mem>>)
      %dma_wait3A = tpu.memref_slice %arg8[%mul3A_2] : memref<16384xf32, #tpu.memory_space<hbm>> -> memref<512xf32, #tpu.memory_space<hbm>>
      %dma_wait3A_211 = tpu.memref_slice %arg8[%mul3A_2] : memref<16384xf32, #tpu.memory_space<hbm>> -> memref<512xf32, #tpu.memory_space<hbm>>
      tpu.wait_dma2 semaphore(%run_scoped3A : memref<!tpu.dma_semaphore, #tpu.memory_space<semaphore_mem>>) src(%arg15 : memref<512xf32, #tpu.memory_space<vmem>>) dst(%dma_wait3A_211 : memref<512xf32, #tpu.memory_space<hbm>>)
      tpu.yield
    }) : () -> ()
    return
  }
}

</mosaic_0001>

<sc_bundles>
// kernel: _mf_sc.3.cloned.1.call-start
scs
__scs_entry_jumppad:
0x0: {  	(pc) =	sbr.rel $0x88, $3  }
0x1: {  	(tag) =	ssettag $0x0;
	lr =	simm.s32 $0x1  }
0x2: {  	[smem:$0x3F9B] =	sst lr;
	_ =	strace $0xD0000000  }
0x3: {  	_ = 	snop  }
0x4: {  	_ = 	snop  }
0x5: {  	_ = 	snop  }
0x6: {  	_ = 	snop  }
0x7: {  	_ = 	snop  }
__scs_overlays_trampoline_lowered:
0x8: {  	[smem:$0x3FAA] =	sst s0  }
0x9: {  	[smem:$0x3FAB] =	sst s1  }
0xa: {  	[smem:$0x3FAC] =	sst s2  }
0xb: {  	[smem:$0x3FAD] =	sst s3  }
0xc: {  	[smem:$0x3FAE] =	sst s4  }
0xd: {  	[smem:$0x3FAF] =	sst s5  }
0xe: {  	[smem:$0x3FB0] =	sst s6  }
0xf: {  	[smem:$0x3FB1] =	sst s7  }
0x10: {  	[smem:$0x3FB2] =	sst s8  }
0x11: {  	[smem:$0x3FB3] =	sst s9;
	s0 =	simm.s32 @!p0 $0x0  }
0x12: {  	s1 =	sld [smem:$0x3F99];
	s0 =	simm.s32 @p0 $0x1  }
0x13: {  	[smem:$0x3FB4] =	sst s0;
	s0 =	simm.s32 @!p1 $0x0  }
0x14: {  	s2 =	sld [smem:$0x3F98];
	s0 =	simm.s32 @p1 $0x1  }
0x15: {  	[smem:$0x3FB5] =	sst s0;
	s0 =	simm.s32 @!p2 $0x0  }
0x16: {  	s3 =	sld [smem:$0x3FDB];
	s0 =	simm.s32 @p2 $0x1  }
0x17: {  	s4 =	simm.s32 $0x1BF5;
	[smem:$0x3FB7] =	sst s0  }
0x18: {  	s0 =	sld [smem:$0x3F9A];
	_ =	swait.ge [sflag:s4], $0x0  }
0x19: {  	s7 =	sld [smem:$0x3F9B]  }
0x1a: {  	s8 =	sadd.s32 $0xFFFFE003, lr  }
0x1b: {  	s9 =	sadd.s32 $0xFFFFFEF7, lr;
	s5 =	simm.s32 $0xFFFFFFFF;
	p2 =	slt.u32 s8, $0xFFFFF086  }
0x1c: {  	p1 =	slt.u32 s9, $0xF7A;
	s5 =	simm.s32 @!p2 $0x0  }
0x1d: {  	s5 =	simm.s32 @p1 $0x1;
	p0 =	seq.s32 s7, s2  }
0x1e: {  	s7 =	smul.u32 @!p0 $0xF7A, s2;
	p2 =	seq.s32 @!p0 s5, $0x0  }
0x1f: {  	s9 =	smul.u32 $0xF7A, s1;
	s8 =	simm.s32 @!p0 $0x1BF5;
	p2 =	por !p2, p0  }
0x20: {  	[sflag:s8] =	ssyncset.s32 @!p0 $0xFFFFF086;
	s6 =	sadd.s32 @!p0 s3, s7;
	s7 =	simm.s32 @!p0 $0x108  }
0x21: {  	s3 =	sadd.s32 s3, s9;
	s6 =	sadd.s32 @!p0 $0x88, s6;
	s7 =	simm.s32 @p2 $0x1082  }
0x22: {  	[simem:s7], [sflag:s8] =	dma.local @!p0 [hbm:s6], $0xF7A  }
0x23: {  	s9 =	sor.u32 $0xD0000000, s2;
	s6 =	simm.s32 $0x108;
	_ =	swait.ge @!p0 [sflag:s8], $0x0  }
0x24: {  	s3 =	sadd.s32 $0x88, s3;
	s6 =	simm.s32 @!p1 $0x1082;
	[sflag:s4] =	ssyncset.s32 $0xFFFFF086  }
0x25: {  	[simem:s6], [sflag:s4] =	dma.local [hbm:s3], $0xF7A  }
0x26: {  	[smem:$0x3F9B] =	sst s1;
	(tag) =	ssettag s2;
	_ =	strace s9  }
0x27: {  	s1 =	sld [smem:$0x3FAB]  }
0x28: {  	s2 =	sld [smem:$0x3FAC]  }
0x29: {  	s4 =	sld [smem:$0x3FAE]  }
0x2a: {  	p0 =	seq.s32 s5, $0x0;
	s5 =	sld [smem:$0x3FAF]  }
0x2b: {  	s6 =	sld [smem:$0x3FB0]  }
0x2c: {  	s7 =	sld [smem:$0x3FB1]  }
0x2d: {  	s3 =	simm.s32 $0x108;
	s8 =	sld [smem:$0x3FB2]  }
0x2e: {  	s3 =	simm.s32 @!p0 $0x1082;
	s9 =	sld [smem:$0x3FB3]  }
0x2f: {  	lr =	sadd.s32 s0, s3;
	s0 =	sld [smem:$0x3FAA]  }
0x30: {  	s3 =	sld [smem:$0x3FAD]  }
0x31: {  	[smem:$0x3FB6] =	sst s10  }
0x32: {  	s10 =	sld [smem:$0x3FB4];
	_ =	sdelay $0x3  }
0x33: {  	p0 =	seq.s32 s10, $0x1;
	s10 =	sld [smem:$0x3FB6];
	_ =	sdelay $0x3  }
0x34: {  	[smem:$0x3FB6] =	sst s10  }
0x35: {  	s10 =	sld [smem:$0x3FB5];
	_ =	sdelay $0x3  }
0x36: {  	p1 =	seq.s32 s10, $0x1;
	s10 =	sld [smem:$0x3FB6];
	_ =	sdelay $0x3  }
0x37: {  	[smem:$0x3FB6] =	sst s10  }
0x38: {  	s10 =	sld [smem:$0x3FB7]  }
0x39: {  	_ = 	snop;
	(pc) =	sbr.ind lr, $3  }
0x3a: {  	_ = 	snop  }
0x3b: {  	_ = 	snop  }
0x3c: {  	p2 =	seq.s32 s10, $0x1;
	s10 =	sld [smem:$0x3FB6]  }
0x3d: {  	_ =	shalt  }
0x3e: {  	_ =	shalt  }
0x3f: {  	_ =	shalt  }
0x40: {  	_ =	shalt  }
0x41: {  	_ =	shalt  }
0x42: {  	_ =	shalt  }
0x43: {  	_ =	shalt  }
0x44: {  	_ =	shalt  }
0x45: {  	_ =	shalt  }
0x46: {  	_ =	shalt  }
0x47: {  	_ =	shalt  }
0x48: {  	_ =	shalt  }
0x49: {  	_ =	shalt  }
0x4a: {  	_ =	shalt  }
0x4b: {  	_ =	shalt  }
0x4c: {  	_ =	shalt  }
0x4d: {  	_ =	shalt  }
0x4e: {  	_ =	shalt  }
0x4f: {  	_ =	shalt  }
0x50: {  	_ =	shalt  }
0x51: {  	_ =	shalt  }
0x52: {  	_ =	shalt  }
0x53: {  	_ =	shalt  }
0x54: {  	_ =	shalt  }
0x55: {  	_ =	shalt  }
0x56: {  	_ =	shalt  }
0x57: {  	_ =	shalt  }
0x58: {  	_ =	shalt  }
0x59: {  	_ =	shalt  }
0x5a: {  	_ =	shalt  }
0x5b: {  	_ =	shalt  }
0x5c: {  	_ =	shalt  }
0x5d: {  	_ =	shalt  }
0x5e: {  	_ =	shalt  }
0x5f: {  	_ =	shalt  }
0x60: {  	_ =	shalt  }
0x61: {  	_ =	shalt  }
0x62: {  	_ =	shalt  }
0x63: {  	_ =	shalt  }
0x64: {  	_ =	shalt  }
0x65: {  	_ =	shalt  }
0x66: {  	_ =	shalt  }
0x67: {  	_ =	shalt  }
0x68: {  	_ =	shalt  }
0x69: {  	_ =	shalt  }
0x6a: {  	_ =	shalt  }
0x6b: {  	_ =	shalt  }
0x6c: {  	_ =	shalt  }
0x6d: {  	_ =	shalt  }
0x6e: {  	_ =	shalt  }
0x6f: {  	_ =	shalt  }
0x70: {  	_ =	shalt  }
0x71: {  	_ =	shalt  }
0x72: {  	_ =	shalt  }
0x73: {  	_ =	shalt  }
0x74: {  	_ =	shalt  }
0x75: {  	_ =	shalt  }
0x76: {  	_ =	shalt  }
0x77: {  	_ =	shalt  }
0x78: {  	_ =	shalt  }
0x79: {  	_ =	shalt  }
0x7a: {  	_ =	shalt  }
0x7b: {  	_ =	shalt  }
0x7c: {  	_ =	shalt  }
0x7d: {  	_ =	shalt  }
0x7e: {  	_ =	shalt  }
0x7f: {  	_ =	shalt  }
0x80: {  	_ =	shalt  }
0x81: {  	_ =	shalt  }
0x82: {  	_ =	shalt  }
0x83: {  	_ =	shalt  }
0x84: {  	_ =	shalt  }
0x85: {  	_ =	shalt  }
0x86: {  	_ =	shalt  }
0x87: {  	_ =	shalt  }
.Lfunc_end0:
.L_simem_size_0:
called_computation_lowered:
.L_overlay_start_0:
0x88: {  	s2 =	sld [smem:$0x3FD9]  }
0x89: {  	s3 =	sld [smem:$0x3FFE];
	_ =	sdelay $0x1  }
0x8a: {  	s1 =	srdreg.scid  }
0x8b: {  	s0 =	sand.u32 $0x1, s1  }
0x8c: {  	s18 =	sshll.u32 s0, $0xA;
	s2 =	sadd.s32 s3, s2  }
0x8d: {  	s2 =	sadd.s32 s2, s18  }
0x8e: {  	[smem:$0x3FC2] =	sst s2  }
0x8f: {  	_ = 	snop  }
0x90: {  	s2 =	sld [smem:$0x3FC9]  }
0x91: {  	s19 =	sld [smem:$0x3FC8]  }
0x92: {  	s4 =	sld [smem:$0x3FC7]  }
0x93: {  	s5 =	sld [smem:$0x3FC6]  }
0x94: {  	s6 =	sld [smem:$0x3FC5]  }
0x95: {  	s7 =	sld [smem:$0x3FC4]  }
0x96: {  	s8 =	sld [smem:$0x3FD0];
	(tm) =	ssettm $0x1  }
0x97: {  	s9 =	sld [smem:$0x3FFB];
	_ =	sdelay $0x3  }
0x98: {  	_ =	strace s9  }
0x99: {  	s9 =	sld [smem:$0x3FFC];
	_ =	sdelay $0x3  }
0x9a: {  	_ =	strace s9  }
0x9b: {  	s9 =	sld [smem:$0x3FFD];
	_ =	sdelay $0x3  }
0x9c: {  	_ =	strace s9  }
0x9d: {  	_ =	strace $0x8FFFFFFF  }
0x9e: {  	s20 =	sld [smem:$0x3FDB];
	_ =	sdelay $0x1  }
0x9f: {  	s10 =	simm.s32 $_scs_section_size  }
0xa0: {  	s11 =	simm.s32 $_size__tile_overlayer_lowered;
	s12 =	simm.s32 $_tile_overlayer_lowered  }
0xa1: {  	s23 =	simm.s32 $0x1BFF;
	s22 =	sshll.u32 s12, $0x1;
	s9 =	sadd.s32 s10, s20  }
0xa2: {  	s13 =	simm.s32 $0x0;
	s21 =	sshll.u32 s11, $0x1;
	s11 =	sadd.s32 s22, s9  }
0xa3: {  	[timem:s13], [sflag:s23] =	dma.local [hbm:s11], s21  }
0xa4: {  	_ =	swait.ge [sflag:s23], s21  }
0xa5: {  	s10 =	ssub.s32 $0x0, s21;
	[sflag:s23] =	ssyncset.done $0x0  }
0xa6: {  	[sflag:s23] =	ssyncadd.s32 s10;
	_ =	sdelay $0x1  }
0xa7: {  	s24 =	simm.s32 $0x1B8B  }
0xa8: {  	_ =	swait.ge [sflag:s24], $0x1  }
0xa9: {  	[sflag:s24] =	ssyncset.done $0x0  }
0xaa: {  	s25 =	simm.s32 $0x1B8E;
	[sflag:s24] =	ssyncadd.s32 $0xFFFFFFFF  }
0xab: {  	s26 =	simm.s32 $execute0_lowered;
	[smem:$0x3FD2] =	sst s25  }
0xac: {  	s10 =	sshll.u32 s26, $0x1;
	_ =	strace $0x80000046;
	[dreg:$0x1] =	wrdreg $0xFFFFFFFF  }
0xad: {  	s28 =	simm.s32 $_size_execute0_lowered;
	s9 =	sadd.s32 s9, s10;
	[dreg:$0x0] =	wrdreg $0x0  }
0xae: {  	s10 =	sshll.u32 s28, $0x1;
	[dreg:$0x2] =	wrdreg s9  }
0xaf: {  	[dreg:$0x3] =	wrdreg s10  }
0xb0: {  	[dreg:$0x4] =	wrdreg $0xC0  }
0xb1: {  	_ =	task [dreg:s13], $0x5FFFF  }
0xb2: {  	[dreg:$0x1] =	wrdreg $0xFFFFFFFF  }
0xb3: {  	[dreg:$0x0] =	wrdreg $0x60  }
0xb4: {  	[dreg:$0x2] =	wrdreg s2  }
0xb5: {  	[dreg:$0x3] =	wrdreg s19  }
0xb6: {  	[dreg:$0x4] =	wrdreg s4  }
0xb7: {  	[dreg:$0x5] =	wrdreg s5  }
0xb8: {  	[dreg:$0x6] =	wrdreg s6  }
0xb9: {  	[dreg:$0x7] =	wrdreg s7  }
0xba: {  	[dreg:$0x8] =	wrdreg s8  }
0xbb: {  	[dreg:$0x9] =	wrdreg $0x9  }
0xbc: {  	_ =	task.clear_ibuf [dreg:s13], $0xAFFFF;
	_ =	strace $0x90000046  }
0xbd: {  	s29 =	simm.s32 $0x9;
	_ =	strace $0x80000048  }
0xbe: {  	_ =	swait.ge [sflag:s29], $0x1  }
0xbf: {  	[sflag:s29] =	ssyncadd.s32 $0xFFFFFFFF  }
0xc0: {  	_ =	strace $0x90000048  }
0xc1: {  	_ =	sfence  }
0xc2: {  	s30 =	sld [smem:$0x0];
	_ =	sdelay $0x2  }
0xc3: {  	s31 =	sshll.u32 s1, $0xD;
	s1 =	sshrl.u32 s1, $0x2  }
0xc4: {  	s3 =	sand.u32 $0x4000, s31;
	s1 =	sadd.s32 s1, s30  }
0xc5: {  	s0 =	sor.u32 s3, s0;
	s1 =	sshll.u32 s1, $0x11  }
0xc6: {  	s0 =	sor.u32 s1, s0  }
0xc7: {  	s0 =	sadd.s32 $0x8F2B, s0  }
0xc8: {  	[sflag:s0] =	ssyncadd.remote.s32 $0x1  }
0xc9: {  	_ =	sfence.sel $0xFFFF  }
0xca: {  	[dreg:$0x0] =	wrdreg $0xFFFFFFFF;
	(pc) =	sbr.abs _section_cstart, $3  }
0xcb: {  	[dreg:$0x1] =	wrdreg $0xFFFFFFFF  }
0xcc: {  	_ =	task.clear_ibuf [dreg:s13], $0x2FFFF;
	_ =	strace $0x9FFFFFFF  }
0xcd: {  	(tm) =	ssettm $0x7FFFFFFF  }
tec
execute0_lowered:
.L_overlay_start_1:
0x0: {  	(tag) =	ssettag $0x1  }
0x1: {  	s0 =	rddreg [dreg:$0x0]  }
0x2: {  	s5 =	rddreg [dreg:$0x1]  }
0x3: {  	s1 =	rddreg [dreg:$0x2]  }
0x4: {  	s2 =	rddreg [dreg:$0x3]  }
0x5: {  	s3 =	rddreg [dreg:$0x4]  }
0x6: {  	s4 =	rddreg [dreg:$0x5]  }
0x7: {  	s9 =	rddreg [dreg:$0x6];
	s6 =	simm.s32 $0x0  }
0x8: {  	s7 =	srdreg.scid;
	s10 =	stileid.u32;
	s23 =	simm.s32 $0x4500  }
0x9: {  	s24 =	simm.s32 $0x4700;
	s25 =	simm.s32 $0x1C00;
	s26 =	simm.s32 $0x3C00  }
0xa: {  	v0 =	vlaneseq.u32;
	s28 =	simm.s32 $0x4580;
	s29 =	simm.s32 $0x4780;
	s30 =	simm.s32 $0x1  }
0xb: {  	s31 =	simm.s32 $0x4A00;
	s12 =	simm.s32 $0x4;
	s13 =	simm.s32 $0x4800;
	v0 =	vmul.u32 $0x11, v0  }
0xc: {  	vm0 =	vmmov $0xffff;
	s14 =	simm.s32 $0x0;
	s7 =	sand.u32 $0x1, s7;
	s10 =	sshll.u32 s10, $0x7  }
.Ltmp0:
0xd: {  	s8 =	ssub.s32 $0x2, s7;
	s7 =	sshll.u32 s7, $0x6;
	v1 =	vadd.s32 $0x1, v0;
	v2 =	vadd.s32 $0x2, v0;
	v3 =	vadd.s32 $0x3, v0;
	(pc) =	sbr.rel .LBB2_1-.Ltmp0, $4  }
0xe: {  	[smem:$0x7FF] =	sst s6;
	s11 =	sshrl.u32 s8, $0x1;
	s10 =	sor.u32 s7, s10;
	v4 =	vadd.s32 $0x4, v0;
	v5 =	vadd.s32 $0x5, v0;
	v6 =	vadd.s32 $0x6, v0  }
0xf: {  	_ =	strace $0x80000047;
	v7 =	vadd.s32 $0x7, v0;
	v8 =	vadd.s32 $0x8, v0;
	v9 =	vadd.s32 $0x9, v0;
	s11 =	ssub.s32 s8, s11;
	s7 =	sadd.s32 s0, s10  }
0x10: {  	v10 =	vadd.s32 $0xA, v0;
	v11 =	vadd.s32 $0xB, v0;
	v12 =	vadd.s32 $0xC, v0;
	s8 =	sadd.s32 s5, s10;
	s9 =	sadd.s32 s9, s10;
	s0 =	simm.s32 $0x2  }
0x11: {  	v13 =	vadd.s32 $0xD, v0;
	v14 =	vadd.s32 $0xE, v0;
	v15 =	vadd.s32 $0xF, v0;
	s5 =	simm.s32 $0x3;
	s10 =	smax.u32 s11, $0x1;
	s11 =	simm.s32 $0x5  }
.LBB2_12:
0x12: {  	s14 =	sadd.s32 $0x1, s14  }
0x13: {  	p0 =	sne.s32 s14, s10  }
.Ltmp1:
0x14: {  	_ = 	snop;
	(pc) =	sbr.rel @!p0 .LBB2_13-.Ltmp1, $4  }
0x15: {  	[hbm4b:s9+s6] =	stream.linear.scatter [tilespmem:s13], [sflag:$0x5], $0x200, $0x38;
	[tilespmem:$0x4B80] =	vst v63  }
0x16: {  	_ =	swait.ge [sflag:s11], $0x200  }
0x17: {  	[sflag:s11] =	ssyncset.done $0x0  }
0x18: {  	[sflag:s11] =	ssyncadd.s32 $0xFFFFFE00  }
.LBB2_1:
0x19: {  	[tilespmem:s6], [sflag:$0x5] =	stream.linear.gather [hbm4b:s7+s6], $0x200, $0x38;
	[tilespmem:$0x4B80] =	vst v63  }
0x1a: {  	_ =	swait.ge [sflag:s11], $0x200  }
0x1b: {  	[sflag:s11] =	ssyncset.done $0x0  }
0x1c: {  	s15 =	simm.s32 $0x200;
	[sflag:s11] =	ssyncadd.s32 $0xFFFFFE00  }
0x1d: {  	[tilespmem:s15], [sflag:$0x5] =	stream.linear.gather [hbm4b:s8+s6], $0x200, $0x38;
	[tilespmem:$0x4B80] =	vst v63  }
0x1e: {  	_ =	swait.ge [sflag:s11], $0x200  }
0x1f: {  	[sflag:s11] =	ssyncset.done $0x0  }
0x20: {  	[sflag:s11] =	ssyncadd.s32 $0xFFFFFE00  }
0x21: {  	v16 =	vld [tilespmem:$0x0];
	_ =	sdelay $0x1  }
0x22: {  	v17 =	vld [tilespmem:$0x200];
	_ =	sdelay $0x4  }
0x23: {  	s20 =	simm.s32 $0x400  }
0x24: {  	[tilespmem:s20], [sflag:$0x1] =	stream.indirect_vreg.gather [hbm4b:s1+s6], $0x80, v16, vm0, $0xb8;
	[tilespmem:$0x4B80] =	vst v63  }
0x25: {  	s21 =	simm.s32 $0x2400  }
0x26: {  	[tilespmem:s21], [sflag:$0x1] =	stream.indirect_vreg.gather [hbm4b:s2+s6], $0x80, v17, vm0, $0xb8;
	[tilespmem:$0x4B80] =	vst v63  }
0x27: {  	s22 =	simm.s32 $0x4400  }
0x28: {  	[tilespmem:s22], [sflag:$0x1] =	stream.indirect_vreg.gather [hbm4b:s3+s6], $0x1, v16, vm0, $0xb8;
	[tilespmem:$0x4B80] =	vst v63  }
0x29: {  	s16 =	simm.s32 $0x4600  }
0x2a: {  	[tilespmem:s16], [sflag:$0x1] =	stream.indirect_vreg.gather [hbm4b:s4+s6], $0x1, v17, vm0, $0xb8;
	[tilespmem:$0x4B80] =	vst v63  }
0x2b: {  	v16 =	vld [tilespmem:$0x10];
	_ =	sdelay $0x1  }
0x2c: {  	v17 =	vld [tilespmem:$0x210];
	_ =	sdelay $0x4  }
0x2d: {  	s17 =	simm.s32 $0xC00  }
0x2e: {  	[tilespmem:s17], [sflag:$0x2] =	stream.indirect_vreg.gather [hbm4b:s1+s6], $0x80, v16, vm0, $0xb8;
	[tilespmem:$0x4B80] =	vst v63  }
0x2f: {  	s18 =	simm.s32 $0x2C00  }
0x30: {  	[tilespmem:s18], [sflag:$0x2] =	stream.indirect_vreg.gather [hbm4b:s2+s6], $0x80, v17, vm0, $0xb8;
	[tilespmem:$0x4B80] =	vst v63  }
0x31: {  	s19 =	simm.s32 $0x4480  }
0x32: {  	[tilespmem:s19], [sflag:$0x2] =	stream.indirect_vreg.gather [hbm4b:s3+s6], $0x1, v16, vm0, $0xb8;
	[tilespmem:$0x4B80] =	vst v63  }
0x33: {  	s20 =	simm.s32 $0x4680  }
0x34: {  	[tilespmem:s20], [sflag:$0x2] =	stream.indirect_vreg.gather [hbm4b:s4+s6], $0x1, v17, vm0, $0xb8;
	[tilespmem:$0x4B80] =	vst v63  }
0x35: {  	v16 =	vld [tilespmem:$0x20];
	_ =	sdelay $0x1  }
0x36: {  	v17 =	vld [tilespmem:$0x220];
	_ =	sdelay $0x4  }
0x37: {  	s21 =	simm.s32 $0x1400  }
0x38: {  	[tilespmem:s21], [sflag:$0x3] =	stream.indirect_vreg.gather [hbm4b:s1+s6], $0x80, v16, vm0, $0xb8;
	[tilespmem:$0x4B80] =	vst v63  }
0x39: {  	s22 =	simm.s32 $0x3400  }
0x3a: {  	[tilespmem:s22], [sflag:$0x3] =	stream.indirect_vreg.gather [hbm4b:s2+s6], $0x80, v17, vm0, $0xb8;
	[tilespmem:$0x4B80] =	vst v63  }
0x3b: {  	_ = 	snop  }
0x3c: {  	[tilespmem:s23], [sflag:$0x3] =	stream.indirect_vreg.gather [hbm4b:s3+s6], $0x1, v16, vm0, $0xb8;
	[tilespmem:$0x4B80] =	vst v63  }
0x3d: {  	_ = 	snop  }
0x3e: {  	[tilespmem:s24], [sflag:$0x3] =	stream.indirect_vreg.gather [hbm4b:s4+s6], $0x1, v17, vm0, $0xb8;
	[tilespmem:$0x4B80] =	vst v63  }
0x3f: {  	v16 =	vld [tilespmem:$0x30];
	_ =	sdelay $0x1  }
0x40: {  	v17 =	vld [tilespmem:$0x230];
	_ =	sdelay $0x5  }
0x41: {  	[tilespmem:s25], [sflag:$0x4] =	stream.indirect_vreg.gather [hbm4b:s1+s6], $0x80, v16, vm0, $0xb8;
	[tilespmem:$0x4B80] =	vst v63  }
0x42: {  	_ = 	snop  }
0x43: {  	[tilespmem:s26], [sflag:$0x4] =	stream.indirect_vreg.gather [hbm4b:s2+s6], $0x80, v17, vm0, $0xb8;
	[tilespmem:$0x4B80] =	vst v63  }
0x44: {  	_ = 	snop  }
0x45: {  	[tilespmem:s28], [sflag:$0x4] =	stream.indirect_vreg.gather [hbm4b:s3+s6], $0x1, v16, vm0, $0xb8;
	[tilespmem:$0x4B80] =	vst v63  }
0x46: {  	s15 =	simm.s32 $0x0  }
0x47: {  	[tilespmem:s29], [sflag:$0x4] =	stream.indirect_vreg.gather [hbm4b:s4+s6], $0x1, v17, vm0, $0xb8;
	[tilespmem:$0x4B80] =	vst v63  }
.LBB2_2:
0x48: {  	_ =	swait.ge [sflag:s30], $0x800  }
0x49: {  	[sflag:s30] =	ssyncset.done $0x0  }
0x4a: {  	[sflag:s30] =	ssyncadd.s32 $0xFFFFF800  }
0x4b: {  	_ =	swait.ge [sflag:s30], $0x800  }
0x4c: {  	[sflag:s30] =	ssyncset.done $0x0  }
0x4d: {  	[sflag:s30] =	ssyncadd.s32 $0xFFFFF800  }
0x4e: {  	_ =	swait.ge [sflag:s30], $0x10  }
0x4f: {  	[sflag:s30] =	ssyncset.done $0x0  }
0x50: {  	[sflag:s30] =	ssyncadd.s32 $0xFFFFFFF0  }
0x51: {  	_ =	swait.ge [sflag:s30], $0x10  }
0x52: {  	[sflag:s30] =	ssyncset.done $0x0  }
0x53: {  	s16 =	simm.s32 $0x0;
	[sflag:s30] =	ssyncadd.s32 $0xFFFFFFF0  }
0x54: {  	v21 =	vld [tilespmem:s16+$0x2430]  }
0x55: {  	v16 =	vld [tilespmem:s16+$0x2420]  }
0x56: {  	v17 =	vld [tilespmem:s16+$0x2450]  }
0x57: {  	v18 =	vld [tilespmem:s16+$0x2460]  }
0x58: {  	v20 =	vld [tilespmem:s16+$0x460]  }
0x59: {  	v23 =	vld [tilespmem:s16+$0x2470]  }
0x5a: {  	v19 =	vld [tilespmem:s16+$0x2440]  }
0x5b: {  	v24 =	vld [tilespmem:s16+$0x2410]  }
0x5c: {  	v27 =	vld [tilespmem:s16+$0x430]  }
0x5d: {  	v26 =	vld [tilespmem:s16+$0x470]  }
0x5e: {  	v22 =	vld [tilespmem:s16+$0x400]  }
0x5f: {  	v25 =	vld [tilespmem:s16+$0x450]  }
0x60: {  	s18 =	simm.s32 $0x4A11;
	s19 =	simm.s32 $0x400;
	s17 =	simm.s32 $0x4A11;
	v28 =	vld [tilespmem:s16+$0x410]  }
.LBB2_3:
0x61: {  	p0 =	sne.s32 s19, $0x1C00  }
0x62: {  	v29 =	vld [tilespmem:s16+$0x420];
	v21 =	vmul.f32 v21, v27;
	s18 =	sadd.s32 $0x22, s18;
	s20 =	smov.u32 s19;
	s19 =	sadd.s32 $0x400, s19  }
0x63: {  	v27 =	vld [tilespmem:s16+$0x440]  }
0x64: {  	v30 =	vld [tilespmem:s16+$0x2400]  }
0x65: {  	v23 =	vmul.f32 v23, v26  }
0x66: {  	v18 =	vmul.f32 v18, v20;
	v24 =	vmul.f32 v24, v28  }
0x67: {  	v17 =	vmul.f32 v17, v25;
	v16 =	vmul.f32 v16, v29  }
0x68: {  	v19 =	vmul.f32 v19, v27  }
0x69: {  	v18 =	vadd.f32 v23, v18;
	v20 =	vmul.f32 v30, v22;
	v16 =	vadd.f32 v21, v16;
	_ =	sdelay $0x1  }
0x6a: {  	v17 =	vadd.f32 v17, v19;
	v20 =	vadd.f32 v24, v20;
	_ =	sdelay $0x1  }
0x6b: {  	v17 =	vadd.f32 v18, v17;
	v16 =	vadd.f32 v16, v20;
	_ =	sdelay $0x1  }
0x6c: {  	v16 =	vadd.f32 v17, v16;
	_ =	sdelay $0x1  }
0x6d: {  	[tilespmem:s17+$0xFFFFFFEF] =	vst v16  }
0x6e: {  	v16 =	vld [tilespmem:s16+$0x480]  }
0x6f: {  	v17 =	vld [tilespmem:s16+$0x2480]  }
0x70: {  	v18 =	vld [tilespmem:s16+$0x4A0]  }
0x71: {  	v19 =	vld [tilespmem:s16+$0x24A0]  }
0x72: {  	v20 =	vld [tilespmem:s16+$0x4B0]  }
0x73: {  	v21 =	vld [tilespmem:s16+$0x24B0]  }
0x74: {  	v16 =	vmul.f32 v17, v16;
	v17 =	vld [tilespmem:s16+$0x4C0]  }
0x75: {  	v22 =	vld [tilespmem:s16+$0x24C0]  }
0x76: {  	v18 =	vmul.f32 v19, v18;
	v19 =	vld [tilespmem:s16+$0x4E0]  }
0x77: {  	v23 =	vld [tilespmem:s16+$0x24E0]  }
0x78: {  	v20 =	vmul.f32 v21, v20;
	v21 =	vld [tilespmem:s16+$0x4F0]  }
0x79: {  	v24 =	vld [tilespmem:s16+$0x24F0]  }
0x7a: {  	v25 =	vld [tilespmem:s16+$0x2490];
	v17 =	vmul.f32 v22, v17  }
0x7b: {  	v22 =	vld [tilespmem:s16+$0x24D0]  }
0x7c: {  	s20 =	sshra.s32 s20, $0x2;
	v26 =	vld [tilespmem:s16+$0x4D0];
	v19 =	vmul.f32 v23, v19  }
0x7d: {  	v23 =	vld [tilespmem:s16+$0x490];
	s16 =	smov.u32 s20;
	_ =	sdelay $0x3  }
0x7e: {  	v21 =	vmul.f32 v24, v21;
	v22 =	vmul.f32 v22, v26  }
0x7f: {  	v23 =	vmul.f32 v25, v23  }
0x80: {  	v19 =	vadd.f32 v21, v19;
	v17 =	vadd.f32 v22, v17  }
0x81: {  	v18 =	vadd.f32 v20, v18;
	v16 =	vadd.f32 v23, v16;
	_ =	sdelay $0x1  }
0x82: {  	v17 =	vadd.f32 v19, v17;
	v16 =	vadd.f32 v18, v16;
	_ =	sdelay $0x1  }
0x83: {  	v16 =	vadd.f32 v17, v16;
	_ =	sdelay $0x1  }
0x84: {  	[tilespmem:s17+$0x0] =	vst v16;
	s17 =	smov.u32 s18  }
0x85: {  	v21 =	vld [tilespmem:s16+$0x2430]  }
0x86: {  	v16 =	vld [tilespmem:s16+$0x2420]  }
0x87: {  	v17 =	vld [tilespmem:s16+$0x2450]  }
0x88: {  	v18 =	vld [tilespmem:s16+$0x2460]  }
0x89: {  	v20 =	vld [tilespmem:s16+$0x460]  }
0x8a: {  	v23 =	vld [tilespmem:s16+$0x2470]  }
0x8b: {  	v19 =	vld [tilespmem:s16+$0x2440]  }
0x8c: {  	v24 =	vld [tilespmem:s16+$0x2410]  }
.Ltmp2:
0x8d: {  	v27 =	vld [tilespmem:s16+$0x430];
	(pc) =	sbr.rel @p0 .LBB2_3-.Ltmp2, $4  }
0x8e: {  	v26 =	vld [tilespmem:s16+$0x470]  }
0x8f: {  	v22 =	vld [tilespmem:s16+$0x400]  }
0x90: {  	v25 =	vld [tilespmem:s16+$0x450]  }
0x91: {  	v28 =	vld [tilespmem:s16+$0x410]  }
0x92: {  	v29 =	vld [tilespmem:s16+$0x420]  }
0x93: {  	v30 =	vld [tilespmem:s16+$0x440]  }
0x94: {  	v31 =	vld [tilespmem:s16+$0x2400];
	_ =	sdelay $0x1  }
0x95: {  	v21 =	vmul.f32 v21, v27;
	v18 =	vmul.f32 v18, v20  }
0x96: {  	v23 =	vmul.f32 v23, v26;
	v17 =	vmul.f32 v17, v25  }
0x97: {  	v24 =	vmul.f32 v24, v28;
	v16 =	vmul.f32 v16, v29  }
0x98: {  	v19 =	vmul.f32 v19, v30;
	v20 =	vmul.f32 v31, v22  }
0x99: {  	v18 =	vadd.f32 v23, v18;
	v16 =	vadd.f32 v21, v16  }
0x9a: {  	v20 =	vadd.f32 v24, v20;
	v17 =	vadd.f32 v17, v19;
	_ =	sdelay $0x1  }
0x9b: {  	v16 =	vadd.f32 v16, v20;
	v17 =	vadd.f32 v18, v17;
	_ =	sdelay $0x1  }
0x9c: {  	v16 =	vadd.f32 v17, v16;
	_ =	sdelay $0x1  }
0x9d: {  	[tilespmem:s17+$0xFFFFFFEF] =	vst v16  }
0x9e: {  	v16 =	vld [tilespmem:s16+$0x480]  }
0x9f: {  	v17 =	vld [tilespmem:s16+$0x2480]  }
0xa0: {  	v18 =	vld [tilespmem:s16+$0x4A0]  }
0xa1: {  	v19 =	vld [tilespmem:s16+$0x24A0]  }
0xa2: {  	v20 =	vld [tilespmem:s16+$0x4B0]  }
0xa3: {  	v21 =	vld [tilespmem:s16+$0x24B0]  }
0xa4: {  	v22 =	vld [tilespmem:s16+$0x4C0]  }
0xa5: {  	v23 =	vld [tilespmem:s16+$0x24C0]  }
0xa6: {  	v24 =	vld [tilespmem:s16+$0x4E0]  }
0xa7: {  	v25 =	vld [tilespmem:s16+$0x24E0]  }
0xa8: {  	v26 =	vld [tilespmem:s16+$0x4F0]  }
0xa9: {  	v27 =	vld [tilespmem:s16+$0x24F0]  }
0xaa: {  	v28 =	vld [tilespmem:s16+$0x2490]  }
0xab: {  	v29 =	vld [tilespmem:s16+$0x24D0]  }
0xac: {  	v30 =	vld [tilespmem:s16+$0x4D0]  }
0xad: {  	v31 =	vld [tilespmem:s16+$0x490];
	_ =	sdelay $0x1  }
0xae: {  	v16 =	vmul.f32 v17, v16;
	v17 =	vmul.f32 v19, v18  }
0xaf: {  	v18 =	vmul.f32 v23, v22;
	v19 =	vmul.f32 v25, v24  }
0xb0: {  	v22 =	vmul.f32 v29, v30;
	v23 =	vmul.f32 v27, v26  }
0xb1: {  	v20 =	vmul.f32 v21, v20;
	v21 =	vmul.f32 v28, v31  }
0xb2: {  	v18 =	vadd.f32 v22, v18;
	v19 =	vadd.f32 v23, v19  }
0xb3: {  	v16 =	vadd.f32 v21, v16;
	v17 =	vadd.f32 v20, v17;
	_ =	sdelay $0x1  }
0xb4: {  	v16 =	vadd.f32 v17, v16;
	v17 =	vadd.f32 v19, v18;
	_ =	sdelay $0x1  }
0xb5: {  	v16 =	vadd.f32 v17, v16;
	_ =	sdelay $0x1  }
0xb6: {  	[tilespmem:s17+$0x0] =	vst v16  }
0xb7: {  	v16 =	vld.idx.msk [tilespmem:v0+s31+$0x0], $0xffff  }
0xb8: {  	v17 =	vld.idx.msk [tilespmem:v1+s31+$0x0], $0xffff  }
0xb9: {  	v18 =	vld.idx.msk [tilespmem:v2+s31+$0x0], $0xffff  }
0xba: {  	v19 =	vld.idx.msk [tilespmem:v3+s31+$0x0], $0xffff  }
0xbb: {  	v20 =	vld.idx.msk [tilespmem:v4+s31+$0x0], $0xffff  }
0xbc: {  	v21 =	vld.idx.msk [tilespmem:v5+s31+$0x0], $0xffff  }
0xbd: {  	v22 =	vld.idx.msk [tilespmem:v6+s31+$0x0], $0xffff  }
0xbe: {  	v23 =	vld.idx.msk [tilespmem:v7+s31+$0x0], $0xffff  }
0xbf: {  	v24 =	vld.idx.msk [tilespmem:v8+s31+$0x0], $0xffff  }
0xc0: {  	v25 =	vld.idx.msk [tilespmem:v9+s31+$0x0], $0xffff  }
0xc1: {  	v26 =	vld.idx.msk [tilespmem:v10+s31+$0x0], $0xffff  }
0xc2: {  	v27 =	vld.idx.msk [tilespmem:v11+s31+$0x0], $0xffff  }
0xc3: {  	v28 =	vld.idx.msk [tilespmem:v12+s31+$0x0], $0xffff  }
0xc4: {  	v29 =	vld.idx.msk [tilespmem:v13+s31+$0x0], $0xffff  }
0xc5: {  	v30 =	vld.idx.msk [tilespmem:v14+s31+$0x0], $0xffff  }
0xc6: {  	v31 =	vld.idx.msk [tilespmem:v15+s31+$0x0], $0xffff;
	_ =	sdelay $0x1  }
0xc7: {  	v16 =	vadd.f32 v17, v16;
	v17 =	vadd.f32 v19, v18  }
0xc8: {  	v18 =	vadd.f32 v21, v20;
	v19 =	vadd.f32 v23, v22  }
0xc9: {  	v20 =	vadd.f32 v25, v24;
	v21 =	vadd.f32 v27, v26  }
0xca: {  	v22 =	vadd.f32 v29, v28;
	v23 =	vadd.f32 v31, v30  }
0xcb: {  	v16 =	vadd.f32 v17, v16;
	v17 =	vadd.f32 v19, v18  }
0xcc: {  	v18 =	vadd.f32 v21, v20;
	v19 =	vadd.f32 v23, v22  }
0xcd: {  	v20 =	vld [tilespmem:$0x4400]  }
0xce: {  	v16 =	vadd.f32 v17, v16;
	v17 =	vadd.f32 v19, v18  }
0xcf: {  	v18 =	vld [tilespmem:$0x4600]  }
0xd0: {  	v16 =	vadd.f32 v17, v16;
	_ =	sdelay $0x1  }
0xd1: {  	v16 =	vadd.f32 v16, v20;
	_ =	sdelay $0x1  }
0xd2: {  	v16 =	vadd.f32 v16, v18;
	_ =	sdelay $0x1  }
0xd3: {  	v16 =	vsub.f32 $0.0e+00, v16;
	_ =	sdelay $0x1  }
0xd4: {  	v16 =	vmul.f32 $1.442695020e+00, v16;
	_ =	sdelay $0x1  }
0xd5: {  	(erf) = vpow2.f32 v16;
	_ =	sdelay $0x8  }
0xd6: {  	v16 =	vpop (erf)  }
0xd7: {  	v16 =	vadd.f32 $1.000000000e+00, v16;
	_ =	sdelay $0x1  }
0xd8: {  	(erf) = vrcp.f32 v16;
	_ =	sdelay $0x7  }
0xd9: {  	s16 =	sshll.u32 s15, $0x6  }
0xda: {  	s17 =	sand.u32 $0x3FFFFFC0, s16;
	v16 =	vpop (erf)  }
0xdb: {  	p0 =	seq.s32 s15, $0x7;
	[tilespmem:s17+$0x4800] =	vst v16  }
0xdc: {  	v16 =	vld @!p0 [tilespmem:s16+$0x40];
	_ =	sdelay $0x1  }
0xdd: {  	v17 =	vld @!p0 [tilespmem:s16+$0x240];
	_ =	sdelay $0x4  }
0xde: {  	vm1 =	vmmov @!p0 $0xffff;
	s18 =	simm.s32 @!p0 $0x0;
	s19 =	simm.s32 @!p0 $0x400  }
0xdf: {  	[tilespmem:s19], [sflag:$0x1] =	stream.indirect_vreg.gather @!p0 [hbm4b:s1+s18], $0x80, v16, vm1, $0xb8;
	[tilespmem:$0x4B80] =	vst v63  }
0xe0: {  	s19 =	simm.s32 @!p0 $0x2400  }
0xe1: {  	[tilespmem:s19], [sflag:$0x1] =	stream.indirect_vreg.gather @!p0 [hbm4b:s2+s18], $0x80, v17, vm1, $0xb8;
	[tilespmem:$0x4B80] =	vst v63  }
0xe2: {  	s19 =	simm.s32 @!p0 $0x4400  }
0xe3: {  	[tilespmem:s19], [sflag:$0x1] =	stream.indirect_vreg.gather @!p0 [hbm4b:s3+s18], $0x1, v16, vm1, $0xb8;
	[tilespmem:$0x4B80] =	vst v63  }
0xe4: {  	s19 =	simm.s32 @!p0 $0x4600  }
0xe5: {  	[tilespmem:s19], [sflag:$0x1] =	stream.indirect_vreg.gather @!p0 [hbm4b:s4+s18], $0x1, v17, vm1, $0xb8;
	[tilespmem:$0x4B80] =	vst v63  }
0xe6: {  	_ =	swait.ge [sflag:s0], $0x800  }
0xe7: {  	[sflag:s0] =	ssyncset.done $0x0  }
0xe8: {  	[sflag:s0] =	ssyncadd.s32 $0xFFFFF800  }
0xe9: {  	_ =	swait.ge [sflag:s0], $0x800  }
0xea: {  	[sflag:s0] =	ssyncset.done $0x0  }
0xeb: {  	[sflag:s0] =	ssyncadd.s32 $0xFFFFF800  }
0xec: {  	_ =	swait.ge [sflag:s0], $0x10  }
0xed: {  	[sflag:s0] =	ssyncset.done $0x0  }
0xee: {  	[sflag:s0] =	ssyncadd.s32 $0xFFFFFFF0  }
0xef: {  	_ =	swait.ge [sflag:s0], $0x10  }
0xf0: {  	[sflag:s0] =	ssyncset.done $0x0  }
0xf1: {  	s18 =	simm.s32 $0x0;
	[sflag:s0] =	ssyncadd.s32 $0xFFFFFFF0  }
0xf2: {  	v21 =	vld [tilespmem:s18+$0x2C30]  }
0xf3: {  	v16 =	vld [tilespmem:s18+$0x2C20]  }
0xf4: {  	v17 =	vld [tilespmem:s18+$0x2C50]  }
0xf5: {  	v18 =	vld [tilespmem:s18+$0x2C60]  }
0xf6: {  	v20 =	vld [tilespmem:s18+$0xC60]  }
0xf7: {  	v23 =	vld [tilespmem:s18+$0x2C70]  }
0xf8: {  	v19 =	vld [tilespmem:s18+$0x2C40]  }
0xf9: {  	v24 =	vld [tilespmem:s18+$0x2C10]  }
0xfa: {  	v27 =	vld [tilespmem:s18+$0xC30]  }
0xfb: {  	v26 =	vld [tilespmem:s18+$0xC70]  }
0xfc: {  	v22 =	vld [tilespmem:s18+$0xC00]  }
0xfd: {  	v25 =	vld [tilespmem:s18+$0xC50]  }
0xfe: {  	s20 =	simm.s32 $0x4A11;
	s21 =	simm.s32 $0x400;
	s19 =	simm.s32 $0x4A11;
	v28 =	vld [tilespmem:s18+$0xC10]  }
.LBB2_5:
0xff: {  	p1 =	sne.s32 s21, $0x1C00  }
0x100: {  	v29 =	vld [tilespmem:s18+$0xC20];
	v21 =	vmul.f32 v21, v27;
	s20 =	sadd.s32 $0x22, s20;
	s22 =	smov.u32 s21;
	s21 =	sadd.s32 $0x400, s21  }
0x101: {  	v27 =	vld [tilespmem:s18+$0xC40]  }
0x102: {  	v30 =	vld [tilespmem:s18+$0x2C00]  }
0x103: {  	v23 =	vmul.f32 v23, v26  }
0x104: {  	v18 =	vmul.f32 v18, v20;
	v24 =	vmul.f32 v24, v28  }
0x105: {  	v17 =	vmul.f32 v17, v25;
	v16 =	vmul.f32 v16, v29  }
0x106: {  	v19 =	vmul.f32 v19, v27  }
0x107: {  	v18 =	vadd.f32 v23, v18;
	v20 =	vmul.f32 v30, v22;
	v16 =	vadd.f32 v21, v16;
	_ =	sdelay $0x1  }
0x108: {  	v17 =	vadd.f32 v17, v19;
	v20 =	vadd.f32 v24, v20;
	_ =	sdelay $0x1  }
0x109: {  	v17 =	vadd.f32 v18, v17;
	v16 =	vadd.f32 v16, v20;
	_ =	sdelay $0x1  }
0x10a: {  	v16 =	vadd.f32 v17, v16;
	_ =	sdelay $0x1  }
0x10b: {  	[tilespmem:s19+$0xFFFFFFEF] =	vst v16  }
0x10c: {  	v16 =	vld [tilespmem:s18+$0xC80]  }
0x10d: {  	v17 =	vld [tilespmem:s18+$0x2C80]  }
0x10e: {  	v18 =	vld [tilespmem:s18+$0xCA0]  }
0x10f: {  	v19 =	vld [tilespmem:s18+$0x2CA0]  }
0x110: {  	v20 =	vld [tilespmem:s18+$0xCB0]  }
0x111: {  	v21 =	vld [tilespmem:s18+$0x2CB0]  }
0x112: {  	v16 =	vmul.f32 v17, v16;
	v17 =	vld [tilespmem:s18+$0xCC0]  }
0x113: {  	v22 =	vld [tilespmem:s18+$0x2CC0]  }
0x114: {  	v18 =	vmul.f32 v19, v18;
	v19 =	vld [tilespmem:s18+$0xCE0]  }
0x115: {  	v23 =	vld [tilespmem:s18+$0x2CE0]  }
0x116: {  	v20 =	vmul.f32 v21, v20;
	v21 =	vld [tilespmem:s18+$0xCF0]  }
0x117: {  	v24 =	vld [tilespmem:s18+$0x2CF0]  }
0x118: {  	v25 =	vld [tilespmem:s18+$0x2C90];
	v17 =	vmul.f32 v22, v17  }
0x119: {  	v22 =	vld [tilespmem:s18+$0x2CD0]  }
0x11a: {  	s22 =	sshra.s32 s22, $0x2;
	v26 =	vld [tilespmem:s18+$0xCD0];
	v19 =	vmul.f32 v23, v19  }
0x11b: {  	v23 =	vld [tilespmem:s18+$0xC90];
	s18 =	smov.u32 s22;
	_ =	sdelay $0x3  }
0x11c: {  	v21 =	vmul.f32 v24, v21;
	v22 =	vmul.f32 v22, v26  }
0x11d: {  	v23 =	vmul.f32 v25, v23  }
0x11e: {  	v19 =	vadd.f32 v21, v19;
	v17 =	vadd.f32 v22, v17  }
0x11f: {  	v18 =	vadd.f32 v20, v18;
	v16 =	vadd.f32 v23, v16;
	_ =	sdelay $0x1  }
0x120: {  	v17 =	vadd.f32 v19, v17;
	v16 =	vadd.f32 v18, v16;
	_ =	sdelay $0x1  }
0x121: {  	v16 =	vadd.f32 v17, v16;
	_ =	sdelay $0x1  }
0x122: {  	[tilespmem:s19+$0x0] =	vst v16;
	s19 =	smov.u32 s20  }
0x123: {  	v21 =	vld [tilespmem:s18+$0x2C30]  }
0x124: {  	v16 =	vld [tilespmem:s18+$0x2C20]  }
0x125: {  	v17 =	vld [tilespmem:s18+$0x2C50]  }
0x126: {  	v18 =	vld [tilespmem:s18+$0x2C60]  }
0x127: {  	v20 =	vld [tilespmem:s18+$0xC60]  }
0x128: {  	v23 =	vld [tilespmem:s18+$0x2C70]  }
0x129: {  	v19 =	vld [tilespmem:s18+$0x2C40]  }
0x12a: {  	v24 =	vld [tilespmem:s18+$0x2C10]  }
.Ltmp3:
0x12b: {  	v27 =	vld [tilespmem:s18+$0xC30];
	(pc) =	sbr.rel @p1 .LBB2_5-.Ltmp3, $4  }
0x12c: {  	v26 =	vld [tilespmem:s18+$0xC70]  }
0x12d: {  	v22 =	vld [tilespmem:s18+$0xC00]  }
0x12e: {  	v25 =	vld [tilespmem:s18+$0xC50]  }
0x12f: {  	v28 =	vld [tilespmem:s18+$0xC10]  }
0x130: {  	v29 =	vld [tilespmem:s18+$0xC20]  }
0x131: {  	v30 =	vld [tilespmem:s18+$0xC40]  }
0x132: {  	v31 =	vld [tilespmem:s18+$0x2C00];
	_ =	sdelay $0x1  }
0x133: {  	v21 =	vmul.f32 v21, v27;
	v18 =	vmul.f32 v18, v20  }
0x134: {  	v23 =	vmul.f32 v23, v26;
	v17 =	vmul.f32 v17, v25  }
0x135: {  	v24 =	vmul.f32 v24, v28;
	v16 =	vmul.f32 v16, v29  }
0x136: {  	v19 =	vmul.f32 v19, v30;
	v20 =	vmul.f32 v31, v22  }
0x137: {  	v18 =	vadd.f32 v23, v18;
	v16 =	vadd.f32 v21, v16  }
0x138: {  	v20 =	vadd.f32 v24, v20;
	v17 =	vadd.f32 v17, v19;
	_ =	sdelay $0x1  }
0x139: {  	v16 =	vadd.f32 v16, v20;
	v17 =	vadd.f32 v18, v17;
	_ =	sdelay $0x1  }
0x13a: {  	v16 =	vadd.f32 v17, v16;
	_ =	sdelay $0x1  }
0x13b: {  	[tilespmem:s19+$0xFFFFFFEF] =	vst v16  }
0x13c: {  	v16 =	vld [tilespmem:s18+$0xC80]  }
0x13d: {  	v17 =	vld [tilespmem:s18+$0x2C80]  }
0x13e: {  	v18 =	vld [tilespmem:s18+$0xCA0]  }
0x13f: {  	v19 =	vld [tilespmem:s18+$0x2CA0]  }
0x140: {  	v20 =	vld [tilespmem:s18+$0xCB0]  }
0x141: {  	v21 =	vld [tilespmem:s18+$0x2CB0]  }
0x142: {  	v22 =	vld [tilespmem:s18+$0xCC0]  }
0x143: {  	v23 =	vld [tilespmem:s18+$0x2CC0]  }
0x144: {  	v24 =	vld [tilespmem:s18+$0xCE0]  }
0x145: {  	v25 =	vld [tilespmem:s18+$0x2CE0]  }
0x146: {  	v26 =	vld [tilespmem:s18+$0xCF0]  }
0x147: {  	v27 =	vld [tilespmem:s18+$0x2CF0]  }
0x148: {  	v28 =	vld [tilespmem:s18+$0x2C90]  }
0x149: {  	v29 =	vld [tilespmem:s18+$0x2CD0]  }
0x14a: {  	v30 =	vld [tilespmem:s18+$0xCD0]  }
0x14b: {  	v31 =	vld [tilespmem:s18+$0xC90];
	_ =	sdelay $0x1  }
0x14c: {  	v16 =	vmul.f32 v17, v16;
	v17 =	vmul.f32 v19, v18  }
0x14d: {  	v18 =	vmul.f32 v23, v22;
	v19 =	vmul.f32 v25, v24  }
0x14e: {  	v22 =	vmul.f32 v29, v30;
	v23 =	vmul.f32 v27, v26  }
0x14f: {  	v20 =	vmul.f32 v21, v20;
	v21 =	vmul.f32 v28, v31  }
0x150: {  	v18 =	vadd.f32 v22, v18;
	v19 =	vadd.f32 v23, v19  }
0x151: {  	v16 =	vadd.f32 v21, v16;
	v17 =	vadd.f32 v20, v17;
	_ =	sdelay $0x1  }
0x152: {  	v16 =	vadd.f32 v17, v16;
	v17 =	vadd.f32 v19, v18;
	_ =	sdelay $0x1  }
0x153: {  	v16 =	vadd.f32 v17, v16;
	_ =	sdelay $0x1  }
0x154: {  	[tilespmem:s19+$0x0] =	vst v16  }
0x155: {  	v16 =	vld.idx.msk [tilespmem:v0+s31+$0x0], $0xffff  }
0x156: {  	v17 =	vld.idx.msk [tilespmem:v1+s31+$0x0], $0xffff  }
0x157: {  	v18 =	vld.idx.msk [tilespmem:v2+s31+$0x0], $0xffff  }
0x158: {  	v19 =	vld.idx.msk [tilespmem:v3+s31+$0x0], $0xffff  }
0x159: {  	v20 =	vld.idx.msk [tilespmem:v4+s31+$0x0], $0xffff  }
0x15a: {  	v21 =	vld.idx.msk [tilespmem:v5+s31+$0x0], $0xffff  }
0x15b: {  	v22 =	vld.idx.msk [tilespmem:v6+s31+$0x0], $0xffff  }
0x15c: {  	v23 =	vld.idx.msk [tilespmem:v7+s31+$0x0], $0xffff  }
0x15d: {  	v24 =	vld.idx.msk [tilespmem:v8+s31+$0x0], $0xffff  }
0x15e: {  	v25 =	vld.idx.msk [tilespmem:v9+s31+$0x0], $0xffff  }
0x15f: {  	v26 =	vld.idx.msk [tilespmem:v10+s31+$0x0], $0xffff  }
0x160: {  	v27 =	vld.idx.msk [tilespmem:v11+s31+$0x0], $0xffff  }
0x161: {  	v28 =	vld.idx.msk [tilespmem:v12+s31+$0x0], $0xffff  }
0x162: {  	v29 =	vld.idx.msk [tilespmem:v13+s31+$0x0], $0xffff  }
0x163: {  	v30 =	vld.idx.msk [tilespmem:v14+s31+$0x0], $0xffff  }
0x164: {  	v31 =	vld.idx.msk [tilespmem:v15+s31+$0x0], $0xffff;
	_ =	sdelay $0x1  }
0x165: {  	v16 =	vadd.f32 v17, v16;
	v17 =	vadd.f32 v19, v18  }
0x166: {  	v18 =	vadd.f32 v21, v20;
	v19 =	vadd.f32 v23, v22  }
0x167: {  	v20 =	vadd.f32 v25, v24;
	v21 =	vadd.f32 v27, v26  }
0x168: {  	v22 =	vadd.f32 v29, v28;
	v23 =	vadd.f32 v31, v30  }
0x169: {  	v16 =	vadd.f32 v17, v16;
	v17 =	vadd.f32 v19, v18  }
0x16a: {  	v18 =	vadd.f32 v21, v20;
	v19 =	vadd.f32 v23, v22  }
0x16b: {  	v20 =	vld [tilespmem:$0x4480]  }
0x16c: {  	v16 =	vadd.f32 v17, v16;
	v17 =	vadd.f32 v19, v18  }
0x16d: {  	v18 =	vld [tilespmem:$0x4680]  }
0x16e: {  	v16 =	vadd.f32 v17, v16;
	_ =	sdelay $0x1  }
0x16f: {  	v16 =	vadd.f32 v16, v20;
	_ =	sdelay $0x1  }
0x170: {  	v16 =	vadd.f32 v16, v18;
	_ =	sdelay $0x1  }
0x171: {  	v16 =	vsub.f32 $0.0e+00, v16;
	_ =	sdelay $0x1  }
0x172: {  	v16 =	vmul.f32 $1.442695020e+00, v16;
	_ =	sdelay $0x1  }
0x173: {  	(erf) = vpow2.f32 v16;
	_ =	sdelay $0x8  }
0x174: {  	v16 =	vpop (erf)  }
0x175: {  	v16 =	vadd.f32 $1.000000000e+00, v16;
	_ =	sdelay $0x1  }
0x176: {  	(erf) = vrcp.f32 v16;
	_ =	sdelay $0x8  }
0x177: {  	v16 =	vpop (erf)  }
0x178: {  	[tilespmem:s17+$0x4810] =	vst v16  }
0x179: {  	v16 =	vld @!p0 [tilespmem:s16+$0x50];
	_ =	sdelay $0x1  }
0x17a: {  	v17 =	vld @!p0 [tilespmem:s16+$0x250];
	_ =	sdelay $0x4  }
0x17b: {  	s18 =	simm.s32 @!p0 $0x0;
	s19 =	simm.s32 @!p0 $0xC00  }
0x17c: {  	[tilespmem:s19], [sflag:$0x2] =	stream.indirect_vreg.gather @!p0 [hbm4b:s1+s18], $0x80, v16, vm1, $0xb8;
	[tilespmem:$0x4B80] =	vst v63  }
0x17d: {  	s19 =	simm.s32 @!p0 $0x2C00  }
0x17e: {  	[tilespmem:s19], [sflag:$0x2] =	stream.indirect_vreg.gather @!p0 [hbm4b:s2+s18], $0x80, v17, vm1, $0xb8;
	[tilespmem:$0x4B80] =	vst v63  }
0x17f: {  	s19 =	simm.s32 @!p0 $0x4480  }
0x180: {  	[tilespmem:s19], [sflag:$0x2] =	stream.indirect_vreg.gather @!p0 [hbm4b:s3+s18], $0x1, v16, vm1, $0xb8;
	[tilespmem:$0x4B80] =	vst v63  }
0x181: {  	s19 =	simm.s32 @!p0 $0x4680  }
0x182: {  	[tilespmem:s19], [sflag:$0x2] =	stream.indirect_vreg.gather @!p0 [hbm4b:s4+s18], $0x1, v17, vm1, $0xb8;
	[tilespmem:$0x4B80] =	vst v63  }
0x183: {  	_ =	swait.ge [sflag:s5], $0x800  }
0x184: {  	[sflag:s5] =	ssyncset.done $0x0  }
0x185: {  	[sflag:s5] =	ssyncadd.s32 $0xFFFFF800  }
0x186: {  	_ =	swait.ge [sflag:s5], $0x800  }
0x187: {  	[sflag:s5] =	ssyncset.done $0x0  }
0x188: {  	[sflag:s5] =	ssyncadd.s32 $0xFFFFF800  }
0x189: {  	_ =	swait.ge [sflag:s5], $0x10  }
0x18a: {  	[sflag:s5] =	ssyncset.done $0x0  }
0x18b: {  	[sflag:s5] =	ssyncadd.s32 $0xFFFFFFF0  }
0x18c: {  	_ =	swait.ge [sflag:s5], $0x10  }
0x18d: {  	[sflag:s5] =	ssyncset.done $0x0  }
0x18e: {  	s18 =	simm.s32 $0x0;
	[sflag:s5] =	ssyncadd.s32 $0xFFFFFFF0  }
0x18f: {  	v21 =	vld [tilespmem:s18+$0x3430]  }
0x190: {  	v16 =	vld [tilespmem:s18+$0x3420]  }
0x191: {  	v17 =	vld [tilespmem:s18+$0x3450]  }
0x192: {  	v18 =	vld [tilespmem:s18+$0x3460]  }
0x193: {  	v20 =	vld [tilespmem:s18+$0x1460]  }
0x194: {  	v23 =	vld [tilespmem:s18+$0x3470]  }
0x195: {  	v19 =	vld [tilespmem:s18+$0x3440]  }
0x196: {  	v24 =	vld [tilespmem:s18+$0x3410]  }
0x197: {  	v27 =	vld [tilespmem:s18+$0x1430]  }
0x198: {  	v26 =	vld [tilespmem:s18+$0x1470]  }
0x199: {  	v22 =	vld [tilespmem:s18+$0x1400]  }
0x19a: {  	v25 =	vld [tilespmem:s18+$0x1450]  }
0x19b: {  	s20 =	simm.s32 $0x4A11;
	s21 =	simm.s32 $0x400;
	s19 =	simm.s32 $0x4A11;
	v28 =	vld [tilespmem:s18+$0x1410]  }
.LBB2_7:
0x19c: {  	p1 =	sne.s32 s21, $0x1C00  }
0x19d: {  	v29 =	vld [tilespmem:s18+$0x1420];
	v21 =	vmul.f32 v21, v27;
	s20 =	sadd.s32 $0x22, s20;
	s22 =	smov.u32 s21;
	s21 =	sadd.s32 $0x400, s21  }
0x19e: {  	v27 =	vld [tilespmem:s18+$0x1440]  }
0x19f: {  	v30 =	vld [tilespmem:s18+$0x3400]  }
0x1a0: {  	v23 =	vmul.f32 v23, v26  }
0x1a1: {  	v18 =	vmul.f32 v18, v20;
	v24 =	vmul.f32 v24, v28  }
0x1a2: {  	v17 =	vmul.f32 v17, v25;
	v16 =	vmul.f32 v16, v29  }
0x1a3: {  	v19 =	vmul.f32 v19, v27  }
0x1a4: {  	v18 =	vadd.f32 v23, v18;
	v20 =	vmul.f32 v30, v22;
	v16 =	vadd.f32 v21, v16;
	_ =	sdelay $0x1  }
0x1a5: {  	v17 =	vadd.f32 v17, v19;
	v20 =	vadd.f32 v24, v20;
	_ =	sdelay $0x1  }
0x1a6: {  	v17 =	vadd.f32 v18, v17;
	v16 =	vadd.f32 v16, v20;
	_ =	sdelay $0x1  }
0x1a7: {  	v16 =	vadd.f32 v17, v16;
	_ =	sdelay $0x1  }
0x1a8: {  	[tilespmem:s19+$0xFFFFFFEF] =	vst v16  }
0x1a9: {  	v16 =	vld [tilespmem:s18+$0x1480]  }
0x1aa: {  	v17 =	vld [tilespmem:s18+$0x3480]  }
0x1ab: {  	v18 =	vld [tilespmem:s18+$0x14A0]  }
0x1ac: {  	v19 =	vld [tilespmem:s18+$0x34A0]  }
0x1ad: {  	v20 =	vld [tilespmem:s18+$0x14B0]  }
0x1ae: {  	v21 =	vld [tilespmem:s18+$0x34B0]  }
0x1af: {  	v16 =	vmul.f32 v17, v16;
	v17 =	vld [tilespmem:s18+$0x14C0]  }
0x1b0: {  	v22 =	vld [tilespmem:s18+$0x34C0]  }
0x1b1: {  	v18 =	vmul.f32 v19, v18;
	v19 =	vld [tilespmem:s18+$0x14E0]  }
0x1b2: {  	v23 =	vld [tilespmem:s18+$0x34E0]  }
0x1b3: {  	v20 =	vmul.f32 v21, v20;
	v21 =	vld [tilespmem:s18+$0x14F0]  }
0x1b4: {  	v24 =	vld [tilespmem:s18+$0x34F0]  }
0x1b5: {  	v25 =	vld [tilespmem:s18+$0x3490];
	v17 =	vmul.f32 v22, v17  }
0x1b6: {  	v22 =	vld [tilespmem:s18+$0x34D0]  }
0x1b7: {  	s22 =	sshra.s32 s22, $0x2;
	v26 =	vld [tilespmem:s18+$0x14D0];
	v19 =	vmul.f32 v23, v19  }
0x1b8: {  	v23 =	vld [tilespmem:s18+$0x1490];
	s18 =	smov.u32 s22;
	_ =	sdelay $0x3  }
0x1b9: {  	v21 =	vmul.f32 v24, v21;
	v22 =	vmul.f32 v22, v26  }
0x1ba: {  	v23 =	vmul.f32 v25, v23  }
0x1bb: {  	v19 =	vadd.f32 v21, v19;
	v17 =	vadd.f32 v22, v17  }
0x1bc: {  	v18 =	vadd.f32 v20, v18;
	v16 =	vadd.f32 v23, v16;
	_ =	sdelay $0x1  }
0x1bd: {  	v17 =	vadd.f32 v19, v17;
	v16 =	vadd.f32 v18, v16;
	_ =	sdelay $0x1  }
0x1be: {  	v16 =	vadd.f32 v17, v16;
	_ =	sdelay $0x1  }
0x1bf: {  	[tilespmem:s19+$0x0] =	vst v16;
	s19 =	smov.u32 s20  }
0x1c0: {  	v21 =	vld [tilespmem:s18+$0x3430]  }
0x1c1: {  	v16 =	vld [tilespmem:s18+$0x3420]  }
0x1c2: {  	v17 =	vld [tilespmem:s18+$0x3450]  }
0x1c3: {  	v18 =	vld [tilespmem:s18+$0x3460]  }
0x1c4: {  	v20 =	vld [tilespmem:s18+$0x1460]  }
0x1c5: {  	v23 =	vld [tilespmem:s18+$0x3470]  }
0x1c6: {  	v19 =	vld [tilespmem:s18+$0x3440]  }
0x1c7: {  	v24 =	vld [tilespmem:s18+$0x3410]  }
.Ltmp4:
0x1c8: {  	v27 =	vld [tilespmem:s18+$0x1430];
	(pc) =	sbr.rel @p1 .LBB2_7-.Ltmp4, $4  }
0x1c9: {  	v26 =	vld [tilespmem:s18+$0x1470]  }
0x1ca: {  	v22 =	vld [tilespmem:s18+$0x1400]  }
0x1cb: {  	v25 =	vld [tilespmem:s18+$0x1450]  }
0x1cc: {  	v28 =	vld [tilespmem:s18+$0x1410]  }
0x1cd: {  	v29 =	vld [tilespmem:s18+$0x1420]  }
0x1ce: {  	v30 =	vld [tilespmem:s18+$0x1440]  }
0x1cf: {  	v31 =	vld [tilespmem:s18+$0x3400];
	_ =	sdelay $0x1  }
0x1d0: {  	v21 =	vmul.f32 v21, v27;
	v18 =	vmul.f32 v18, v20  }
0x1d1: {  	v23 =	vmul.f32 v23, v26;
	v17 =	vmul.f32 v17, v25  }
0x1d2: {  	v24 =	vmul.f32 v24, v28;
	v16 =	vmul.f32 v16, v29  }
0x1d3: {  	v19 =	vmul.f32 v19, v30;
	v20 =	vmul.f32 v31, v22  }
0x1d4: {  	v18 =	vadd.f32 v23, v18;
	v16 =	vadd.f32 v21, v16  }
0x1d5: {  	v20 =	vadd.f32 v24, v20;
	v17 =	vadd.f32 v17, v19;
	_ =	sdelay $0x1  }
0x1d6: {  	v16 =	vadd.f32 v16, v20;
	v17 =	vadd.f32 v18, v17;
	_ =	sdelay $0x1  }
0x1d7: {  	v16 =	vadd.f32 v17, v16;
	_ =	sdelay $0x1  }
0x1d8: {  	[tilespmem:s19+$0xFFFFFFEF] =	vst v16  }
0x1d9: {  	v16 =	vld [tilespmem:s18+$0x1480]  }
0x1da: {  	v17 =	vld [tilespmem:s18+$0x3480]  }
0x1db: {  	v18 =	vld [tilespmem:s18+$0x14A0]  }
0x1dc: {  	v19 =	vld [tilespmem:s18+$0x34A0]  }
0x1dd: {  	v20 =	vld [tilespmem:s18+$0x14B0]  }
0x1de: {  	v21 =	vld [tilespmem:s18+$0x34B0]  }
0x1df: {  	v22 =	vld [tilespmem:s18+$0x14C0]  }
0x1e0: {  	v23 =	vld [tilespmem:s18+$0x34C0]  }
0x1e1: {  	v24 =	vld [tilespmem:s18+$0x14E0]  }
0x1e2: {  	v25 =	vld [tilespmem:s18+$0x34E0]  }
0x1e3: {  	v26 =	vld [tilespmem:s18+$0x14F0]  }
0x1e4: {  	v27 =	vld [tilespmem:s18+$0x34F0]  }
0x1e5: {  	v28 =	vld [tilespmem:s18+$0x3490]  }
0x1e6: {  	v29 =	vld [tilespmem:s18+$0x34D0]  }
0x1e7: {  	v30 =	vld [tilespmem:s18+$0x14D0]  }
0x1e8: {  	v31 =	vld [tilespmem:s18+$0x1490];
	_ =	sdelay $0x1  }
0x1e9: {  	v16 =	vmul.f32 v17, v16;
	v17 =	vmul.f32 v19, v18  }
0x1ea: {  	v18 =	vmul.f32 v23, v22;
	v19 =	vmul.f32 v25, v24  }
0x1eb: {  	v22 =	vmul.f32 v29, v30;
	v23 =	vmul.f32 v27, v26  }
0x1ec: {  	v20 =	vmul.f32 v21, v20;
	v21 =	vmul.f32 v28, v31  }
0x1ed: {  	v18 =	vadd.f32 v22, v18;
	v19 =	vadd.f32 v23, v19  }
0x1ee: {  	v16 =	vadd.f32 v21, v16;
	v17 =	vadd.f32 v20, v17;
	_ =	sdelay $0x1  }
0x1ef: {  	v16 =	vadd.f32 v17, v16;
	v17 =	vadd.f32 v19, v18;
	_ =	sdelay $0x1  }
0x1f0: {  	v16 =	vadd.f32 v17, v16;
	_ =	sdelay $0x1  }
0x1f1: {  	[tilespmem:s19+$0x0] =	vst v16  }
0x1f2: {  	v16 =	vld.idx.msk [tilespmem:v0+s31+$0x0], $0xffff  }
0x1f3: {  	v17 =	vld.idx.msk [tilespmem:v1+s31+$0x0], $0xffff  }
0x1f4: {  	v18 =	vld.idx.msk [tilespmem:v2+s31+$0x0], $0xffff  }
0x1f5: {  	v19 =	vld.idx.msk [tilespmem:v3+s31+$0x0], $0xffff  }
0x1f6: {  	v20 =	vld.idx.msk [tilespmem:v4+s31+$0x0], $0xffff  }
0x1f7: {  	v21 =	vld.idx.msk [tilespmem:v5+s31+$0x0], $0xffff  }
0x1f8: {  	v22 =	vld.idx.msk [tilespmem:v6+s31+$0x0], $0xffff  }
0x1f9: {  	v23 =	vld.idx.msk [tilespmem:v7+s31+$0x0], $0xffff  }
0x1fa: {  	v24 =	vld.idx.msk [tilespmem:v8+s31+$0x0], $0xffff  }
0x1fb: {  	v25 =	vld.idx.msk [tilespmem:v9+s31+$0x0], $0xffff  }
0x1fc: {  	v26 =	vld.idx.msk [tilespmem:v10+s31+$0x0], $0xffff  }
0x1fd: {  	v27 =	vld.idx.msk [tilespmem:v11+s31+$0x0], $0xffff  }
0x1fe: {  	v28 =	vld.idx.msk [tilespmem:v12+s31+$0x0], $0xffff  }
0x1ff: {  	v29 =	vld.idx.msk [tilespmem:v13+s31+$0x0], $0xffff  }
0x200: {  	v30 =	vld.idx.msk [tilespmem:v14+s31+$0x0], $0xffff  }
0x201: {  	v31 =	vld.idx.msk [tilespmem:v15+s31+$0x0], $0xffff;
	_ =	sdelay $0x1  }
0x202: {  	v16 =	vadd.f32 v17, v16;
	v17 =	vadd.f32 v19, v18  }
0x203: {  	v18 =	vadd.f32 v21, v20;
	v19 =	vadd.f32 v23, v22  }
0x204: {  	v20 =	vadd.f32 v25, v24;
	v21 =	vadd.f32 v27, v26  }
0x205: {  	v22 =	vadd.f32 v29, v28;
	v23 =	vadd.f32 v31, v30  }
0x206: {  	v16 =	vadd.f32 v17, v16;
	v17 =	vadd.f32 v19, v18  }
0x207: {  	v18 =	vadd.f32 v21, v20;
	v19 =	vadd.f32 v23, v22  }
0x208: {  	v20 =	vld [tilespmem:$0x4500]  }
0x209: {  	v16 =	vadd.f32 v17, v16;
	v17 =	vadd.f32 v19, v18  }
0x20a: {  	v18 =	vld [tilespmem:$0x4700]  }
0x20b: {  	v16 =	vadd.f32 v17, v16;
	_ =	sdelay $0x1  }
0x20c: {  	v16 =	vadd.f32 v16, v20;
	_ =	sdelay $0x1  }
0x20d: {  	v16 =	vadd.f32 v16, v18;
	_ =	sdelay $0x1  }
0x20e: {  	v16 =	vsub.f32 $0.0e+00, v16;
	_ =	sdelay $0x1  }
0x20f: {  	v16 =	vmul.f32 $1.442695020e+00, v16;
	_ =	sdelay $0x1  }
0x210: {  	(erf) = vpow2.f32 v16;
	_ =	sdelay $0x8  }
0x211: {  	v16 =	vpop (erf)  }
0x212: {  	v16 =	vadd.f32 $1.000000000e+00, v16;
	_ =	sdelay $0x1  }
0x213: {  	(erf) = vrcp.f32 v16;
	_ =	sdelay $0x8  }
0x214: {  	v16 =	vpop (erf)  }
0x215: {  	[tilespmem:s17+$0x4820] =	vst v16  }
0x216: {  	v16 =	vld @!p0 [tilespmem:s16+$0x60];
	_ =	sdelay $0x1  }
0x217: {  	v17 =	vld @!p0 [tilespmem:s16+$0x260];
	_ =	sdelay $0x4  }
0x218: {  	s18 =	simm.s32 @!p0 $0x0;
	s19 =	simm.s32 @!p0 $0x1400  }
0x219: {  	[tilespmem:s19], [sflag:$0x3] =	stream.indirect_vreg.gather @!p0 [hbm4b:s1+s18], $0x80, v16, vm1, $0xb8;
	[tilespmem:$0x4B80] =	vst v63  }
0x21a: {  	s19 =	simm.s32 @!p0 $0x3400  }
0x21b: {  	[tilespmem:s19], [sflag:$0x3] =	stream.indirect_vreg.gather @!p0 [hbm4b:s2+s18], $0x80, v17, vm1, $0xb8;
	[tilespmem:$0x4B80] =	vst v63  }
0x21c: {  	s19 =	simm.s32 @!p0 $0x4500  }
0x21d: {  	[tilespmem:s19], [sflag:$0x3] =	stream.indirect_vreg.gather @!p0 [hbm4b:s3+s18], $0x1, v16, vm1, $0xb8;
	[tilespmem:$0x4B80] =	vst v63  }
0x21e: {  	s19 =	simm.s32 @!p0 $0x4700  }
0x21f: {  	[tilespmem:s19], [sflag:$0x3] =	stream.indirect_vreg.gather @!p0 [hbm4b:s4+s18], $0x1, v17, vm1, $0xb8;
	[tilespmem:$0x4B80] =	vst v63  }
0x220: {  	_ =	swait.ge [sflag:s12], $0x800  }
0x221: {  	[sflag:s12] =	ssyncset.done $0x0  }
0x222: {  	[sflag:s12] =	ssyncadd.s32 $0xFFFFF800  }
0x223: {  	_ =	swait.ge [sflag:s12], $0x800  }
0x224: {  	[sflag:s12] =	ssyncset.done $0x0  }
0x225: {  	[sflag:s12] =	ssyncadd.s32 $0xFFFFF800  }
0x226: {  	_ =	swait.ge [sflag:s12], $0x10  }
0x227: {  	[sflag:s12] =	ssyncset.done $0x0  }
0x228: {  	[sflag:s12] =	ssyncadd.s32 $0xFFFFFFF0  }
0x229: {  	_ =	swait.ge [sflag:s12], $0x10  }
0x22a: {  	[sflag:s12] =	ssyncset.done $0x0  }
0x22b: {  	s18 =	simm.s32 $0x0;
	[sflag:s12] =	ssyncadd.s32 $0xFFFFFFF0  }
0x22c: {  	v21 =	vld [tilespmem:s18+$0x3C30]  }
0x22d: {  	v16 =	vld [tilespmem:s18+$0x3C20]  }
0x22e: {  	v17 =	vld [tilespmem:s18+$0x3C50]  }
0x22f: {  	v18 =	vld [tilespmem:s18+$0x3C60]  }
0x230: {  	v20 =	vld [tilespmem:s18+$0x1C60]  }
0x231: {  	v23 =	vld [tilespmem:s18+$0x3C70]  }
0x232: {  	v19 =	vld [tilespmem:s18+$0x3C40]  }
0x233: {  	v24 =	vld [tilespmem:s18+$0x3C10]  }
0x234: {  	v27 =	vld [tilespmem:s18+$0x1C30]  }
0x235: {  	v26 =	vld [tilespmem:s18+$0x1C70]  }
0x236: {  	v22 =	vld [tilespmem:s18+$0x1C00]  }
0x237: {  	v25 =	vld [tilespmem:s18+$0x1C50]  }
0x238: {  	s20 =	simm.s32 $0x4A11;
	s21 =	simm.s32 $0x400;
	s19 =	simm.s32 $0x4A11;
	v28 =	vld [tilespmem:s18+$0x1C10]  }
.LBB2_9:
0x239: {  	p1 =	sne.s32 s21, $0x1C00  }
0x23a: {  	v29 =	vld [tilespmem:s18+$0x1C20];
	v21 =	vmul.f32 v21, v27;
	s20 =	sadd.s32 $0x22, s20;
	s22 =	smov.u32 s21;
	s21 =	sadd.s32 $0x400, s21  }
0x23b: {  	v27 =	vld [tilespmem:s18+$0x1C40]  }
0x23c: {  	v30 =	vld [tilespmem:s18+$0x3C00]  }
0x23d: {  	v23 =	vmul.f32 v23, v26  }
0x23e: {  	v18 =	vmul.f32 v18, v20;
	v24 =	vmul.f32 v24, v28  }
0x23f: {  	v17 =	vmul.f32 v17, v25;
	v16 =	vmul.f32 v16, v29  }
0x240: {  	v19 =	vmul.f32 v19, v27  }
0x241: {  	v18 =	vadd.f32 v23, v18;
	v20 =	vmul.f32 v30, v22;
	v16 =	vadd.f32 v21, v16;
	_ =	sdelay $0x1  }
0x242: {  	v17 =	vadd.f32 v17, v19;
	v20 =	vadd.f32 v24, v20;
	_ =	sdelay $0x1  }
0x243: {  	v17 =	vadd.f32 v18, v17;
	v16 =	vadd.f32 v16, v20;
	_ =	sdelay $0x1  }
0x244: {  	v16 =	vadd.f32 v17, v16;
	_ =	sdelay $0x1  }
0x245: {  	[tilespmem:s19+$0xFFFFFFEF] =	vst v16  }
0x246: {  	v16 =	vld [tilespmem:s18+$0x1C80]  }
0x247: {  	v17 =	vld [tilespmem:s18+$0x3C80]  }
0x248: {  	v18 =	vld [tilespmem:s18+$0x1CA0]  }
0x249: {  	v19 =	vld [tilespmem:s18+$0x3CA0]  }
0x24a: {  	v20 =	vld [tilespmem:s18+$0x1CB0]  }
0x24b: {  	v21 =	vld [tilespmem:s18+$0x3CB0]  }
0x24c: {  	v16 =	vmul.f32 v17, v16;
	v17 =	vld [tilespmem:s18+$0x1CC0]  }
0x24d: {  	v22 =	vld [tilespmem:s18+$0x3CC0]  }
0x24e: {  	v18 =	vmul.f32 v19, v18;
	v19 =	vld [tilespmem:s18+$0x1CE0]  }
0x24f: {  	v23 =	vld [tilespmem:s18+$0x3CE0]  }
0x250: {  	v20 =	vmul.f32 v21, v20;
	v21 =	vld [tilespmem:s18+$0x1CF0]  }
0x251: {  	v24 =	vld [tilespmem:s18+$0x3CF0]  }
0x252: {  	v25 =	vld [tilespmem:s18+$0x3C90];
	v17 =	vmul.f32 v22, v17  }
0x253: {  	v22 =	vld [tilespmem:s18+$0x3CD0]  }
0x254: {  	s22 =	sshra.s32 s22, $0x2;
	v26 =	vld [tilespmem:s18+$0x1CD0];
	v19 =	vmul.f32 v23, v19  }
0x255: {  	v23 =	vld [tilespmem:s18+$0x1C90];
	s18 =	smov.u32 s22;
	_ =	sdelay $0x3  }
0x256: {  	v21 =	vmul.f32 v24, v21;
	v22 =	vmul.f32 v22, v26  }
0x257: {  	v23 =	vmul.f32 v25, v23  }
0x258: {  	v19 =	vadd.f32 v21, v19;
	v17 =	vadd.f32 v22, v17  }
0x259: {  	v18 =	vadd.f32 v20, v18;
	v16 =	vadd.f32 v23, v16;
	_ =	sdelay $0x1  }
0x25a: {  	v17 =	vadd.f32 v19, v17;
	v16 =	vadd.f32 v18, v16;
	_ =	sdelay $0x1  }
0x25b: {  	v16 =	vadd.f32 v17, v16;
	_ =	sdelay $0x1  }
0x25c: {  	[tilespmem:s19+$0x0] =	vst v16;
	s19 =	smov.u32 s20  }
0x25d: {  	v21 =	vld [tilespmem:s18+$0x3C30]  }
0x25e: {  	v16 =	vld [tilespmem:s18+$0x3C20]  }
0x25f: {  	v17 =	vld [tilespmem:s18+$0x3C50]  }
0x260: {  	v18 =	vld [tilespmem:s18+$0x3C60]  }
0x261: {  	v20 =	vld [tilespmem:s18+$0x1C60]  }
0x262: {  	v23 =	vld [tilespmem:s18+$0x3C70]  }
0x263: {  	v19 =	vld [tilespmem:s18+$0x3C40]  }
0x264: {  	v24 =	vld [tilespmem:s18+$0x3C10]  }
.Ltmp5:
0x265: {  	v27 =	vld [tilespmem:s18+$0x1C30];
	(pc) =	sbr.rel @p1 .LBB2_9-.Ltmp5, $4  }
0x266: {  	v26 =	vld [tilespmem:s18+$0x1C70]  }
0x267: {  	v22 =	vld [tilespmem:s18+$0x1C00]  }
0x268: {  	v25 =	vld [tilespmem:s18+$0x1C50]  }
0x269: {  	v28 =	vld [tilespmem:s18+$0x1C10]  }
0x26a: {  	v29 =	vld [tilespmem:s18+$0x1C20]  }
0x26b: {  	v30 =	vld [tilespmem:s18+$0x1C40]  }
0x26c: {  	v31 =	vld [tilespmem:s18+$0x3C00];
	_ =	sdelay $0x1  }
0x26d: {  	v21 =	vmul.f32 v21, v27;
	v18 =	vmul.f32 v18, v20  }
0x26e: {  	v23 =	vmul.f32 v23, v26;
	v17 =	vmul.f32 v17, v25  }
0x26f: {  	v24 =	vmul.f32 v24, v28;
	v16 =	vmul.f32 v16, v29  }
0x270: {  	v19 =	vmul.f32 v19, v30;
	v51 =	vmul.f32 v31, v22  }
0x271: {  	v18 =	vadd.f32 v23, v18;
	v16 =	vadd.f32 v21, v16  }
0x272: {  	v20 =	vadd.f32 v24, v51;
	v17 =	vadd.f32 v17, v19;
	_ =	sdelay $0x1  }
0x273: {  	v16 =	vadd.f32 v16, v20;
	v17 =	vadd.f32 v18, v17;
	_ =	sdelay $0x1  }
0x274: {  	v16 =	vadd.f32 v17, v16;
	_ =	sdelay $0x1  }
0x275: {  	[tilespmem:s19+$0xFFFFFFEF] =	vst v16  }
0x276: {  	v16 =	vld [tilespmem:s18+$0x1C80]  }
0x277: {  	v17 =	vld [tilespmem:s18+$0x3C80]  }
0x278: {  	v52 =	vld [tilespmem:s18+$0x1CA0]  }
0x279: {  	v53 =	vld [tilespmem:s18+$0x3CA0]  }
0x27a: {  	v54 =	vld [tilespmem:s18+$0x1CB0]  }
0x27b: {  	v55 =	vld [tilespmem:s18+$0x3CB0]  }
0x27c: {  	v56 =	vld [tilespmem:s18+$0x1CC0]  }
0x27d: {  	v57 =	vld [tilespmem:s18+$0x3CC0]  }
0x27e: {  	v58 =	vld [tilespmem:s18+$0x1CE0]  }
0x27f: {  	v59 =	vld [tilespmem:s18+$0x3CE0]  }
0x280: {  	v60 =	vld [tilespmem:s18+$0x1CF0]  }
0x281: {  	v61 =	vld [tilespmem:s18+$0x3CF0]  }
0x282: {  	v62 =	vld [tilespmem:s18+$0x3C90]  }
0x283: {  	v63 =	vld [tilespmem:s18+$0x3CD0]  }
0x284: {  	v33 =	vld [tilespmem:s18+$0x1CD0]  }
0x285: {  	v34 =	vld [tilespmem:s18+$0x1C90];
	_ =	sdelay $0x1  }
0x286: {  	v16 =	vmul.f32 v17, v16;
	v17 =	vmul.f32 v53, v52  }
0x287: {  	v35 =	vmul.f32 v57, v56;
	v36 =	vmul.f32 v59, v58  }
0x288: {  	v37 =	vmul.f32 v63, v33;
	v38 =	vmul.f32 v61, v60  }
0x289: {  	v20 =	vmul.f32 v55, v54;
	v39 =	vmul.f32 v62, v34  }
0x28a: {  	v18 =	vadd.f32 v37, v35;
	v19 =	vadd.f32 v38, v36  }
0x28b: {  	v16 =	vadd.f32 v39, v16;
	v17 =	vadd.f32 v20, v17;
	_ =	sdelay $0x1  }
0x28c: {  	v16 =	vadd.f32 v17, v16;
	v17 =	vadd.f32 v19, v18;
	_ =	sdelay $0x1  }
0x28d: {  	v16 =	vadd.f32 v17, v16;
	_ =	sdelay $0x1  }
0x28e: {  	[tilespmem:s19+$0x0] =	vst v16  }
0x28f: {  	v16 =	vld.idx.msk [tilespmem:v0+s31+$0x0], $0xffff  }
0x290: {  	v17 =	vld.idx.msk [tilespmem:v1+s31+$0x0], $0xffff  }
0x291: {  	v40 =	vld.idx.msk [tilespmem:v2+s31+$0x0], $0xffff  }
0x292: {  	v41 =	vld.idx.msk [tilespmem:v3+s31+$0x0], $0xffff  }
0x293: {  	v42 =	vld.idx.msk [tilespmem:v4+s31+$0x0], $0xffff  }
0x294: {  	v43 =	vld.idx.msk [tilespmem:v5+s31+$0x0], $0xffff  }
0x295: {  	v44 =	vld.idx.msk [tilespmem:v6+s31+$0x0], $0xffff  }
0x296: {  	v45 =	vld.idx.msk [tilespmem:v7+s31+$0x0], $0xffff  }
0x297: {  	v46 =	vld.idx.msk [tilespmem:v8+s31+$0x0], $0xffff  }
0x298: {  	v47 =	vld.idx.msk [tilespmem:v9+s31+$0x0], $0xffff  }
0x299: {  	v48 =	vld.idx.msk [tilespmem:v10+s31+$0x0], $0xffff  }
0x29a: {  	v49 =	vld.idx.msk [tilespmem:v11+s31+$0x0], $0xffff  }
0x29b: {  	v50 =	vld.idx.msk [tilespmem:v12+s31+$0x0], $0xffff  }
0x29c: {  	v51 =	vld.idx.msk [tilespmem:v13+s31+$0x0], $0xffff  }
0x29d: {  	v52 =	vld.idx.msk [tilespmem:v14+s31+$0x0], $0xffff  }
0x29e: {  	v53 =	vld.idx.msk [tilespmem:v15+s31+$0x0], $0xffff;
	_ =	sdelay $0x1  }
0x29f: {  	v16 =	vadd.f32 v17, v16;
	v17 =	vadd.f32 v41, v40  }
0x2a0: {  	v54 =	vadd.f32 v43, v42;
	v55 =	vadd.f32 v45, v44  }
0x2a1: {  	v56 =	vadd.f32 v47, v46;
	v57 =	vadd.f32 v49, v48  }
0x2a2: {  	v58 =	vadd.f32 v51, v50;
	v59 =	vadd.f32 v53, v52  }
0x2a3: {  	v16 =	vadd.f32 v17, v16;
	v17 =	vadd.f32 v55, v54  }
0x2a4: {  	v60 =	vadd.f32 v57, v56;
	v61 =	vadd.f32 v59, v58  }
0x2a5: {  	v62 =	vld [tilespmem:$0x4580]  }
0x2a6: {  	v16 =	vadd.f32 v17, v16;
	v17 =	vadd.f32 v61, v60  }
0x2a7: {  	v63 =	vld [tilespmem:$0x4780]  }
0x2a8: {  	v16 =	vadd.f32 v17, v16;
	_ =	sdelay $0x1  }
0x2a9: {  	v16 =	vadd.f32 v16, v62;
	_ =	sdelay $0x1  }
0x2aa: {  	v16 =	vadd.f32 v16, v63;
	_ =	sdelay $0x1  }
0x2ab: {  	v16 =	vsub.f32 $0.0e+00, v16;
	_ =	sdelay $0x1  }
0x2ac: {  	v16 =	vmul.f32 $1.442695020e+00, v16;
	_ =	sdelay $0x1  }
0x2ad: {  	(erf) = vpow2.f32 v16;
	_ =	sdelay $0x8  }
0x2ae: {  	v16 =	vpop (erf)  }
0x2af: {  	v16 =	vadd.f32 $1.000000000e+00, v16;
	_ =	sdelay $0x1  }
0x2b0: {  	(erf) = vrcp.f32 v16;
	_ =	sdelay $0x5  }
.Ltmp6:
0x2b1: {  	_ = 	snop;
	(pc) =	sbr.rel @p0 .LBB2_12-.Ltmp6, $3  }
0x2b2: {  	_ =	sdelay $0x1  }
0x2b3: {  	v16 =	vpop (erf)  }
0x2b4: {  	[tilespmem:s17+$0x4830] =	vst v16  }
0x2b5: {  	v16 =	vld [tilespmem:s16+$0x70];
	_ =	sdelay $0x1  }
0x2b6: {  	v17 =	vld [tilespmem:s16+$0x270];
	_ =	sdelay $0x5  }
0x2b7: {  	[tilespmem:s25], [sflag:$0x4] =	stream.indirect_vreg.gather [hbm4b:s1+s6], $0x80, v16, vm0, $0xb8;
	[tilespmem:$0x4B80] =	vst v63  }
0x2b8: {  	_ = 	snop  }
0x2b9: {  	[tilespmem:s26], [sflag:$0x4] =	stream.indirect_vreg.gather [hbm4b:s2+s6], $0x80, v17, vm0, $0xb8;
	[tilespmem:$0x4B80] =	vst v63  }
.Ltmp7:
0x2ba: {  	_ = 	snop;
	(pc) =	sbr.rel .LBB2_2-.Ltmp7, $4  }
0x2bb: {  	_ = 	snop  }
0x2bc: {  	[tilespmem:s28], [sflag:$0x4] =	stream.indirect_vreg.gather [hbm4b:s3+s6], $0x1, v16, vm0, $0xb8;
	[tilespmem:$0x4B80] =	vst v63  }
0x2bd: {  	s15 =	sadd.s32 $0x1, s15  }
0x2be: {  	[tilespmem:s29], [sflag:$0x4] =	stream.indirect_vreg.gather [hbm4b:s4+s6], $0x1, v17, vm0, $0xb8;
	[tilespmem:$0x4B80] =	vst v63  }
.LBB2_13:
0x2bf: {  	_ =	sfence.sel $0x180000  }
0x2c0: {  	[bflag:$0x0] =	sbarrier.arrive $0xFFFF  }
0x2c1: {  	_ =	strace $0x90000047  }
0x2c2: {  	s0 =	stileid.u32;
	[bflag:$0x2] =	sbarrier.arrive $0xFFFF  }
0x2c3: {  	p0 =	sne.s32 s0, $0x0;
	s0 =	rddreg [dreg:$0x7]  }
0x2c4: {  	s0 =	sadd.s32 @!p0 $0x100000, s0  }
0x2c5: {  	[sflag:s0] =	ssyncadd.tile.s32 @!p0 $0x1;
	_ =	shalt  }
.Lfunc_end2:
_tile_overlayer_lowered:
.L_overlay_start_2:
0x2c6: {  	(tag) =	ssettag $0x2  }
0x2c7: {  	s0 =	rddreg [dreg:$0x0];
	s2 =	stileid.u32  }
0x2c8: {  	s1 =	rddreg [dreg:$0x1];
	p0 =	sne.s32 s2, $0x0  }
0x2c9: {  	s3 =	rddreg [dreg:$0x2];
	[bflag:$0x3] =	sbarrier.arrive $0xFFFF;
	s2 =	simm.s32 @!p0 $0x1C05  }
0x2ca: {  	[timem:s3], [sflag:s2] =	dma.local @!p0 [hbm:s0], s1  }
0x2cb: {  	s0 =	simm.s32 @!p0 $0x5  }
0x2cc: {  	_ =	swait.ge @!p0 [sflag:s0], s1  }
0x2cd: {  	s1 =	ssub.s32 @!p0 $0x0, s1;
	[sflag:s0] =	ssyncset.done @!p0 $0x0  }
0x2ce: {  	[sflag:s0] =	ssyncadd.s32 @!p0 s1  }
0x2cf: {  	[bflag:$0x3] =	sbarrier.arrive $0xFFFF  }
0x2d0: {  	_ =	shalt  }

</sc_bundles>
